<compile_context>
chip_gen: v7x
topology: tpu7x:2x2x1
jax: 0.10.2.dev20260603
libtpu: 0.0.44.dev20260713+nightly
codegen_flags: <defaults>
</compile_context>

<pallas_src>
import functools

import jax
import jax.numpy as jnp
from jax import lax
from jax.experimental import pallas as pl
from jax.experimental.pallas import tpu as pltpu
from jax.experimental.pallas import tpu_sc as plsc

N = 10000
E = 160000
D = 256
H = 256
HH = 128
NC = 2
NS = 16
NPAD = 10240
NROWS = 10240
EP = 163840
K = 128
CH0 = 40
CH1 = 40
HCP = 40
CHM = HCP
E0 = CH0 * NS * K
EPT_DEG = EP // (NC * NS)
NPT = NPAD // NS
NPT_H = NROWS // NS
BN = 2000

@functools.cache
def _get_sc_deg():
    mesh = plsc.VectorSubcoreMesh(core_axis_name="c", subcore_axis_name="s",
                                  num_cores=NC, num_subcores=NS)
    return pl.kernel(
        _sc_deg_body,
        out_type=jax.ShapeDtypeStruct((NC * NPAD,), jnp.float32),
        mesh=mesh,
        scratch_types=[
            pltpu.VMEM((NPAD,), jnp.float32),
            pltpu.VMEM((EPT_DEG,), jnp.int32),
            pltpu.VMEM((NPT,), jnp.float32),
            pltpu.VMEM((NPT,), jnp.float32),
            pltpu.VMEM_SHARED((NS * NPAD,), jnp.float32),
        ],
        compiler_params=pltpu.CompilerParams(needs_layout_passes=False),
    )


def _sc_deg_body(dst_hbm, deg_out, degl, dstv, acc, tmp, sh):
    c = lax.axis_index("c")
    s = lax.axis_index("s")
    w = c * NS + s

    def _zero(i, _):
        degl[pl.ds(i * 16, 16)] = jnp.zeros((16,), jnp.float32)
        return 0
    lax.fori_loop(0, NPAD // 16, _zero, 0)

    pltpu.sync_copy(dst_hbm.at[pl.ds(w * EPT_DEG, EPT_DEG)], dstv)
    ones = jnp.ones((16,), jnp.float32)

    def _count(i, _):
        idx = dstv[pl.ds(i * 16, 16)]
        plsc.addupdate_scatter(degl, [idx], ones)
        return 0
    lax.fori_loop(0, EPT_DEG // 16, _count, 0)

    pltpu.sync_copy(degl, sh.at[pl.ds(s * NPAD, NPAD)])
    plsc.subcore_barrier()

    colbase = s * NPT
    pltpu.sync_copy(sh.at[pl.ds(colbase, NPT)], acc)

    def _reduce(r, _):
        pltpu.sync_copy(sh.at[pl.ds(r * NPAD + colbase, NPT)], tmp)

        def _add(k, _):
            sl = pl.ds(k * 16, 16)
            acc[sl] = acc[sl] + tmp[sl]
            return 0
        lax.fori_loop(0, NPT // 16, _add, 0)
        return 0
    lax.fori_loop(1, NS, _reduce, 0)

    pltpu.sync_copy(acc, deg_out.at[pl.ds(c * NPAD + colbase, NPT)])


@functools.cache
def _get_sc_hop():
    mesh = plsc.VectorSubcoreMesh(core_axis_name="c", subcore_axis_name="s",
                                  num_cores=NC, num_subcores=NS)
    return pl.kernel(
        _sc_hop_body,
        out_type=jax.ShapeDtypeStruct((NC, NROWS, 2, HH), jnp.bfloat16),
        mesh=mesh,
        scratch_types=[
            pltpu.VMEM((CHM * K,), jnp.int32),
            pltpu.VMEM((CHM, K), jnp.int32),
            pltpu.VMEM((K, 2, HH), jnp.bfloat16),
            pltpu.VMEM((K, 2, HH), jnp.bfloat16),
            pltpu.VMEM_SHARED((NROWS, 2, HH), jnp.bfloat16),
            pltpu.SemaphoreType.DMA,
            pltpu.SemaphoreType.DMA,
            pltpu.SemaphoreType.DMA,
            pltpu.SemaphoreType.DMA,
        ],
        compiler_params=pltpu.CompilerParams(needs_layout_passes=False,
                                             use_tc_tiling_on_sc=False),
    )


def _sc_hop_body(xs_hbm, src_hbm, dst2_hbm, out_hbm,
                 srcv, dstv, r0, r1, agg, sg0, sg1, ss0, ss1):
    c = lax.axis_index("c")
    s = lax.axis_index("s")

    def _zrow(i, _):
        r = i // (H // 32)
        m = i % (H // 32)
        r0[r, m // (HH // 32), pl.ds((m % (HH // 32)) * 32, 32)] = (
            jnp.zeros((32,), jnp.bfloat16))
        return 0
    lax.fori_loop(0, K * (H // 32), _zrow, 0)

    def _zcopy(b, _):
        pltpu.sync_copy(r0, agg.at[pl.ds(s * NPT_H + b * K, K)])
        return 0
    lax.fori_loop(0, NPT_H // K, _zcopy, 0)
    rem = NPT_H % K
    if rem:
        pltpu.sync_copy(r0.at[pl.ds(0, rem)],
                        agg.at[pl.ds(s * NPT_H + (NPT_H // K) * K, rem)])
    plsc.subcore_barrier()

    def _run(ch, ebase, rowbase):
        if not ch:
            return
        for ph in range(ch // HCP):
            pltpu.sync_copy(
                src_hbm.at[pl.ds(ebase + (s * ch + ph * HCP) * K, HCP * K)],
                srcv)
            pltpu.sync_copy(
                dst2_hbm.at[pl.ds(rowbase + s * ch + ph * HCP, HCP)], dstv)

            pltpu.async_copy(xs_hbm.at[srcv.at[pl.ds(0, K)]], r0, sg0)

            def _body(jj, _):
                j0 = 2 * jj
                j1 = j0 + 1
                @pl.when(jj >= 1)
                def _():
                    pltpu.make_async_copy(r1, agg.at[dstv.at[j0 - 1]],
                                          ss1).wait()
                pltpu.async_copy(xs_hbm.at[srcv.at[pl.ds(j1 * K, K)]], r1, sg1)
                pltpu.make_async_copy(xs_hbm.at[srcv.at[pl.ds(j0 * K, K)]], r0,
                                      sg0).wait()
                pltpu.async_copy(r0, agg.at[dstv.at[j0]], ss0, add=True)
                pltpu.make_async_copy(r0, agg.at[dstv.at[j0]], ss0).wait()
                @pl.when(j1 + 1 < HCP)
                def _():
                    pltpu.async_copy(xs_hbm.at[srcv.at[pl.ds((j1 + 1) * K, K)]],
                                     r0, sg0)
                pltpu.make_async_copy(xs_hbm.at[srcv.at[pl.ds(j1 * K, K)]], r1,
                                      sg1).wait()
                pltpu.async_copy(r1, agg.at[dstv.at[j1]], ss1, add=True)
                return 0

            lax.fori_loop(0, HCP // 2, _body, 0)
            pltpu.make_async_copy(r1, agg.at[dstv.at[HCP - 1]], ss1).wait()

    @pl.when(c == 0)
    def _():
        _run(CH0, 0, 0)

    @pl.when(c == 1)
    def _():
        _run(CH1, E0, E0 // K)

    plsc.subcore_barrier()

    pltpu.sync_copy(agg.at[pl.ds(s * NPT_H, NPT_H)],
                    out_hbm.at[c, pl.ds(s * NPT_H, NPT_H)])


def _gru(gi, gh, hprev):
    ir, iz, inn = gi[:, :H], gi[:, H:2 * H], gi[:, 2 * H:]
    hr, hz, hn = gh[:, :H], gh[:, H:2 * H], gh[:, 2 * H:]
    r = jax.nn.sigmoid(ir + hr)
    z = jax.nn.sigmoid(iz + hz)
    n = jnp.tanh(inn + r * hn)
    return (1.0 - z) * n + z * hprev


def _invdeg(deg2):
    p = deg2[0] + deg2[1]
    return lax.rsqrt(jnp.maximum(p, 1.0))


def _tc_init_body(emb, whi, bhi, wiht, bih, bhh, deg2, h1, xs):
    x0 = jnp.dot(emb[...].astype(jnp.bfloat16), whi[...],
                 preferred_element_type=jnp.float32) + bhi[...]
    gi = jnp.dot(x0.astype(jnp.bfloat16), wiht[...],
                 preferred_element_type=jnp.float32) + bih[...]
    gh = jnp.broadcast_to(bhh[...], gi.shape)
    h = _gru(gi, gh, 0.0)
    h1[...] = h
    xs[...] = (h * _invdeg(deg2)).astype(jnp.bfloat16)


def _tc_hop_body(aggr, deg2, hprev, w, b, wiht, whht, bih, bhh, hout, xsout):
    invd = _invdeg(deg2)
    agg = ((aggr[0].astype(jnp.float32) + aggr[1].astype(jnp.float32))
           * invd).astype(jnp.bfloat16)
    g = jnp.maximum(
        jnp.dot(agg, w[...], preferred_element_type=jnp.float32) + b[...], 0.0)
    gi = jnp.dot(g.astype(jnp.bfloat16), wiht[...],
                 preferred_element_type=jnp.float32) + bih[...]
    gh = jnp.dot(hprev[...].astype(jnp.bfloat16), whht[...],
                 preferred_element_type=jnp.float32) + bhh[...]
    h = _gru(gi, gh, hprev[...])
    hout[...] = h
    xsout[...] = (h * invd).astype(jnp.bfloat16)


def _full(shape):
    return pl.BlockSpec(shape, lambda i: tuple(0 for _ in shape))


_tc_init = pl.pallas_call(
    _tc_init_body,
    grid=(N // BN,),
    in_specs=[
        pl.BlockSpec((BN, D), lambda i: (i, 0)),
        _full((D, H)),
        _full((1, H)),
        _full((H, 3 * H)),
        _full((1, 3 * H)),
        _full((1, 3 * H)),
        pl.BlockSpec((NC, BN, 1), lambda i: (0, i, 0)),
    ],
    out_specs=[
        pl.BlockSpec((BN, H), lambda i: (i, 0)),
        pl.BlockSpec((BN, H), lambda i: (i, 0)),
    ],
    out_shape=[
        jax.ShapeDtypeStruct((N, H), jnp.float32),
        jax.ShapeDtypeStruct((N, H), jnp.bfloat16),
    ],
)

_tc_hop = pl.pallas_call(
    _tc_hop_body,
    grid=(N // BN,),
    in_specs=[
        pl.BlockSpec((NC, BN, H), lambda i: (0, i, 0)),
        pl.BlockSpec((NC, BN, 1), lambda i: (0, i, 0)),
        pl.BlockSpec((BN, H), lambda i: (i, 0)),
        _full((H, H)),
        _full((1, H)),
        _full((H, 3 * H)),
        _full((H, 3 * H)),
        _full((1, 3 * H)),
        _full((1, 3 * H)),
    ],
    out_specs=[
        pl.BlockSpec((BN, H), lambda i: (i, 0)),
        pl.BlockSpec((BN, H), lambda i: (i, 0)),
    ],
    out_shape=[
        jax.ShapeDtypeStruct((N, H), jnp.float32),
        jax.ShapeDtypeStruct((N, H), jnp.bfloat16),
    ],
)


def kernel(embedded_nodes, edges, W_hi, b_hi, W_ih, W_hh, b_ih, b_hh,
           W0, b0, W1, b1, W2, b2):
    src = edges[0]
    dst = edges[1]
    pad = EP - E
    srcp = jnp.concatenate([src, jnp.arange(pad, dtype=jnp.int32) % N])
    junk = N + jnp.arange(pad, dtype=jnp.int32) % (NROWS - N)
    dstp = jnp.concatenate([dst, junk])
    wiht = W_ih.T.astype(jnp.bfloat16)
    whht = W_hh.T.astype(jnp.bfloat16)
    bih = b_ih[None]
    bhh = b_hh[None]
    bhi = b_hi[None]
    W_hi = W_hi.astype(jnp.bfloat16)

    deg2 = _get_sc_deg()(dstp)
    deg2 = deg2.reshape(NC, NPAD)[:, :N, None]

    h, xs = _tc_init(embedded_nodes, W_hi, bhi, wiht, bih, bhh, deg2)
    sc_hop = _get_sc_hop()
    dst2 = dstp.reshape(EP // K, K)
    for (W, b) in ((W0.astype(jnp.bfloat16), b0),
                   (W1.astype(jnp.bfloat16), b1),
                   (W2.astype(jnp.bfloat16), b2)):
        aggr = sc_hop(xs.reshape(N, 2, HH), srcp, dst2)
        aggr = aggr.reshape(NC, NROWS, H)
        h, xs = _tc_hop(aggr, deg2, h, W, b[None], wiht, whht, bih, bhh)
    return h

# --- scband reference (transcript-rebuilt; emitter-appended) ---
"""Pipeline reference for scband-gcnencoder-47021301957297 (READ-ONLY COPY).

The authoritative reference and input builder live on the scoring server;
editing this copy changes nothing except your own understanding.
"""

import jax, jax.numpy as jnp
import numpy as np

N = 10000
E = 160000
D = 256   # embedding_size
H = 256   # gcn_hidden_size == hidden_size
NUM_HOPS = 3


def setup_inputs(seed: int = 0) -> dict:
    key = jax.random.key(seed)
    ks = jax.random.split(key, 20)
    s = 0.02
    inp = {}
    inp["embedded_nodes"] = jax.random.normal(ks[0], (N, D), dtype=jnp.float32)
    inp["edges"] = jax.random.randint(ks[1], (2, E), 0, N, dtype=jnp.int32)
    # hidden_init: Linear(embedding_size -> gcn_hidden_size)
    inp["W_hi"] = jax.random.normal(ks[2], (D, H), dtype=jnp.float32) * s
    inp["b_hi"] = jnp.zeros((H,), dtype=jnp.float32)
    # GRUCell(input=gcn_hidden_size, hidden=hidden_size)
    inp["W_ih"] = jax.random.normal(ks[3], (3 * H, H), dtype=jnp.float32) * s
    inp["W_hh"] = jax.random.normal(ks[4], (3 * H, H), dtype=jnp.float32) * s
    inp["b_ih"] = jnp.zeros((3 * H,), dtype=jnp.float32)
    inp["b_hh"] = jnp.zeros((3 * H,), dtype=jnp.float32)
    # GCN layers (gcn_hidden_size -> gcn_hidden_size), num_hops of them
    for i in range(NUM_HOPS):
        inp[f"W{i}"] = jax.random.normal(ks[5 + 2 * i], (H, H), dtype=jnp.float32) * s
        inp[f"b{i}"] = jnp.zeros((H,), dtype=jnp.float32)
    return inp


def gru_cell(x, h, W_ih, W_hh, b_ih, b_hh):
    gi = x @ W_ih.T + b_ih
    gh = h @ W_hh.T + b_hh
    i_r, i_z, i_n = jnp.split(gi, 3, axis=1)
    h_r, h_z, h_n = jnp.split(gh, 3, axis=1)
    r = jax.nn.sigmoid(i_r + h_r)
    z = jax.nn.sigmoid(i_z + h_z)
    n = jnp.tanh(i_n + r * h_n)
    return (1.0 - z) * n + z * h


def gcn_layer(x, src, dst, W, b):
    n = x.shape[0]
    deg = jnp.zeros((n,), x.dtype).at[dst].add(1.0)
    deg = jnp.maximum(deg, 1.0)
    norm = jax.lax.rsqrt(deg[src] * deg[dst])
    msg = x[src] * norm[:, None]          # gather
    agg = jnp.zeros_like(x).at[dst].add(msg)  # scatter-add
    return jax.nn.relu(agg @ W + b)


def reference(embedded_nodes, edges, W_hi, b_hi, W_ih, W_hh, b_ih, b_hh,
              W0, b0, W1, b1, W2, b2):
    src, dst = edges[0], edges[1]
    h0 = jnp.zeros((embedded_nodes.shape[0], H), embedded_nodes.dtype)
    ast_enc = gru_cell(embedded_nodes @ W_hi + b_hi, h0, W_ih, W_hh, b_ih, b_hh)
    h_prev = ast_enc
    for (W, b) in ((W0, b0), (W1, b1), (W2, b2)):
        ast_enc = gcn_layer(ast_enc, src, dst, W, b)
        ast_enc = gru_cell(ast_enc, h_prev, W_ih, W_hh, b_ih, b_hh)
        h_prev = ast_enc
    return ast_enc

if __name__ == "__main__":
    import jax
    _d = setup_inputs()
    print(jax.jit(kernel)(*tuple(_d.values())))

</pallas_src>

<mosaic_0001>
#map = affine_map<(d0, d1) -> (0, 0, 0)>
#map1 = affine_map<(d0, d1) -> (0)>
#map2 = affine_map<(d0, d1) -> (0, 0)>
#map3 = affine_map<(d0, d1) -> (0, 0, 0, 0)>
module attributes {stable_mosaic.version = 14 : i64} {
  func.func @_sc_hop_body(%arg0: i32, %arg1: i32, %arg2: memref<10000x2x128xbf16, #tpu.memory_space<hbm>>, %arg3: memref<163840xi32, #tpu.memory_space<hbm>>, %arg4: memref<1280x128xi32, #tpu.memory_space<hbm>>, %arg5: memref<2x10240x2x128xbf16, #tpu.memory_space<hbm>>, %arg6: memref<5120xi32, #tpu.memory_space<vmem>>, %arg7: memref<40x128xi32, #tpu.memory_space<vmem>>, %arg8: memref<128x2x128xbf16, #tpu.memory_space<vmem>>, %arg9: memref<128x2x128xbf16, #tpu.memory_space<vmem>>, %arg10: memref<10240x2x128xbf16, #tpu.memory_space<vmem_shared>>, %arg11: memref<!tpu.dma_semaphore, #tpu.memory_space<semaphore_mem>>, %arg12: memref<!tpu.dma_semaphore, #tpu.memory_space<semaphore_mem>>, %arg13: memref<!tpu.dma_semaphore, #tpu.memory_space<semaphore_mem>>, %arg14: memref<!tpu.dma_semaphore, #tpu.memory_space<semaphore_mem>>) attributes {dimension_semantics = [#tpu.dimension_semantics<core_parallel>, #tpu.dimension_semantics<subcore_parallel>], iteration_bounds = array<i64: 2, 16>, scalar_prefetch = 0 : i64, scratch_operands = 9 : i64, tpu.core_type = #tpu.core_type<sc_vector_subcore>, window_params = [{transform_indices = #map}, {transform_indices = #map1}, {transform_indices = #map2}, {transform_indices = #map3}]} {
    %scan3A = arith.constant 0 : i32
    %scan3A_0 = arith.constant 0 : i32
    %scan3A_1 = arith.constant 1024 : i32
    %scan3A_2 = arith.addi %scan3A_0, %scan3A_1 : i32
    %scan3A_3 = arith.constant 1 : i32
    %scan3A_4 = scf.for %scan3A_24 = %scan3A_0 to %scan3A_2 step %scan3A_3 iter_args(%scan3A_25 = %scan3A) -> (i32)  : i32 {
      %jit3A = arith.constant 8 : i32
      %div3A = arith.divsi %scan3A_24, %jit3A : i32
      %sign3A = arith.constant 0 : i32
      %sign3A_26 = arith.cmpi sgt, %scan3A_24, %sign3A : i32
      %sign3A_27 = arith.extui %sign3A_26 : i1 to i32
      %sign3A_28 = arith.constant 0 : i32
      %sign3A_29 = arith.cmpi slt, %scan3A_24, %sign3A_28 : i32
      %sign3A_30 = arith.extui %sign3A_29 : i1 to i32
      %sign3A_31 = arith.subi %sign3A_27, %sign3A_30 : i32
      %sign3A_32 = arith.constant 0 : i32
      %sign3A_33 = arith.cmpi sgt, %jit3A, %sign3A_32 : i32
      %sign3A_34 = arith.extui %sign3A_33 : i1 to i32
      %sign3A_35 = arith.constant 0 : i32
      %sign3A_36 = arith.cmpi slt, %jit3A, %sign3A_35 : i32
      %sign3A_37 = arith.extui %sign3A_36 : i1 to i32
      %sign3A_38 = arith.subi %sign3A_34, %sign3A_37 : i32
      %ne3A = arith.cmpi ne, %sign3A_31, %sign3A_38 : i32
      %rem3A = arith.remsi %scan3A_24, %jit3A : i32
      %ne3A_39 = arith.constant 0 : i32
      %ne3A_40 = arith.cmpi ne, %rem3A, %ne3A_39 : i32
      %and3A = arith.andi %ne3A, %ne3A_40 : i1
      %sub3A = arith.constant 1 : i32
      %sub3A_41 = arith.subi %div3A, %sub3A : i32
      %select_n3A = arith.select %and3A, %sub3A_41, %div3A : i32
      %jit3A_42 = arith.constant 8 : i32
      %eq3A_43 = arith.constant 0 : i32
      %eq3A_44 = arith.cmpi eq, %jit3A_42, %eq3A_43 : i32
      %jit3A_45 = arith.constant 1 : i32
      %select_n3A_46 = arith.select %eq3A_44, %jit3A_45, %jit3A_42 : i32
      %rem3A_47 = arith.remsi %scan3A_24, %select_n3A_46 : i32
      %ne3A_48 = arith.constant 0 : i32
      %ne3A_49 = arith.cmpi ne, %rem3A_47, %ne3A_48 : i32
      %lt3A = arith.constant 0 : i32
      %lt3A_50 = arith.cmpi slt, %rem3A_47, %lt3A : i32
      %lt3A_51 = arith.constant 0 : i32
      %lt3A_52 = arith.cmpi slt, %select_n3A_46, %lt3A_51 : i32
      %ne3A_53 = arith.xori %lt3A_50, %lt3A_52 : i1
      %and3A_54 = arith.andi %ne3A_53, %ne3A_49 : i1
      %add3A = arith.addi %rem3A_47, %select_n3A_46 : i32
      %select_n3A_55 = arith.select %and3A_54, %add3A, %rem3A_47 : i32
      %broadcast_in_dim3A = arith.constant 0.000000e+00 : bf16
      %broadcast_in_dim3A_56 = vector.broadcast %broadcast_in_dim3A : bf16 to vector<32xbf16>
      %jit3A_57 = arith.constant 4 : i32
      %div3A_58 = arith.divsi %select_n3A_55, %jit3A_57 : i32
      %sign3A_59 = arith.constant 0 : i32
      %sign3A_60 = arith.cmpi sgt, %select_n3A_55, %sign3A_59 : i32
      %sign3A_61 = arith.extui %sign3A_60 : i1 to i32
      %sign3A_62 = arith.constant 0 : i32
      %sign3A_63 = arith.cmpi slt, %select_n3A_55, %sign3A_62 : i32
      %sign3A_64 = arith.extui %sign3A_63 : i1 to i32
      %sign3A_65 = arith.subi %sign3A_61, %sign3A_64 : i32
      %sign3A_66 = arith.constant 0 : i32
      %sign3A_67 = arith.cmpi sgt, %jit3A_57, %sign3A_66 : i32
      %sign3A_68 = arith.extui %sign3A_67 : i1 to i32
      %sign3A_69 = arith.constant 0 : i32
      %sign3A_70 = arith.cmpi slt, %jit3A_57, %sign3A_69 : i32
      %sign3A_71 = arith.extui %sign3A_70 : i1 to i32
      %sign3A_72 = arith.subi %sign3A_68, %sign3A_71 : i32
      %ne3A_73 = arith.cmpi ne, %sign3A_65, %sign3A_72 : i32
      %rem3A_74 = arith.remsi %select_n3A_55, %jit3A_57 : i32
      %ne3A_75 = arith.constant 0 : i32
      %ne3A_76 = arith.cmpi ne, %rem3A_74, %ne3A_75 : i32
      %and3A_77 = arith.andi %ne3A_73, %ne3A_76 : i1
      %sub3A_78 = arith.constant 1 : i32
      %sub3A_79 = arith.subi %div3A_58, %sub3A_78 : i32
      %select_n3A_80 = arith.select %and3A_77, %sub3A_79, %div3A_58 : i32
      %jit3A_81 = arith.constant 4 : i32
      %eq3A_82 = arith.constant 0 : i32
      %eq3A_83 = arith.cmpi eq, %jit3A_81, %eq3A_82 : i32
      %jit3A_84 = arith.constant 1 : i32
      %select_n3A_85 = arith.select %eq3A_83, %jit3A_84, %jit3A_81 : i32
      %rem3A_86 = arith.remsi %select_n3A_55, %select_n3A_85 : i32
      %ne3A_87 = arith.constant 0 : i32
      %ne3A_88 = arith.cmpi ne, %rem3A_86, %ne3A_87 : i32
      %lt3A_89 = arith.constant 0 : i32
      %lt3A_90 = arith.cmpi slt, %rem3A_86, %lt3A_89 : i32
      %lt3A_91 = arith.constant 0 : i32
      %lt3A_92 = arith.cmpi slt, %select_n3A_85, %lt3A_91 : i32
      %ne3A_93 = arith.xori %lt3A_90, %lt3A_92 : i1
      %and3A_94 = arith.andi %ne3A_93, %ne3A_88 : i1
      %add3A_95 = arith.addi %rem3A_86, %select_n3A_85 : i32
      %select_n3A_96 = arith.select %and3A_94, %add3A_95, %rem3A_86 : i32
      %mul3A_97 = arith.constant 32 : i32
      %mul3A_98 = arith.muli %select_n3A_96, %mul3A_97 : i32
      %swap3A = arith.index_cast %select_n3A : i32 to index
      %swap3A_99 = arith.index_cast %select_n3A_80 : i32 to index
      %swap3A_100 = arith.index_cast %mul3A_98 : i32 to index
      %swap3A_101 = tpu.vector_load %arg8[%swap3A, %swap3A_99, %swap3A_100] {strides = array<i32>} : memref<128x2x128xbf16, #tpu.memory_space<vmem>>, vector<32xbf16>,
      tpu.vector_store %arg8[%swap3A, %swap3A_99, %swap3A_100], %broadcast_in_dim3A_56 {strides = array<i32>} : memref<128x2x128xbf16, #tpu.memory_space<vmem>>, vector<32xbf16>,
      %scan3A_102 = arith.constant 0 : i32
      scf.yield %scan3A_102 : i32
    }
    %scan3A_5 = arith.constant 1024 : i32
    %scan3A_6 = arith.constant 0 : i32
    %scan3A_7 = arith.constant 0 : i32
    %scan3A_8 = arith.constant 5 : i32
    %scan3A_9 = arith.addi %scan3A_7, %scan3A_8 : i32
    %scan3A_10 = arith.constant 1 : i32
    %scan3A_11 = scf.for %scan3A_24 = %scan3A_7 to %scan3A_9 step %scan3A_10 iter_args(%scan3A_25 = %scan3A_6) -> (i32)  : i32 {
      %mul3A_26 = arith.constant 640 : i32
      %mul3A_27 = arith.muli %arg1, %mul3A_26 : i32
      %mul3A_28 = arith.constant 128 : i32
      %mul3A_29 = arith.muli %scan3A_24, %mul3A_28 : i32
      %add3A = arith.addi %mul3A_27, %mul3A_29 : i32
      "tpu.region"() ({
        %run_scoped3A = tpu.sem_alloc : memref<!tpu.dma_semaphore, #tpu.memory_space<semaphore_mem>>
        %dma_start3A = arith.constant 0 : i32
        %dma_start3A_31 = arith.constant 0 : i32
        %dma_start3A_32 = tpu.memref_slice %arg10[%add3A, %dma_start3A, %dma_start3A_31] : memref<10240x2x128xbf16, #tpu.memory_space<vmem_shared>> -> memref<128x2x128xbf16, #tpu.memory_space<vmem_shared>>
        %dma_start3A_33 = arith.constant 0 : i32
        %dma_start3A_34 = arith.constant 0 : i32
        %dma_start3A_35 = tpu.memref_slice %arg10[%add3A, %dma_start3A_33, %dma_start3A_34] : memref<10240x2x128xbf16, #tpu.memory_space<vmem_shared>> -> memref<128x2x128xbf16, #tpu.memory_space<vmem_shared>>
        tpu.enqueue_dma source(%arg8 : memref<128x2x128xbf16, #tpu.memory_space<vmem>>) target(%dma_start3A_35 : memref<128x2x128xbf16, #tpu.memory_space<vmem_shared>>) target_semaphore(%run_scoped3A : memref<!tpu.dma_semaphore, #tpu.memory_space<semaphore_mem>>)
        %dma_wait3A = arith.constant 0 : i32
        %dma_wait3A_36 = arith.constant 0 : i32
        %dma_wait3A_37 = tpu.memref_slice %arg10[%add3A, %dma_wait3A, %dma_wait3A_36] : memref<10240x2x128xbf16, #tpu.memory_space<vmem_shared>> -> memref<128x2x128xbf16, #tpu.memory_space<vmem_shared>>
        %dma_wait3A_38 = arith.constant 0 : i32
        %dma_wait3A_39 = arith.constant 0 : i32
        %dma_wait3A_40 = tpu.memref_slice %arg10[%add3A, %dma_wait3A_38, %dma_wait3A_39] : memref<10240x2x128xbf16, #tpu.memory_space<vmem_shared>> -> memref<128x2x128xbf16, #tpu.memory_space<vmem_shared>>
        tpu.wait_dma2 semaphore(%run_scoped3A : memref<!tpu.dma_semaphore, #tpu.memory_space<semaphore_mem>>) src(%arg8 : memref<128x2x128xbf16, #tpu.memory_space<vmem>>) dst(%dma_wait3A_40 : memref<128x2x128xbf16, #tpu.memory_space<vmem_shared>>)
        tpu.yield
      }) : () -> ()
      %scan3A_30 = arith.constant 0 : i32
      scf.yield %scan3A_30 : i32
    }
    %scan3A_12 = arith.constant 5 : i32
    %barrier3A = arith.constant 0 : index
    tpu.barrier barrier_id(%barrier3A)
    %eq3A = arith.constant 0 : i32
    %eq3A_13 = arith.cmpi eq, %arg0, %eq3A : i32
    %convert_element_type3A = arith.extui %eq3A_13 : i1 to i32
    %cond3A = arith.constant 0 : i32
    %cond3A_14 = arith.cmpi ne, %convert_element_type3A, %cond3A : i32
    scf.if %cond3A_14 {
      %mul3A_24 = arith.constant 40 : i32
      %mul3A_25 = arith.muli %arg1, %mul3A_24 : i32
      %add3A = arith.constant 0 : i32
      %add3A_26 = arith.addi %mul3A_25, %add3A : i32
      %mul3A_27 = arith.constant 128 : i32
      %mul3A_28 = arith.muli %add3A_26, %mul3A_27 : i32
      %add3A_29 = arith.constant 0 : i32
      %add3A_30 = arith.addi %add3A_29, %mul3A_28 : i32
      "tpu.region"() ({
        %run_scoped3A = tpu.sem_alloc : memref<!tpu.dma_semaphore, #tpu.memory_space<semaphore_mem>>
        %dma_start3A_56 = tpu.memref_slice %arg3[%add3A_30] : memref<163840xi32, #tpu.memory_space<hbm>> -> memref<5120xi32, #tpu.memory_space<hbm>>
        %dma_start3A_57 = tpu.memref_slice %arg3[%add3A_30] : memref<163840xi32, #tpu.memory_space<hbm>> -> memref<5120xi32, #tpu.memory_space<hbm>>
        tpu.enqueue_dma source(%dma_start3A_57 : memref<5120xi32, #tpu.memory_space<hbm>>) target(%arg6 : memref<5120xi32, #tpu.memory_space<vmem>>) target_semaphore(%run_scoped3A : memref<!tpu.dma_semaphore, #tpu.memory_space<semaphore_mem>>)
        %dma_wait3A_58 = tpu.memref_slice %arg3[%add3A_30] : memref<163840xi32, #tpu.memory_space<hbm>> -> memref<5120xi32, #tpu.memory_space<hbm>>
        %dma_wait3A_59 = tpu.memref_slice %arg3[%add3A_30] : memref<163840xi32, #tpu.memory_space<hbm>> -> memref<5120xi32, #tpu.memory_space<hbm>>
        tpu.wait_dma2 semaphore(%run_scoped3A : memref<!tpu.dma_semaphore, #tpu.memory_space<semaphore_mem>>) src(%dma_wait3A_59 : memref<5120xi32, #tpu.memory_space<hbm>>) dst(%arg6 : memref<5120xi32, #tpu.memory_space<vmem>>)
        tpu.yield
      }) : () -> ()
      %mul3A_31 = arith.constant 40 : i32
      %mul3A_32 = arith.muli %arg1, %mul3A_31 : i32
      %add3A_33 = arith.constant 0 : i32
      %add3A_34 = arith.addi %add3A_33, %mul3A_32 : i32
      %add3A_35 = arith.constant 0 : i32
      %add3A_36 = arith.addi %add3A_34, %add3A_35 : i32
      "tpu.region"() ({
        %run_scoped3A = tpu.sem_alloc : memref<!tpu.dma_semaphore, #tpu.memory_space<semaphore_mem>>
        %dma_start3A_56 = arith.constant 0 : i32
        %dma_start3A_57 = tpu.memref_slice %arg4[%add3A_36, %dma_start3A_56] : memref<1280x128xi32, #tpu.memory_space<hbm>> -> memref<40x128xi32, #tpu.memory_space<hbm>>
        %dma_start3A_58 = arith.constant 0 : i32
        %dma_start3A_59 = tpu.memref_slice %arg4[%add3A_36, %dma_start3A_58] : memref<1280x128xi32, #tpu.memory_space<hbm>> -> memref<40x128xi32, #tpu.memory_space<hbm>>
        tpu.enqueue_dma source(%dma_start3A_59 : memref<40x128xi32, #tpu.memory_space<hbm>>) target(%arg7 : memref<40x128xi32, #tpu.memory_space<vmem>>) target_semaphore(%run_scoped3A : memref<!tpu.dma_semaphore, #tpu.memory_space<semaphore_mem>>)
        %dma_wait3A_60 = arith.constant 0 : i32
        %dma_wait3A_61 = tpu.memref_slice %arg4[%add3A_36, %dma_wait3A_60] : memref<1280x128xi32, #tpu.memory_space<hbm>> -> memref<40x128xi32, #tpu.memory_space<hbm>>
        %dma_wait3A_62 = arith.constant 0 : i32
        %dma_wait3A_63 = tpu.memref_slice %arg4[%add3A_36, %dma_wait3A_62] : memref<1280x128xi32, #tpu.memory_space<hbm>> -> memref<40x128xi32, #tpu.memory_space<hbm>>
        tpu.wait_dma2 semaphore(%run_scoped3A : memref<!tpu.dma_semaphore, #tpu.memory_space<semaphore_mem>>) src(%dma_wait3A_63 : memref<40x128xi32, #tpu.memory_space<hbm>>) dst(%arg7 : memref<40x128xi32, #tpu.memory_space<vmem>>)
        tpu.yield
      }) : () -> ()
      %dma_start3A = arith.constant 0 : i32
      %dma_start3A_37 = tpu.memref_slice %arg6[%dma_start3A] : memref<5120xi32, #tpu.memory_space<vmem>> -> memref<128xi32, #tpu.memory_space<vmem>>
      %dma_start3A_38 = arith.constant 0 : i32
      %dma_start3A_39 = arith.constant 0 : i32
      %dma_start3A_40 = arith.constant 0 : i32
      %dma_start3A_41 = tpu.memref_slice %arg2[%dma_start3A_38, %dma_start3A_39, %dma_start3A_40] : memref<10000x2x128xbf16, #tpu.memory_space<hbm>> -> memref<10000x2x128xbf16, #tpu.memory_space<hbm>>
      tpu.enqueue_indirect_dma source(%dma_start3A_41 : memref<10000x2x128xbf16, #tpu.memory_space<hbm>>) target(%arg8 : memref<128x2x128xbf16, #tpu.memory_space<vmem>>) offsets(%dma_start3A_37 : memref<128xi32, #tpu.memory_space<vmem>>) semaphore(%arg11 : memref<!tpu.dma_semaphore, #tpu.memory_space<semaphore_mem>>)
      %scan3A_42 = arith.constant 0 : i32
      %scan3A_43 = arith.constant 0 : i32
      %scan3A_44 = arith.constant 20 : i32
      %scan3A_45 = arith.addi %scan3A_43, %scan3A_44 : i32
      %scan3A_46 = arith.constant 1 : i32
      %scan3A_47 = scf.for %scan3A_56 = %scan3A_43 to %scan3A_45 step %scan3A_46 iter_args(%scan3A_57 = %scan3A_42) -> (i32)  : i32 {
        %mul3A_58 = arith.constant 2 : i32
        %mul3A_59 = arith.muli %mul3A_58, %scan3A_56 : i32
        %add3A_60 = arith.constant 1 : i32
        %add3A_61 = arith.addi %mul3A_59, %add3A_60 : i32
        %ge3A = arith.constant 1 : i32
        %ge3A_62 = arith.cmpi sge, %scan3A_56, %ge3A : i32
        %convert_element_type3A_63 = arith.extui %ge3A_62 : i1 to i32
        %cond3A_64 = arith.constant 0 : i32
        %cond3A_65 = arith.cmpi ne, %convert_element_type3A_63, %cond3A_64 : i32
        scf.if %cond3A_65 {
          %sub3A = arith.constant 1 : i32
          %sub3A_115 = arith.subi %mul3A_59, %sub3A : i32
          %dma_wait3A_116 = arith.constant 0 : i32
          %dma_wait3A_117 = tpu.memref_slice %arg7[%sub3A_115, %dma_wait3A_116] : memref<40x128xi32, #tpu.memory_space<vmem>> -> memref<1x128xi32, #tpu.memory_space<vmem>>
          %dma_wait3A_118 = tpu.memref_squeeze %dma_wait3A_117 : memref<1x128xi32, #tpu.memory_space<vmem>> -> memref<128xi32, #tpu.memory_space<vmem>>
          %dma_wait3A_119 = arith.constant 0 : i32
          %dma_wait3A_120 = arith.constant 0 : i32
          %dma_wait3A_121 = arith.constant 0 : i32
          %dma_wait3A_122 = tpu.memref_slice %arg10[%dma_wait3A_119, %dma_wait3A_120, %dma_wait3A_121] : memref<10240x2x128xbf16, #tpu.memory_space<vmem_shared>> -> memref<10240x2x128xbf16, #tpu.memory_space<vmem_shared>>
          tpu.wait_indirect_dma semaphore(%arg14 : memref<!tpu.dma_semaphore, #tpu.memory_space<semaphore_mem>>) src(%arg9 : memref<128x2x128xbf16, #tpu.memory_space<vmem>>) dst(%dma_wait3A_122 : memref<10240x2x128xbf16, #tpu.memory_space<vmem_shared>>)
        } else {
        }
        %mul3A_66 = arith.constant 128 : i32
        %mul3A_67 = arith.muli %add3A_61, %mul3A_66 : i32
        %dma_start3A_68 = tpu.memref_slice %arg6[%mul3A_67] : memref<5120xi32, #tpu.memory_space<vmem>> -> memref<128xi32, #tpu.memory_space<vmem>>
        %dma_start3A_69 = arith.constant 0 : i32
        %dma_start3A_70 = arith.constant 0 : i32
        %dma_start3A_71 = arith.constant 0 : i32
        %dma_start3A_72 = tpu.memref_slice %arg2[%dma_start3A_69, %dma_start3A_70, %dma_start3A_71] : memref<10000x2x128xbf16, #tpu.memory_space<hbm>> -> memref<10000x2x128xbf16, #tpu.memory_space<hbm>>
        tpu.enqueue_indirect_dma source(%dma_start3A_72 : memref<10000x2x128xbf16, #tpu.memory_space<hbm>>) target(%arg9 : memref<128x2x128xbf16, #tpu.memory_space<vmem>>) offsets(%dma_start3A_68 : memref<128xi32, #tpu.memory_space<vmem>>) semaphore(%arg12 : memref<!tpu.dma_semaphore, #tpu.memory_space<semaphore_mem>>)
        %mul3A_73 = arith.constant 128 : i32
        %mul3A_74 = arith.muli %mul3A_59, %mul3A_73 : i32
        %dma_wait3A_75 = tpu.memref_slice %arg6[%mul3A_74] : memref<5120xi32, #tpu.memory_space<vmem>> -> memref<128xi32, #tpu.memory_space<vmem>>
        %dma_wait3A_76 = arith.constant 0 : i32
        %dma_wait3A_77 = arith.constant 0 : i32
        %dma_wait3A_78 = arith.constant 0 : i32
        %dma_wait3A_79 = tpu.memref_slice %arg2[%dma_wait3A_76, %dma_wait3A_77, %dma_wait3A_78] : memref<10000x2x128xbf16, #tpu.memory_space<hbm>> -> memref<10000x2x128xbf16, #tpu.memory_space<hbm>>
        tpu.wait_indirect_dma semaphore(%arg11 : memref<!tpu.dma_semaphore, #tpu.memory_space<semaphore_mem>>) src(%dma_wait3A_79 : memref<10000x2x128xbf16, #tpu.memory_space<hbm>>) dst(%arg8 : memref<128x2x128xbf16, #tpu.memory_space<vmem>>)
        %dma_start3A_80 = arith.constant 0 : i32
        %dma_start3A_81 = tpu.memref_slice %arg7[%mul3A_59, %dma_start3A_80] : memref<40x128xi32, #tpu.memory_space<vmem>> -> memref<1x128xi32, #tpu.memory_space<vmem>>
        %dma_start3A_82 = tpu.memref_squeeze %dma_start3A_81 : memref<1x128xi32, #tpu.memory_space<vmem>> -> memref<128xi32, #tpu.memory_space<vmem>>
        %dma_start3A_83 = arith.constant 0 : i32
        %dma_start3A_84 = arith.constant 0 : i32
        %dma_start3A_85 = arith.constant 0 : i32
        %dma_start3A_86 = tpu.memref_slice %arg10[%dma_start3A_83, %dma_start3A_84, %dma_start3A_85] : memref<10240x2x128xbf16, #tpu.memory_space<vmem_shared>> -> memref<10240x2x128xbf16, #tpu.memory_space<vmem_shared>>
        tpu.enqueue_indirect_dma source(%arg8 : memref<128x2x128xbf16, #tpu.memory_space<vmem>>) target(%dma_start3A_86 : memref<10240x2x128xbf16, #tpu.memory_space<vmem_shared>>) offsets(%dma_start3A_82 : memref<128xi32, #tpu.memory_space<vmem>>) semaphore(%arg13 : memref<!tpu.dma_semaphore, #tpu.memory_space<semaphore_mem>>) {add = true}
        %dma_wait3A_87 = arith.constant 0 : i32
        %dma_wait3A_88 = tpu.memref_slice %arg7[%mul3A_59, %dma_wait3A_87] : memref<40x128xi32, #tpu.memory_space<vmem>> -> memref<1x128xi32, #tpu.memory_space<vmem>>
        %dma_wait3A_89 = tpu.memref_squeeze %dma_wait3A_88 : memref<1x128xi32, #tpu.memory_space<vmem>> -> memref<128xi32, #tpu.memory_space<vmem>>
        %dma_wait3A_90 = arith.constant 0 : i32
        %dma_wait3A_91 = arith.constant 0 : i32
        %dma_wait3A_92 = arith.constant 0 : i32
        %dma_wait3A_93 = tpu.memref_slice %arg10[%dma_wait3A_90, %dma_wait3A_91, %dma_wait3A_92] : memref<10240x2x128xbf16, #tpu.memory_space<vmem_shared>> -> memref<10240x2x128xbf16, #tpu.memory_space<vmem_shared>>
        tpu.wait_indirect_dma semaphore(%arg13 : memref<!tpu.dma_semaphore, #tpu.memory_space<semaphore_mem>>) src(%arg8 : memref<128x2x128xbf16, #tpu.memory_space<vmem>>) dst(%dma_wait3A_93 : memref<10240x2x128xbf16, #tpu.memory_space<vmem_shared>>)
        %add3A_94 = arith.constant 1 : i32
        %add3A_95 = arith.addi %add3A_61, %add3A_94 : i32
        %lt3A = arith.constant 40 : i32
        %lt3A_96 = arith.cmpi slt, %add3A_95, %lt3A : i32
        %convert_element_type3A_97 = arith.extui %lt3A_96 : i1 to i32
        %cond3A_98 = arith.constant 0 : i32
        %cond3A_99 = arith.cmpi ne, %convert_element_type3A_97, %cond3A_98 : i32
        scf.if %cond3A_99 {
          %add3A_115 = arith.constant 1 : i32
          %add3A_116 = arith.addi %add3A_61, %add3A_115 : i32
          %mul3A_117 = arith.constant 128 : i32
          %mul3A_118 = arith.muli %add3A_116, %mul3A_117 : i32
          %dma_start3A_119 = tpu.memref_slice %arg6[%mul3A_118] : memref<5120xi32, #tpu.memory_space<vmem>> -> memref<128xi32, #tpu.memory_space<vmem>>
          %dma_start3A_120 = arith.constant 0 : i32
          %dma_start3A_121 = arith.constant 0 : i32
          %dma_start3A_122 = arith.constant 0 : i32
          %dma_start3A_123 = tpu.memref_slice %arg2[%dma_start3A_120, %dma_start3A_121, %dma_start3A_122] : memref<10000x2x128xbf16, #tpu.memory_space<hbm>> -> memref<10000x2x128xbf16, #tpu.memory_space<hbm>>
          tpu.enqueue_indirect_dma source(%dma_start3A_123 : memref<10000x2x128xbf16, #tpu.memory_space<hbm>>) target(%arg8 : memref<128x2x128xbf16, #tpu.memory_space<vmem>>) offsets(%dma_start3A_119 : memref<128xi32, #tpu.memory_space<vmem>>) semaphore(%arg11 : memref<!tpu.dma_semaphore, #tpu.memory_space<semaphore_mem>>)
        } else {
        }
        %mul3A_100 = arith.constant 128 : i32
        %mul3A_101 = arith.muli %add3A_61, %mul3A_100 : i32
        %dma_wait3A_102 = tpu.memref_slice %arg6[%mul3A_101] : memref<5120xi32, #tpu.memory_space<vmem>> -> memref<128xi32, #tpu.memory_space<vmem>>
        %dma_wait3A_103 = arith.constant 0 : i32
        %dma_wait3A_104 = arith.constant 0 : i32
        %dma_wait3A_105 = arith.constant 0 : i32
        %dma_wait3A_106 = tpu.memref_slice %arg2[%dma_wait3A_103, %dma_wait3A_104, %dma_wait3A_105] : memref<10000x2x128xbf16, #tpu.memory_space<hbm>> -> memref<10000x2x128xbf16, #tpu.memory_space<hbm>>
        tpu.wait_indirect_dma semaphore(%arg12 : memref<!tpu.dma_semaphore, #tpu.memory_space<semaphore_mem>>) src(%dma_wait3A_106 : memref<10000x2x128xbf16, #tpu.memory_space<hbm>>) dst(%arg9 : memref<128x2x128xbf16, #tpu.memory_space<vmem>>)
        %dma_start3A_107 = arith.constant 0 : i32
        %dma_start3A_108 = tpu.memref_slice %arg7[%add3A_61, %dma_start3A_107] : memref<40x128xi32, #tpu.memory_space<vmem>> -> memref<1x128xi32, #tpu.memory_space<vmem>>
        %dma_start3A_109 = tpu.memref_squeeze %dma_start3A_108 : memref<1x128xi32, #tpu.memory_space<vmem>> -> memref<128xi32, #tpu.memory_space<vmem>>
        %dma_start3A_110 = arith.constant 0 : i32
        %dma_start3A_111 = arith.constant 0 : i32
        %dma_start3A_112 = arith.constant 0 : i32
        %dma_start3A_113 = tpu.memref_slice %arg10[%dma_start3A_110, %dma_start3A_111, %dma_start3A_112] : memref<10240x2x128xbf16, #tpu.memory_space<vmem_shared>> -> memref<10240x2x128xbf16, #tpu.memory_space<vmem_shared>>
        tpu.enqueue_indirect_dma source(%arg9 : memref<128x2x128xbf16, #tpu.memory_space<vmem>>) target(%dma_start3A_113 : memref<10240x2x128xbf16, #tpu.memory_space<vmem_shared>>) offsets(%dma_start3A_109 : memref<128xi32, #tpu.memory_space<vmem>>) semaphore(%arg14 : memref<!tpu.dma_semaphore, #tpu.memory_space<semaphore_mem>>) {add = true}
        %scan3A_114 = arith.constant 0 : i32
        scf.yield %scan3A_114 : i32
      }
      %scan3A_48 = arith.constant 20 : i32
      %dma_wait3A = arith.constant 39 : i32
      %dma_wait3A_49 = arith.constant 0 : i32
      %dma_wait3A_50 = tpu.memref_slice %arg7[%dma_wait3A, %dma_wait3A_49] : memref<40x128xi32, #tpu.memory_space<vmem>> -> memref<1x128xi32, #tpu.memory_space<vmem>>
      %dma_wait3A_51 = tpu.memref_squeeze %dma_wait3A_50 : memref<1x128xi32, #tpu.memory_space<vmem>> -> memref<128xi32, #tpu.memory_space<vmem>>
      %dma_wait3A_52 = arith.constant 0 : i32
      %dma_wait3A_53 = arith.constant 0 : i32
      %dma_wait3A_54 = arith.constant 0 : i32
      %dma_wait3A_55 = tpu.memref_slice %arg10[%dma_wait3A_52, %dma_wait3A_53, %dma_wait3A_54] : memref<10240x2x128xbf16, #tpu.memory_space<vmem_shared>> -> memref<10240x2x128xbf16, #tpu.memory_space<vmem_shared>>
      tpu.wait_indirect_dma semaphore(%arg14 : memref<!tpu.dma_semaphore, #tpu.memory_space<semaphore_mem>>) src(%arg9 : memref<128x2x128xbf16, #tpu.memory_space<vmem>>) dst(%dma_wait3A_55 : memref<10240x2x128xbf16, #tpu.memory_space<vmem_shared>>)
    } else {
    }
    %eq3A_15 = arith.constant 1 : i32
    %eq3A_16 = arith.cmpi eq, %arg0, %eq3A_15 : i32
    %convert_element_type3A_17 = arith.extui %eq3A_16 : i1 to i32
    %cond3A_18 = arith.constant 0 : i32
    %cond3A_19 = arith.cmpi ne, %convert_element_type3A_17, %cond3A_18 : i32
    scf.if %cond3A_19 {
      %mul3A_24 = arith.constant 40 : i32
      %mul3A_25 = arith.muli %arg1, %mul3A_24 : i32
      %add3A = arith.constant 0 : i32
      %add3A_26 = arith.addi %mul3A_25, %add3A : i32
      %mul3A_27 = arith.constant 128 : i32
      %mul3A_28 = arith.muli %add3A_26, %mul3A_27 : i32
      %add3A_29 = arith.constant 81920 : i32
      %add3A_30 = arith.addi %add3A_29, %mul3A_28 : i32
      "tpu.region"() ({
        %run_scoped3A = tpu.sem_alloc : memref<!tpu.dma_semaphore, #tpu.memory_space<semaphore_mem>>
        %dma_start3A_56 = tpu.memref_slice %arg3[%add3A_30] : memref<163840xi32, #tpu.memory_space<hbm>> -> memref<5120xi32, #tpu.memory_space<hbm>>
        %dma_start3A_57 = tpu.memref_slice %arg3[%add3A_30] : memref<163840xi32, #tpu.memory_space<hbm>> -> memref<5120xi32, #tpu.memory_space<hbm>>
        tpu.enqueue_dma source(%dma_start3A_57 : memref<5120xi32, #tpu.memory_space<hbm>>) target(%arg6 : memref<5120xi32, #tpu.memory_space<vmem>>) target_semaphore(%run_scoped3A : memref<!tpu.dma_semaphore, #tpu.memory_space<semaphore_mem>>)
        %dma_wait3A_58 = tpu.memref_slice %arg3[%add3A_30] : memref<163840xi32, #tpu.memory_space<hbm>> -> memref<5120xi32, #tpu.memory_space<hbm>>
        %dma_wait3A_59 = tpu.memref_slice %arg3[%add3A_30] : memref<163840xi32, #tpu.memory_space<hbm>> -> memref<5120xi32, #tpu.memory_space<hbm>>
        tpu.wait_dma2 semaphore(%run_scoped3A : memref<!tpu.dma_semaphore, #tpu.memory_space<semaphore_mem>>) src(%dma_wait3A_59 : memref<5120xi32, #tpu.memory_space<hbm>>) dst(%arg6 : memref<5120xi32, #tpu.memory_space<vmem>>)
        tpu.yield
      }) : () -> ()
      %mul3A_31 = arith.constant 40 : i32
      %mul3A_32 = arith.muli %arg1, %mul3A_31 : i32
      %add3A_33 = arith.constant 640 : i32
      %add3A_34 = arith.addi %add3A_33, %mul3A_32 : i32
      %add3A_35 = arith.constant 0 : i32
      %add3A_36 = arith.addi %add3A_34, %add3A_35 : i32
      "tpu.region"() ({
        %run_scoped3A = tpu.sem_alloc : memref<!tpu.dma_semaphore, #tpu.memory_space<semaphore_mem>>
        %dma_start3A_56 = arith.constant 0 : i32
        %dma_start3A_57 = tpu.memref_slice %arg4[%add3A_36, %dma_start3A_56] : memref<1280x128xi32, #tpu.memory_space<hbm>> -> memref<40x128xi32, #tpu.memory_space<hbm>>
        %dma_start3A_58 = arith.constant 0 : i32
        %dma_start3A_59 = tpu.memref_slice %arg4[%add3A_36, %dma_start3A_58] : memref<1280x128xi32, #tpu.memory_space<hbm>> -> memref<40x128xi32, #tpu.memory_space<hbm>>
        tpu.enqueue_dma source(%dma_start3A_59 : memref<40x128xi32, #tpu.memory_space<hbm>>) target(%arg7 : memref<40x128xi32, #tpu.memory_space<vmem>>) target_semaphore(%run_scoped3A : memref<!tpu.dma_semaphore, #tpu.memory_space<semaphore_mem>>)
        %dma_wait3A_60 = arith.constant 0 : i32
        %dma_wait3A_61 = tpu.memref_slice %arg4[%add3A_36, %dma_wait3A_60] : memref<1280x128xi32, #tpu.memory_space<hbm>> -> memref<40x128xi32, #tpu.memory_space<hbm>>
        %dma_wait3A_62 = arith.constant 0 : i32
        %dma_wait3A_63 = tpu.memref_slice %arg4[%add3A_36, %dma_wait3A_62] : memref<1280x128xi32, #tpu.memory_space<hbm>> -> memref<40x128xi32, #tpu.memory_space<hbm>>
        tpu.wait_dma2 semaphore(%run_scoped3A : memref<!tpu.dma_semaphore, #tpu.memory_space<semaphore_mem>>) src(%dma_wait3A_63 : memref<40x128xi32, #tpu.memory_space<hbm>>) dst(%arg7 : memref<40x128xi32, #tpu.memory_space<vmem>>)
        tpu.yield
      }) : () -> ()
      %dma_start3A = arith.constant 0 : i32
      %dma_start3A_37 = tpu.memref_slice %arg6[%dma_start3A] : memref<5120xi32, #tpu.memory_space<vmem>> -> memref<128xi32, #tpu.memory_space<vmem>>
      %dma_start3A_38 = arith.constant 0 : i32
      %dma_start3A_39 = arith.constant 0 : i32
      %dma_start3A_40 = arith.constant 0 : i32
      %dma_start3A_41 = tpu.memref_slice %arg2[%dma_start3A_38, %dma_start3A_39, %dma_start3A_40] : memref<10000x2x128xbf16, #tpu.memory_space<hbm>> -> memref<10000x2x128xbf16, #tpu.memory_space<hbm>>
      tpu.enqueue_indirect_dma source(%dma_start3A_41 : memref<10000x2x128xbf16, #tpu.memory_space<hbm>>) target(%arg8 : memref<128x2x128xbf16, #tpu.memory_space<vmem>>) offsets(%dma_start3A_37 : memref<128xi32, #tpu.memory_space<vmem>>) semaphore(%arg11 : memref<!tpu.dma_semaphore, #tpu.memory_space<semaphore_mem>>)
      %scan3A_42 = arith.constant 0 : i32
      %scan3A_43 = arith.constant 0 : i32
      %scan3A_44 = arith.constant 20 : i32
      %scan3A_45 = arith.addi %scan3A_43, %scan3A_44 : i32
      %scan3A_46 = arith.constant 1 : i32
      %scan3A_47 = scf.for %scan3A_56 = %scan3A_43 to %scan3A_45 step %scan3A_46 iter_args(%scan3A_57 = %scan3A_42) -> (i32)  : i32 {
        %mul3A_58 = arith.constant 2 : i32
        %mul3A_59 = arith.muli %mul3A_58, %scan3A_56 : i32
        %add3A_60 = arith.constant 1 : i32
        %add3A_61 = arith.addi %mul3A_59, %add3A_60 : i32
        %ge3A = arith.constant 1 : i32
        %ge3A_62 = arith.cmpi sge, %scan3A_56, %ge3A : i32
        %convert_element_type3A_63 = arith.extui %ge3A_62 : i1 to i32
        %cond3A_64 = arith.constant 0 : i32
        %cond3A_65 = arith.cmpi ne, %convert_element_type3A_63, %cond3A_64 : i32
        scf.if %cond3A_65 {
          %sub3A = arith.constant 1 : i32
          %sub3A_115 = arith.subi %mul3A_59, %sub3A : i32
          %dma_wait3A_116 = arith.constant 0 : i32
          %dma_wait3A_117 = tpu.memref_slice %arg7[%sub3A_115, %dma_wait3A_116] : memref<40x128xi32, #tpu.memory_space<vmem>> -> memref<1x128xi32, #tpu.memory_space<vmem>>
          %dma_wait3A_118 = tpu.memref_squeeze %dma_wait3A_117 : memref<1x128xi32, #tpu.memory_space<vmem>> -> memref<128xi32, #tpu.memory_space<vmem>>
          %dma_wait3A_119 = arith.constant 0 : i32
          %dma_wait3A_120 = arith.constant 0 : i32
          %dma_wait3A_121 = arith.constant 0 : i32
          %dma_wait3A_122 = tpu.memref_slice %arg10[%dma_wait3A_119, %dma_wait3A_120, %dma_wait3A_121] : memref<10240x2x128xbf16, #tpu.memory_space<vmem_shared>> -> memref<10240x2x128xbf16, #tpu.memory_space<vmem_shared>>
          tpu.wait_indirect_dma semaphore(%arg14 : memref<!tpu.dma_semaphore, #tpu.memory_space<semaphore_mem>>) src(%arg9 : memref<128x2x128xbf16, #tpu.memory_space<vmem>>) dst(%dma_wait3A_122 : memref<10240x2x128xbf16, #tpu.memory_space<vmem_shared>>)
        } else {
        }
        %mul3A_66 = arith.constant 128 : i32
        %mul3A_67 = arith.muli %add3A_61, %mul3A_66 : i32
        %dma_start3A_68 = tpu.memref_slice %arg6[%mul3A_67] : memref<5120xi32, #tpu.memory_space<vmem>> -> memref<128xi32, #tpu.memory_space<vmem>>
        %dma_start3A_69 = arith.constant 0 : i32
        %dma_start3A_70 = arith.constant 0 : i32
        %dma_start3A_71 = arith.constant 0 : i32
        %dma_start3A_72 = tpu.memref_slice %arg2[%dma_start3A_69, %dma_start3A_70, %dma_start3A_71] : memref<10000x2x128xbf16, #tpu.memory_space<hbm>> -> memref<10000x2x128xbf16, #tpu.memory_space<hbm>>
        tpu.enqueue_indirect_dma source(%dma_start3A_72 : memref<10000x2x128xbf16, #tpu.memory_space<hbm>>) target(%arg9 : memref<128x2x128xbf16, #tpu.memory_space<vmem>>) offsets(%dma_start3A_68 : memref<128xi32, #tpu.memory_space<vmem>>) semaphore(%arg12 : memref<!tpu.dma_semaphore, #tpu.memory_space<semaphore_mem>>)
        %mul3A_73 = arith.constant 128 : i32
        %mul3A_74 = arith.muli %mul3A_59, %mul3A_73 : i32
        %dma_wait3A_75 = tpu.memref_slice %arg6[%mul3A_74] : memref<5120xi32, #tpu.memory_space<vmem>> -> memref<128xi32, #tpu.memory_space<vmem>>
        %dma_wait3A_76 = arith.constant 0 : i32
        %dma_wait3A_77 = arith.constant 0 : i32
        %dma_wait3A_78 = arith.constant 0 : i32
        %dma_wait3A_79 = tpu.memref_slice %arg2[%dma_wait3A_76, %dma_wait3A_77, %dma_wait3A_78] : memref<10000x2x128xbf16, #tpu.memory_space<hbm>> -> memref<10000x2x128xbf16, #tpu.memory_space<hbm>>
        tpu.wait_indirect_dma semaphore(%arg11 : memref<!tpu.dma_semaphore, #tpu.memory_space<semaphore_mem>>) src(%dma_wait3A_79 : memref<10000x2x128xbf16, #tpu.memory_space<hbm>>) dst(%arg8 : memref<128x2x128xbf16, #tpu.memory_space<vmem>>)
        %dma_start3A_80 = arith.constant 0 : i32
        %dma_start3A_81 = tpu.memref_slice %arg7[%mul3A_59, %dma_start3A_80] : memref<40x128xi32, #tpu.memory_space<vmem>> -> memref<1x128xi32, #tpu.memory_space<vmem>>
        %dma_start3A_82 = tpu.memref_squeeze %dma_start3A_81 : memref<1x128xi32, #tpu.memory_space<vmem>> -> memref<128xi32, #tpu.memory_space<vmem>>
        %dma_start3A_83 = arith.constant 0 : i32
        %dma_start3A_84 = arith.constant 0 : i32
        %dma_start3A_85 = arith.constant 0 : i32
        %dma_start3A_86 = tpu.memref_slice %arg10[%dma_start3A_83, %dma_start3A_84, %dma_start3A_85] : memref<10240x2x128xbf16, #tpu.memory_space<vmem_shared>> -> memref<10240x2x128xbf16, #tpu.memory_space<vmem_shared>>
        tpu.enqueue_indirect_dma source(%arg8 : memref<128x2x128xbf16, #tpu.memory_space<vmem>>) target(%dma_start3A_86 : memref<10240x2x128xbf16, #tpu.memory_space<vmem_shared>>) offsets(%dma_start3A_82 : memref<128xi32, #tpu.memory_space<vmem>>) semaphore(%arg13 : memref<!tpu.dma_semaphore, #tpu.memory_space<semaphore_mem>>) {add = true}
        %dma_wait3A_87 = arith.constant 0 : i32
        %dma_wait3A_88 = tpu.memref_slice %arg7[%mul3A_59, %dma_wait3A_87] : memref<40x128xi32, #tpu.memory_space<vmem>> -> memref<1x128xi32, #tpu.memory_space<vmem>>
        %dma_wait3A_89 = tpu.memref_squeeze %dma_wait3A_88 : memref<1x128xi32, #tpu.memory_space<vmem>> -> memref<128xi32, #tpu.memory_space<vmem>>
        %dma_wait3A_90 = arith.constant 0 : i32
        %dma_wait3A_91 = arith.constant 0 : i32
        %dma_wait3A_92 = arith.constant 0 : i32
        %dma_wait3A_93 = tpu.memref_slice %arg10[%dma_wait3A_90, %dma_wait3A_91, %dma_wait3A_92] : memref<10240x2x128xbf16, #tpu.memory_space<vmem_shared>> -> memref<10240x2x128xbf16, #tpu.memory_space<vmem_shared>>
        tpu.wait_indirect_dma semaphore(%arg13 : memref<!tpu.dma_semaphore, #tpu.memory_space<semaphore_mem>>) src(%arg8 : memref<128x2x128xbf16, #tpu.memory_space<vmem>>) dst(%dma_wait3A_93 : memref<10240x2x128xbf16, #tpu.memory_space<vmem_shared>>)
        %add3A_94 = arith.constant 1 : i32
        %add3A_95 = arith.addi %add3A_61, %add3A_94 : i32
        %lt3A = arith.constant 40 : i32
        %lt3A_96 = arith.cmpi slt, %add3A_95, %lt3A : i32
        %convert_element_type3A_97 = arith.extui %lt3A_96 : i1 to i32
        %cond3A_98 = arith.constant 0 : i32
        %cond3A_99 = arith.cmpi ne, %convert_element_type3A_97, %cond3A_98 : i32
        scf.if %cond3A_99 {
          %add3A_115 = arith.constant 1 : i32
          %add3A_116 = arith.addi %add3A_61, %add3A_115 : i32
          %mul3A_117 = arith.constant 128 : i32
          %mul3A_118 = arith.muli %add3A_116, %mul3A_117 : i32
          %dma_start3A_119 = tpu.memref_slice %arg6[%mul3A_118] : memref<5120xi32, #tpu.memory_space<vmem>> -> memref<128xi32, #tpu.memory_space<vmem>>
          %dma_start3A_120 = arith.constant 0 : i32
          %dma_start3A_121 = arith.constant 0 : i32
          %dma_start3A_122 = arith.constant 0 : i32
          %dma_start3A_123 = tpu.memref_slice %arg2[%dma_start3A_120, %dma_start3A_121, %dma_start3A_122] : memref<10000x2x128xbf16, #tpu.memory_space<hbm>> -> memref<10000x2x128xbf16, #tpu.memory_space<hbm>>
          tpu.enqueue_indirect_dma source(%dma_start3A_123 : memref<10000x2x128xbf16, #tpu.memory_space<hbm>>) target(%arg8 : memref<128x2x128xbf16, #tpu.memory_space<vmem>>) offsets(%dma_start3A_119 : memref<128xi32, #tpu.memory_space<vmem>>) semaphore(%arg11 : memref<!tpu.dma_semaphore, #tpu.memory_space<semaphore_mem>>)
        } else {
        }
        %mul3A_100 = arith.constant 128 : i32
        %mul3A_101 = arith.muli %add3A_61, %mul3A_100 : i32
        %dma_wait3A_102 = tpu.memref_slice %arg6[%mul3A_101] : memref<5120xi32, #tpu.memory_space<vmem>> -> memref<128xi32, #tpu.memory_space<vmem>>
        %dma_wait3A_103 = arith.constant 0 : i32
        %dma_wait3A_104 = arith.constant 0 : i32
        %dma_wait3A_105 = arith.constant 0 : i32
        %dma_wait3A_106 = tpu.memref_slice %arg2[%dma_wait3A_103, %dma_wait3A_104, %dma_wait3A_105] : memref<10000x2x128xbf16, #tpu.memory_space<hbm>> -> memref<10000x2x128xbf16, #tpu.memory_space<hbm>>
        tpu.wait_indirect_dma semaphore(%arg12 : memref<!tpu.dma_semaphore, #tpu.memory_space<semaphore_mem>>) src(%dma_wait3A_106 : memref<10000x2x128xbf16, #tpu.memory_space<hbm>>) dst(%arg9 : memref<128x2x128xbf16, #tpu.memory_space<vmem>>)
        %dma_start3A_107 = arith.constant 0 : i32
        %dma_start3A_108 = tpu.memref_slice %arg7[%add3A_61, %dma_start3A_107] : memref<40x128xi32, #tpu.memory_space<vmem>> -> memref<1x128xi32, #tpu.memory_space<vmem>>
        %dma_start3A_109 = tpu.memref_squeeze %dma_start3A_108 : memref<1x128xi32, #tpu.memory_space<vmem>> -> memref<128xi32, #tpu.memory_space<vmem>>
        %dma_start3A_110 = arith.constant 0 : i32
        %dma_start3A_111 = arith.constant 0 : i32
        %dma_start3A_112 = arith.constant 0 : i32
        %dma_start3A_113 = tpu.memref_slice %arg10[%dma_start3A_110, %dma_start3A_111, %dma_start3A_112] : memref<10240x2x128xbf16, #tpu.memory_space<vmem_shared>> -> memref<10240x2x128xbf16, #tpu.memory_space<vmem_shared>>
        tpu.enqueue_indirect_dma source(%arg9 : memref<128x2x128xbf16, #tpu.memory_space<vmem>>) target(%dma_start3A_113 : memref<10240x2x128xbf16, #tpu.memory_space<vmem_shared>>) offsets(%dma_start3A_109 : memref<128xi32, #tpu.memory_space<vmem>>) semaphore(%arg14 : memref<!tpu.dma_semaphore, #tpu.memory_space<semaphore_mem>>) {add = true}
        %scan3A_114 = arith.constant 0 : i32
        scf.yield %scan3A_114 : i32
      }
      %scan3A_48 = arith.constant 20 : i32
      %dma_wait3A = arith.constant 39 : i32
      %dma_wait3A_49 = arith.constant 0 : i32
      %dma_wait3A_50 = tpu.memref_slice %arg7[%dma_wait3A, %dma_wait3A_49] : memref<40x128xi32, #tpu.memory_space<vmem>> -> memref<1x128xi32, #tpu.memory_space<vmem>>
      %dma_wait3A_51 = tpu.memref_squeeze %dma_wait3A_50 : memref<1x128xi32, #tpu.memory_space<vmem>> -> memref<128xi32, #tpu.memory_space<vmem>>
      %dma_wait3A_52 = arith.constant 0 : i32
      %dma_wait3A_53 = arith.constant 0 : i32
      %dma_wait3A_54 = arith.constant 0 : i32
      %dma_wait3A_55 = tpu.memref_slice %arg10[%dma_wait3A_52, %dma_wait3A_53, %dma_wait3A_54] : memref<10240x2x128xbf16, #tpu.memory_space<vmem_shared>> -> memref<10240x2x128xbf16, #tpu.memory_space<vmem_shared>>
      tpu.wait_indirect_dma semaphore(%arg14 : memref<!tpu.dma_semaphore, #tpu.memory_space<semaphore_mem>>) src(%arg9 : memref<128x2x128xbf16, #tpu.memory_space<vmem>>) dst(%dma_wait3A_55 : memref<10240x2x128xbf16, #tpu.memory_space<vmem_shared>>)
    } else {
    }
    %barrier3A_20 = arith.constant 0 : index
    tpu.barrier barrier_id(%barrier3A_20)
    %mul3A = arith.constant 640 : i32
    %mul3A_21 = arith.muli %arg1, %mul3A : i32
    %mul3A_22 = arith.constant 640 : i32
    %mul3A_23 = arith.muli %arg1, %mul3A_22 : i32
    "tpu.region"() ({
      %run_scoped3A = tpu.sem_alloc : memref<!tpu.dma_semaphore, #tpu.memory_space<semaphore_mem>>
      %dma_start3A = arith.constant 0 : i32
      %dma_start3A_24 = arith.constant 0 : i32
      %dma_start3A_25 = tpu.memref_slice %arg5[%arg0, %mul3A_23, %dma_start3A, %dma_start3A_24] : memref<2x10240x2x128xbf16, #tpu.memory_space<hbm>> -> memref<1x640x2x128xbf16, #tpu.memory_space<hbm>>
      %dma_start3A_26 = tpu.memref_squeeze %dma_start3A_25 : memref<1x640x2x128xbf16, #tpu.memory_space<hbm>> -> memref<640x2x128xbf16, #tpu.memory_space<hbm>>
      %dma_start3A_27 = arith.constant 0 : i32
      %dma_start3A_28 = arith.constant 0 : i32
      %dma_start3A_29 = tpu.memref_slice %arg10[%mul3A_21, %dma_start3A_27, %dma_start3A_28] : memref<10240x2x128xbf16, #tpu.memory_space<vmem_shared>> -> memref<640x2x128xbf16, #tpu.memory_space<vmem_shared>>
      tpu.enqueue_dma source(%dma_start3A_29 : memref<640x2x128xbf16, #tpu.memory_space<vmem_shared>>) target(%dma_start3A_26 : memref<640x2x128xbf16, #tpu.memory_space<hbm>>) target_semaphore(%run_scoped3A : memref<!tpu.dma_semaphore, #tpu.memory_space<semaphore_mem>>)
      %dma_wait3A = arith.constant 0 : i32
      %dma_wait3A_30 = arith.constant 0 : i32
      %dma_wait3A_31 = tpu.memref_slice %arg5[%arg0, %mul3A_23, %dma_wait3A, %dma_wait3A_30] : memref<2x10240x2x128xbf16, #tpu.memory_space<hbm>> -> memref<1x640x2x128xbf16, #tpu.memory_space<hbm>>
      %dma_wait3A_32 = tpu.memref_squeeze %dma_wait3A_31 : memref<1x640x2x128xbf16, #tpu.memory_space<hbm>> -> memref<640x2x128xbf16, #tpu.memory_space<hbm>>
      %dma_wait3A_33 = arith.constant 0 : i32
      %dma_wait3A_34 = arith.constant 0 : i32
      %dma_wait3A_35 = tpu.memref_slice %arg10[%mul3A_21, %dma_wait3A_33, %dma_wait3A_34] : memref<10240x2x128xbf16, #tpu.memory_space<vmem_shared>> -> memref<640x2x128xbf16, #tpu.memory_space<vmem_shared>>
      tpu.wait_dma2 semaphore(%run_scoped3A : memref<!tpu.dma_semaphore, #tpu.memory_space<semaphore_mem>>) src(%dma_wait3A_35 : memref<640x2x128xbf16, #tpu.memory_space<vmem_shared>>) dst(%dma_wait3A_32 : memref<640x2x128xbf16, #tpu.memory_space<hbm>>)
      tpu.yield
    }) : () -> ()
    return
  }
}

#map = affine_map<(d0, d1) -> (0, 0, 0)>
#map1 = affine_map<(d0, d1) -> (0)>
#map2 = affine_map<(d0, d1) -> (0, 0)>
#map3 = affine_map<(d0, d1) -> (0, 0, 0, 0)>
module attributes {stable_mosaic.version = 14 : i64} {
  func.func @_sc_hop_body(%arg0: i32, %arg1: i32, %arg2: memref<10000x2x128xbf16, #tpu.memory_space<hbm>>, %arg3: memref<163840xi32, #tpu.memory_space<hbm>>, %arg4: memref<1280x128xi32, #tpu.memory_space<hbm>>, %arg5: memref<2x10240x2x128xbf16, #tpu.memory_space<hbm>>, %arg6: memref<5120xi32, #tpu.memory_space<vmem>>, %arg7: memref<40x128xi32, #tpu.memory_space<vmem>>, %arg8: memref<128x2x128xbf16, #tpu.memory_space<vmem>>, %arg9: memref<128x2x128xbf16, #tpu.memory_space<vmem>>, %arg10: memref<10240x2x128xbf16, #tpu.memory_space<vmem_shared>>, %arg11: memref<!tpu.dma_semaphore, #tpu.memory_space<semaphore_mem>>, %arg12: memref<!tpu.dma_semaphore, #tpu.memory_space<semaphore_mem>>, %arg13: memref<!tpu.dma_semaphore, #tpu.memory_space<semaphore_mem>>, %arg14: memref<!tpu.dma_semaphore, #tpu.memory_space<semaphore_mem>>) attributes {dimension_semantics = [#tpu.dimension_semantics<core_parallel>, #tpu.dimension_semantics<subcore_parallel>], iteration_bounds = array<i64: 2, 16>, scalar_prefetch = 0 : i64, scratch_operands = 9 : i64, tpu.core_type = #tpu.core_type<sc_vector_subcore>, window_params = [{transform_indices = #map}, {transform_indices = #map1}, {transform_indices = #map2}, {transform_indices = #map3}]} {
    %scan3A = arith.constant 0 : i32
    %scan3A_0 = arith.constant 0 : i32
    %scan3A_1 = arith.constant 1024 : i32
    %scan3A_2 = arith.addi %scan3A_0, %scan3A_1 : i32
    %scan3A_3 = arith.constant 1 : i32
    %scan3A_4 = scf.for %scan3A_24 = %scan3A_0 to %scan3A_2 step %scan3A_3 iter_args(%scan3A_25 = %scan3A) -> (i32)  : i32 {
      %jit3A = arith.constant 8 : i32
      %div3A = arith.divsi %scan3A_24, %jit3A : i32
      %sign3A = arith.constant 0 : i32
      %sign3A_26 = arith.cmpi sgt, %scan3A_24, %sign3A : i32
      %sign3A_27 = arith.extui %sign3A_26 : i1 to i32
      %sign3A_28 = arith.constant 0 : i32
      %sign3A_29 = arith.cmpi slt, %scan3A_24, %sign3A_28 : i32
      %sign3A_30 = arith.extui %sign3A_29 : i1 to i32
      %sign3A_31 = arith.subi %sign3A_27, %sign3A_30 : i32
      %sign3A_32 = arith.constant 0 : i32
      %sign3A_33 = arith.cmpi sgt, %jit3A, %sign3A_32 : i32
      %sign3A_34 = arith.extui %sign3A_33 : i1 to i32
      %sign3A_35 = arith.constant 0 : i32
      %sign3A_36 = arith.cmpi slt, %jit3A, %sign3A_35 : i32
      %sign3A_37 = arith.extui %sign3A_36 : i1 to i32
      %sign3A_38 = arith.subi %sign3A_34, %sign3A_37 : i32
      %ne3A = arith.cmpi ne, %sign3A_31, %sign3A_38 : i32
      %rem3A = arith.remsi %scan3A_24, %jit3A : i32
      %ne3A_39 = arith.constant 0 : i32
      %ne3A_40 = arith.cmpi ne, %rem3A, %ne3A_39 : i32
      %and3A = arith.andi %ne3A, %ne3A_40 : i1
      %sub3A = arith.constant 1 : i32
      %sub3A_41 = arith.subi %div3A, %sub3A : i32
      %select_n3A = arith.select %and3A, %sub3A_41, %div3A : i32
      %jit3A_42 = arith.constant 8 : i32
      %eq3A_43 = arith.constant 0 : i32
      %eq3A_44 = arith.cmpi eq, %jit3A_42, %eq3A_43 : i32
      %jit3A_45 = arith.constant 1 : i32
      %select_n3A_46 = arith.select %eq3A_44, %jit3A_45, %jit3A_42 : i32
      %rem3A_47 = arith.remsi %scan3A_24, %select_n3A_46 : i32
      %ne3A_48 = arith.constant 0 : i32
      %ne3A_49 = arith.cmpi ne, %rem3A_47, %ne3A_48 : i32
      %lt3A = arith.constant 0 : i32
      %lt3A_50 = arith.cmpi slt, %rem3A_47, %lt3A : i32
      %lt3A_51 = arith.constant 0 : i32
      %lt3A_52 = arith.cmpi slt, %select_n3A_46, %lt3A_51 : i32
      %ne3A_53 = arith.xori %lt3A_50, %lt3A_52 : i1
      %and3A_54 = arith.andi %ne3A_53, %ne3A_49 : i1
      %add3A = arith.addi %rem3A_47, %select_n3A_46 : i32
      %select_n3A_55 = arith.select %and3A_54, %add3A, %rem3A_47 : i32
      %broadcast_in_dim3A = arith.constant 0.000000e+00 : bf16
      %broadcast_in_dim3A_56 = vector.broadcast %broadcast_in_dim3A : bf16 to vector<32xbf16>
      %jit3A_57 = arith.constant 4 : i32
      %div3A_58 = arith.divsi %select_n3A_55, %jit3A_57 : i32
      %sign3A_59 = arith.constant 0 : i32
      %sign3A_60 = arith.cmpi sgt, %select_n3A_55, %sign3A_59 : i32
      %sign3A_61 = arith.extui %sign3A_60 : i1 to i32
      %sign3A_62 = arith.constant 0 : i32
      %sign3A_63 = arith.cmpi slt, %select_n3A_55, %sign3A_62 : i32
      %sign3A_64 = arith.extui %sign3A_63 : i1 to i32
      %sign3A_65 = arith.subi %sign3A_61, %sign3A_64 : i32
      %sign3A_66 = arith.constant 0 : i32
      %sign3A_67 = arith.cmpi sgt, %jit3A_57, %sign3A_66 : i32
      %sign3A_68 = arith.extui %sign3A_67 : i1 to i32
      %sign3A_69 = arith.constant 0 : i32
      %sign3A_70 = arith.cmpi slt, %jit3A_57, %sign3A_69 : i32
      %sign3A_71 = arith.extui %sign3A_70 : i1 to i32
      %sign3A_72 = arith.subi %sign3A_68, %sign3A_71 : i32
      %ne3A_73 = arith.cmpi ne, %sign3A_65, %sign3A_72 : i32
      %rem3A_74 = arith.remsi %select_n3A_55, %jit3A_57 : i32
      %ne3A_75 = arith.constant 0 : i32
      %ne3A_76 = arith.cmpi ne, %rem3A_74, %ne3A_75 : i32
      %and3A_77 = arith.andi %ne3A_73, %ne3A_76 : i1
      %sub3A_78 = arith.constant 1 : i32
      %sub3A_79 = arith.subi %div3A_58, %sub3A_78 : i32
      %select_n3A_80 = arith.select %and3A_77, %sub3A_79, %div3A_58 : i32
      %jit3A_81 = arith.constant 4 : i32
      %eq3A_82 = arith.constant 0 : i32
      %eq3A_83 = arith.cmpi eq, %jit3A_81, %eq3A_82 : i32
      %jit3A_84 = arith.constant 1 : i32
      %select_n3A_85 = arith.select %eq3A_83, %jit3A_84, %jit3A_81 : i32
      %rem3A_86 = arith.remsi %select_n3A_55, %select_n3A_85 : i32
      %ne3A_87 = arith.constant 0 : i32
      %ne3A_88 = arith.cmpi ne, %rem3A_86, %ne3A_87 : i32
      %lt3A_89 = arith.constant 0 : i32
      %lt3A_90 = arith.cmpi slt, %rem3A_86, %lt3A_89 : i32
      %lt3A_91 = arith.constant 0 : i32
      %lt3A_92 = arith.cmpi slt, %select_n3A_85, %lt3A_91 : i32
      %ne3A_93 = arith.xori %lt3A_90, %lt3A_92 : i1
      %and3A_94 = arith.andi %ne3A_93, %ne3A_88 : i1
      %add3A_95 = arith.addi %rem3A_86, %select_n3A_85 : i32
      %select_n3A_96 = arith.select %and3A_94, %add3A_95, %rem3A_86 : i32
      %mul3A_97 = arith.constant 32 : i32
      %mul3A_98 = arith.muli %select_n3A_96, %mul3A_97 : i32
      %swap3A = arith.index_cast %select_n3A : i32 to index
      %swap3A_99 = arith.index_cast %select_n3A_80 : i32 to index
      %swap3A_100 = arith.index_cast %mul3A_98 : i32 to index
      %swap3A_101 = tpu.vector_load %arg8[%swap3A, %swap3A_99, %swap3A_100] {strides = array<i32>} : memref<128x2x128xbf16, #tpu.memory_space<vmem>>, vector<32xbf16>,
      tpu.vector_store %arg8[%swap3A, %swap3A_99, %swap3A_100], %broadcast_in_dim3A_56 {strides = array<i32>} : memref<128x2x128xbf16, #tpu.memory_space<vmem>>, vector<32xbf16>,
      %scan3A_102 = arith.constant 0 : i32
      scf.yield %scan3A_102 : i32
    }
    %scan3A_5 = arith.constant 1024 : i32
    %scan3A_6 = arith.constant 0 : i32
    %scan3A_7 = arith.constant 0 : i32
    %scan3A_8 = arith.constant 5 : i32
    %scan3A_9 = arith.addi %scan3A_7, %scan3A_8 : i32
    %scan3A_10 = arith.constant 1 : i32
    %scan3A_11 = scf.for %scan3A_24 = %scan3A_7 to %scan3A_9 step %scan3A_10 iter_args(%scan3A_25 = %scan3A_6) -> (i32)  : i32 {
      %mul3A_26 = arith.constant 640 : i32
      %mul3A_27 = arith.muli %arg1, %mul3A_26 : i32
      %mul3A_28 = arith.constant 128 : i32
      %mul3A_29 = arith.muli %scan3A_24, %mul3A_28 : i32
      %add3A = arith.addi %mul3A_27, %mul3A_29 : i32
      "tpu.region"() ({
        %run_scoped3A = tpu.sem_alloc : memref<!tpu.dma_semaphore, #tpu.memory_space<semaphore_mem>>
        %dma_start3A = arith.constant 0 : i32
        %dma_start3A_31 = arith.constant 0 : i32
        %dma_start3A_32 = tpu.memref_slice %arg10[%add3A, %dma_start3A, %dma_start3A_31] : memref<10240x2x128xbf16, #tpu.memory_space<vmem_shared>> -> memref<128x2x128xbf16, #tpu.memory_space<vmem_shared>>
        %dma_start3A_33 = arith.constant 0 : i32
        %dma_start3A_34 = arith.constant 0 : i32
        %dma_start3A_35 = tpu.memref_slice %arg10[%add3A, %dma_start3A_33, %dma_start3A_34] : memref<10240x2x128xbf16, #tpu.memory_space<vmem_shared>> -> memref<128x2x128xbf16, #tpu.memory_space<vmem_shared>>
        tpu.enqueue_dma source(%arg8 : memref<128x2x128xbf16, #tpu.memory_space<vmem>>) target(%dma_start3A_35 : memref<128x2x128xbf16, #tpu.memory_space<vmem_shared>>) target_semaphore(%run_scoped3A : memref<!tpu.dma_semaphore, #tpu.memory_space<semaphore_mem>>)
        %dma_wait3A = arith.constant 0 : i32
        %dma_wait3A_36 = arith.constant 0 : i32
        %dma_wait3A_37 = tpu.memref_slice %arg10[%add3A, %dma_wait3A, %dma_wait3A_36] : memref<10240x2x128xbf16, #tpu.memory_space<vmem_shared>> -> memref<128x2x128xbf16, #tpu.memory_space<vmem_shared>>
        %dma_wait3A_38 = arith.constant 0 : i32
        %dma_wait3A_39 = arith.constant 0 : i32
        %dma_wait3A_40 = tpu.memref_slice %arg10[%add3A, %dma_wait3A_38, %dma_wait3A_39] : memref<10240x2x128xbf16, #tpu.memory_space<vmem_shared>> -> memref<128x2x128xbf16, #tpu.memory_space<vmem_shared>>
        tpu.wait_dma2 semaphore(%run_scoped3A : memref<!tpu.dma_semaphore, #tpu.memory_space<semaphore_mem>>) src(%arg8 : memref<128x2x128xbf16, #tpu.memory_space<vmem>>) dst(%dma_wait3A_40 : memref<128x2x128xbf16, #tpu.memory_space<vmem_shared>>)
        tpu.yield
      }) : () -> ()
      %scan3A_30 = arith.constant 0 : i32
      scf.yield %scan3A_30 : i32
    }
    %scan3A_12 = arith.constant 5 : i32
    %barrier3A = arith.constant 0 : index
    tpu.barrier barrier_id(%barrier3A)
    %eq3A = arith.constant 0 : i32
    %eq3A_13 = arith.cmpi eq, %arg0, %eq3A : i32
    %convert_element_type3A = arith.extui %eq3A_13 : i1 to i32
    %cond3A = arith.constant 0 : i32
    %cond3A_14 = arith.cmpi ne, %convert_element_type3A, %cond3A : i32
    scf.if %cond3A_14 {
      %mul3A_24 = arith.constant 40 : i32
      %mul3A_25 = arith.muli %arg1, %mul3A_24 : i32
      %add3A = arith.constant 0 : i32
      %add3A_26 = arith.addi %mul3A_25, %add3A : i32
      %mul3A_27 = arith.constant 128 : i32
      %mul3A_28 = arith.muli %add3A_26, %mul3A_27 : i32
      %add3A_29 = arith.constant 0 : i32
      %add3A_30 = arith.addi %add3A_29, %mul3A_28 : i32
      "tpu.region"() ({
        %run_scoped3A = tpu.sem_alloc : memref<!tpu.dma_semaphore, #tpu.memory_space<semaphore_mem>>
        %dma_start3A_56 = tpu.memref_slice %arg3[%add3A_30] : memref<163840xi32, #tpu.memory_space<hbm>> -> memref<5120xi32, #tpu.memory_space<hbm>>
        %dma_start3A_57 = tpu.memref_slice %arg3[%add3A_30] : memref<163840xi32, #tpu.memory_space<hbm>> -> memref<5120xi32, #tpu.memory_space<hbm>>
        tpu.enqueue_dma source(%dma_start3A_57 : memref<5120xi32, #tpu.memory_space<hbm>>) target(%arg6 : memref<5120xi32, #tpu.memory_space<vmem>>) target_semaphore(%run_scoped3A : memref<!tpu.dma_semaphore, #tpu.memory_space<semaphore_mem>>)
        %dma_wait3A_58 = tpu.memref_slice %arg3[%add3A_30] : memref<163840xi32, #tpu.memory_space<hbm>> -> memref<5120xi32, #tpu.memory_space<hbm>>
        %dma_wait3A_59 = tpu.memref_slice %arg3[%add3A_30] : memref<163840xi32, #tpu.memory_space<hbm>> -> memref<5120xi32, #tpu.memory_space<hbm>>
        tpu.wait_dma2 semaphore(%run_scoped3A : memref<!tpu.dma_semaphore, #tpu.memory_space<semaphore_mem>>) src(%dma_wait3A_59 : memref<5120xi32, #tpu.memory_space<hbm>>) dst(%arg6 : memref<5120xi32, #tpu.memory_space<vmem>>)
        tpu.yield
      }) : () -> ()
      %mul3A_31 = arith.constant 40 : i32
      %mul3A_32 = arith.muli %arg1, %mul3A_31 : i32
      %add3A_33 = arith.constant 0 : i32
      %add3A_34 = arith.addi %add3A_33, %mul3A_32 : i32
      %add3A_35 = arith.constant 0 : i32
      %add3A_36 = arith.addi %add3A_34, %add3A_35 : i32
      "tpu.region"() ({
        %run_scoped3A = tpu.sem_alloc : memref<!tpu.dma_semaphore, #tpu.memory_space<semaphore_mem>>
        %dma_start3A_56 = arith.constant 0 : i32
        %dma_start3A_57 = tpu.memref_slice %arg4[%add3A_36, %dma_start3A_56] : memref<1280x128xi32, #tpu.memory_space<hbm>> -> memref<40x128xi32, #tpu.memory_space<hbm>>
        %dma_start3A_58 = arith.constant 0 : i32
        %dma_start3A_59 = tpu.memref_slice %arg4[%add3A_36, %dma_start3A_58] : memref<1280x128xi32, #tpu.memory_space<hbm>> -> memref<40x128xi32, #tpu.memory_space<hbm>>
        tpu.enqueue_dma source(%dma_start3A_59 : memref<40x128xi32, #tpu.memory_space<hbm>>) target(%arg7 : memref<40x128xi32, #tpu.memory_space<vmem>>) target_semaphore(%run_scoped3A : memref<!tpu.dma_semaphore, #tpu.memory_space<semaphore_mem>>)
        %dma_wait3A_60 = arith.constant 0 : i32
        %dma_wait3A_61 = tpu.memref_slice %arg4[%add3A_36, %dma_wait3A_60] : memref<1280x128xi32, #tpu.memory_space<hbm>> -> memref<40x128xi32, #tpu.memory_space<hbm>>
        %dma_wait3A_62 = arith.constant 0 : i32
        %dma_wait3A_63 = tpu.memref_slice %arg4[%add3A_36, %dma_wait3A_62] : memref<1280x128xi32, #tpu.memory_space<hbm>> -> memref<40x128xi32, #tpu.memory_space<hbm>>
        tpu.wait_dma2 semaphore(%run_scoped3A : memref<!tpu.dma_semaphore, #tpu.memory_space<semaphore_mem>>) src(%dma_wait3A_63 : memref<40x128xi32, #tpu.memory_space<hbm>>) dst(%arg7 : memref<40x128xi32, #tpu.memory_space<vmem>>)
        tpu.yield
      }) : () -> ()
      %dma_start3A = arith.constant 0 : i32
      %dma_start3A_37 = tpu.memref_slice %arg6[%dma_start3A] : memref<5120xi32, #tpu.memory_space<vmem>> -> memref<128xi32, #tpu.memory_space<vmem>>
      %dma_start3A_38 = arith.constant 0 : i32
      %dma_start3A_39 = arith.constant 0 : i32
      %dma_start3A_40 = arith.constant 0 : i32
      %dma_start3A_41 = tpu.memref_slice %arg2[%dma_start3A_38, %dma_start3A_39, %dma_start3A_40] : memref<10000x2x128xbf16, #tpu.memory_space<hbm>> -> memref<10000x2x128xbf16, #tpu.memory_space<hbm>>
      tpu.enqueue_indirect_dma source(%dma_start3A_41 : memref<10000x2x128xbf16, #tpu.memory_space<hbm>>) target(%arg8 : memref<128x2x128xbf16, #tpu.memory_space<vmem>>) offsets(%dma_start3A_37 : memref<128xi32, #tpu.memory_space<vmem>>) semaphore(%arg11 : memref<!tpu.dma_semaphore, #tpu.memory_space<semaphore_mem>>)
      %scan3A_42 = arith.constant 0 : i32
      %scan3A_43 = arith.constant 0 : i32
      %scan3A_44 = arith.constant 20 : i32
      %scan3A_45 = arith.addi %scan3A_43, %scan3A_44 : i32
      %scan3A_46 = arith.constant 1 : i32
      %scan3A_47 = scf.for %scan3A_56 = %scan3A_43 to %scan3A_45 step %scan3A_46 iter_args(%scan3A_57 = %scan3A_42) -> (i32)  : i32 {
        %mul3A_58 = arith.constant 2 : i32
        %mul3A_59 = arith.muli %mul3A_58, %scan3A_56 : i32
        %add3A_60 = arith.constant 1 : i32
        %add3A_61 = arith.addi %mul3A_59, %add3A_60 : i32
        %ge3A = arith.constant 1 : i32
        %ge3A_62 = arith.cmpi sge, %scan3A_56, %ge3A : i32
        %convert_element_type3A_63 = arith.extui %ge3A_62 : i1 to i32
        %cond3A_64 = arith.constant 0 : i32
        %cond3A_65 = arith.cmpi ne, %convert_element_type3A_63, %cond3A_64 : i32
        scf.if %cond3A_65 {
          %sub3A = arith.constant 1 : i32
          %sub3A_115 = arith.subi %mul3A_59, %sub3A : i32
          %dma_wait3A_116 = arith.constant 0 : i32
          %dma_wait3A_117 = tpu.memref_slice %arg7[%sub3A_115, %dma_wait3A_116] : memref<40x128xi32, #tpu.memory_space<vmem>> -> memref<1x128xi32, #tpu.memory_space<vmem>>
          %dma_wait3A_118 = tpu.memref_squeeze %dma_wait3A_117 : memref<1x128xi32, #tpu.memory_space<vmem>> -> memref<128xi32, #tpu.memory_space<vmem>>
          %dma_wait3A_119 = arith.constant 0 : i32
          %dma_wait3A_120 = arith.constant 0 : i32
          %dma_wait3A_121 = arith.constant 0 : i32
          %dma_wait3A_122 = tpu.memref_slice %arg10[%dma_wait3A_119, %dma_wait3A_120, %dma_wait3A_121] : memref<10240x2x128xbf16, #tpu.memory_space<vmem_shared>> -> memref<10240x2x128xbf16, #tpu.memory_space<vmem_shared>>
          tpu.wait_indirect_dma semaphore(%arg14 : memref<!tpu.dma_semaphore, #tpu.memory_space<semaphore_mem>>) src(%arg9 : memref<128x2x128xbf16, #tpu.memory_space<vmem>>) dst(%dma_wait3A_122 : memref<10240x2x128xbf16, #tpu.memory_space<vmem_shared>>)
        } else {
        }
        %mul3A_66 = arith.constant 128 : i32
        %mul3A_67 = arith.muli %add3A_61, %mul3A_66 : i32
        %dma_start3A_68 = tpu.memref_slice %arg6[%mul3A_67] : memref<5120xi32, #tpu.memory_space<vmem>> -> memref<128xi32, #tpu.memory_space<vmem>>
        %dma_start3A_69 = arith.constant 0 : i32
        %dma_start3A_70 = arith.constant 0 : i32
        %dma_start3A_71 = arith.constant 0 : i32
        %dma_start3A_72 = tpu.memref_slice %arg2[%dma_start3A_69, %dma_start3A_70, %dma_start3A_71] : memref<10000x2x128xbf16, #tpu.memory_space<hbm>> -> memref<10000x2x128xbf16, #tpu.memory_space<hbm>>
        tpu.enqueue_indirect_dma source(%dma_start3A_72 : memref<10000x2x128xbf16, #tpu.memory_space<hbm>>) target(%arg9 : memref<128x2x128xbf16, #tpu.memory_space<vmem>>) offsets(%dma_start3A_68 : memref<128xi32, #tpu.memory_space<vmem>>) semaphore(%arg12 : memref<!tpu.dma_semaphore, #tpu.memory_space<semaphore_mem>>)
        %mul3A_73 = arith.constant 128 : i32
        %mul3A_74 = arith.muli %mul3A_59, %mul3A_73 : i32
        %dma_wait3A_75 = tpu.memref_slice %arg6[%mul3A_74] : memref<5120xi32, #tpu.memory_space<vmem>> -> memref<128xi32, #tpu.memory_space<vmem>>
        %dma_wait3A_76 = arith.constant 0 : i32
        %dma_wait3A_77 = arith.constant 0 : i32
        %dma_wait3A_78 = arith.constant 0 : i32
        %dma_wait3A_79 = tpu.memref_slice %arg2[%dma_wait3A_76, %dma_wait3A_77, %dma_wait3A_78] : memref<10000x2x128xbf16, #tpu.memory_space<hbm>> -> memref<10000x2x128xbf16, #tpu.memory_space<hbm>>
        tpu.wait_indirect_dma semaphore(%arg11 : memref<!tpu.dma_semaphore, #tpu.memory_space<semaphore_mem>>) src(%dma_wait3A_79 : memref<10000x2x128xbf16, #tpu.memory_space<hbm>>) dst(%arg8 : memref<128x2x128xbf16, #tpu.memory_space<vmem>>)
        %dma_start3A_80 = arith.constant 0 : i32
        %dma_start3A_81 = tpu.memref_slice %arg7[%mul3A_59, %dma_start3A_80] : memref<40x128xi32, #tpu.memory_space<vmem>> -> memref<1x128xi32, #tpu.memory_space<vmem>>
        %dma_start3A_82 = tpu.memref_squeeze %dma_start3A_81 : memref<1x128xi32, #tpu.memory_space<vmem>> -> memref<128xi32, #tpu.memory_space<vmem>>
        %dma_start3A_83 = arith.constant 0 : i32
        %dma_start3A_84 = arith.constant 0 : i32
        %dma_start3A_85 = arith.constant 0 : i32
        %dma_start3A_86 = tpu.memref_slice %arg10[%dma_start3A_83, %dma_start3A_84, %dma_start3A_85] : memref<10240x2x128xbf16, #tpu.memory_space<vmem_shared>> -> memref<10240x2x128xbf16, #tpu.memory_space<vmem_shared>>
        tpu.enqueue_indirect_dma source(%arg8 : memref<128x2x128xbf16, #tpu.memory_space<vmem>>) target(%dma_start3A_86 : memref<10240x2x128xbf16, #tpu.memory_space<vmem_shared>>) offsets(%dma_start3A_82 : memref<128xi32, #tpu.memory_space<vmem>>) semaphore(%arg13 : memref<!tpu.dma_semaphore, #tpu.memory_space<semaphore_mem>>) {add = true}
        %dma_wait3A_87 = arith.constant 0 : i32
        %dma_wait3A_88 = tpu.memref_slice %arg7[%mul3A_59, %dma_wait3A_87] : memref<40x128xi32, #tpu.memory_space<vmem>> -> memref<1x128xi32, #tpu.memory_space<vmem>>
        %dma_wait3A_89 = tpu.memref_squeeze %dma_wait3A_88 : memref<1x128xi32, #tpu.memory_space<vmem>> -> memref<128xi32, #tpu.memory_space<vmem>>
        %dma_wait3A_90 = arith.constant 0 : i32
        %dma_wait3A_91 = arith.constant 0 : i32
        %dma_wait3A_92 = arith.constant 0 : i32
        %dma_wait3A_93 = tpu.memref_slice %arg10[%dma_wait3A_90, %dma_wait3A_91, %dma_wait3A_92] : memref<10240x2x128xbf16, #tpu.memory_space<vmem_shared>> -> memref<10240x2x128xbf16, #tpu.memory_space<vmem_shared>>
        tpu.wait_indirect_dma semaphore(%arg13 : memref<!tpu.dma_semaphore, #tpu.memory_space<semaphore_mem>>) src(%arg8 : memref<128x2x128xbf16, #tpu.memory_space<vmem>>) dst(%dma_wait3A_93 : memref<10240x2x128xbf16, #tpu.memory_space<vmem_shared>>)
        %add3A_94 = arith.constant 1 : i32
        %add3A_95 = arith.addi %add3A_61, %add3A_94 : i32
        %lt3A = arith.constant 40 : i32
        %lt3A_96 = arith.cmpi slt, %add3A_95, %lt3A : i32
        %convert_element_type3A_97 = arith.extui %lt3A_96 : i1 to i32
        %cond3A_98 = arith.constant 0 : i32
        %cond3A_99 = arith.cmpi ne, %convert_element_type3A_97, %cond3A_98 : i32
        scf.if %cond3A_99 {
          %add3A_115 = arith.constant 1 : i32
          %add3A_116 = arith.addi %add3A_61, %add3A_115 : i32
          %mul3A_117 = arith.constant 128 : i32
          %mul3A_118 = arith.muli %add3A_116, %mul3A_117 : i32
          %dma_start3A_119 = tpu.memref_slice %arg6[%mul3A_118] : memref<5120xi32, #tpu.memory_space<vmem>> -> memref<128xi32, #tpu.memory_space<vmem>>
          %dma_start3A_120 = arith.constant 0 : i32
          %dma_start3A_121 = arith.constant 0 : i32
          %dma_start3A_122 = arith.constant 0 : i32
          %dma_start3A_123 = tpu.memref_slice %arg2[%dma_start3A_120, %dma_start3A_121, %dma_start3A_122] : memref<10000x2x128xbf16, #tpu.memory_space<hbm>> -> memref<10000x2x128xbf16, #tpu.memory_space<hbm>>
          tpu.enqueue_indirect_dma source(%dma_start3A_123 : memref<10000x2x128xbf16, #tpu.memory_space<hbm>>) target(%arg8 : memref<128x2x128xbf16, #tpu.memory_space<vmem>>) offsets(%dma_start3A_119 : memref<128xi32, #tpu.memory_space<vmem>>) semaphore(%arg11 : memref<!tpu.dma_semaphore, #tpu.memory_space<semaphore_mem>>)
        } else {
        }
        %mul3A_100 = arith.constant 128 : i32
        %mul3A_101 = arith.muli %add3A_61, %mul3A_100 : i32
        %dma_wait3A_102 = tpu.memref_slice %arg6[%mul3A_101] : memref<5120xi32, #tpu.memory_space<vmem>> -> memref<128xi32, #tpu.memory_space<vmem>>
        %dma_wait3A_103 = arith.constant 0 : i32
        %dma_wait3A_104 = arith.constant 0 : i32
        %dma_wait3A_105 = arith.constant 0 : i32
        %dma_wait3A_106 = tpu.memref_slice %arg2[%dma_wait3A_103, %dma_wait3A_104, %dma_wait3A_105] : memref<10000x2x128xbf16, #tpu.memory_space<hbm>> -> memref<10000x2x128xbf16, #tpu.memory_space<hbm>>
        tpu.wait_indirect_dma semaphore(%arg12 : memref<!tpu.dma_semaphore, #tpu.memory_space<semaphore_mem>>) src(%dma_wait3A_106 : memref<10000x2x128xbf16, #tpu.memory_space<hbm>>) dst(%arg9 : memref<128x2x128xbf16, #tpu.memory_space<vmem>>)
        %dma_start3A_107 = arith.constant 0 : i32
        %dma_start3A_108 = tpu.memref_slice %arg7[%add3A_61, %dma_start3A_107] : memref<40x128xi32, #tpu.memory_space<vmem>> -> memref<1x128xi32, #tpu.memory_space<vmem>>
        %dma_start3A_109 = tpu.memref_squeeze %dma_start3A_108 : memref<1x128xi32, #tpu.memory_space<vmem>> -> memref<128xi32, #tpu.memory_space<vmem>>
        %dma_start3A_110 = arith.constant 0 : i32
        %dma_start3A_111 = arith.constant 0 : i32
        %dma_start3A_112 = arith.constant 0 : i32
        %dma_start3A_113 = tpu.memref_slice %arg10[%dma_start3A_110, %dma_start3A_111, %dma_start3A_112] : memref<10240x2x128xbf16, #tpu.memory_space<vmem_shared>> -> memref<10240x2x128xbf16, #tpu.memory_space<vmem_shared>>
        tpu.enqueue_indirect_dma source(%arg9 : memref<128x2x128xbf16, #tpu.memory_space<vmem>>) target(%dma_start3A_113 : memref<10240x2x128xbf16, #tpu.memory_space<vmem_shared>>) offsets(%dma_start3A_109 : memref<128xi32, #tpu.memory_space<vmem>>) semaphore(%arg14 : memref<!tpu.dma_semaphore, #tpu.memory_space<semaphore_mem>>) {add = true}
        %scan3A_114 = arith.constant 0 : i32
        scf.yield %scan3A_114 : i32
      }
      %scan3A_48 = arith.constant 20 : i32
      %dma_wait3A = arith.constant 39 : i32
      %dma_wait3A_49 = arith.constant 0 : i32
      %dma_wait3A_50 = tpu.memref_slice %arg7[%dma_wait3A, %dma_wait3A_49] : memref<40x128xi32, #tpu.memory_space<vmem>> -> memref<1x128xi32, #tpu.memory_space<vmem>>
      %dma_wait3A_51 = tpu.memref_squeeze %dma_wait3A_50 : memref<1x128xi32, #tpu.memory_space<vmem>> -> memref<128xi32, #tpu.memory_space<vmem>>
      %dma_wait3A_52 = arith.constant 0 : i32
      %dma_wait3A_53 = arith.constant 0 : i32
      %dma_wait3A_54 = arith.constant 0 : i32
      %dma_wait3A_55 = tpu.memref_slice %arg10[%dma_wait3A_52, %dma_wait3A_53, %dma_wait3A_54] : memref<10240x2x128xbf16, #tpu.memory_space<vmem_shared>> -> memref<10240x2x128xbf16, #tpu.memory_space<vmem_shared>>
      tpu.wait_indirect_dma semaphore(%arg14 : memref<!tpu.dma_semaphore, #tpu.memory_space<semaphore_mem>>) src(%arg9 : memref<128x2x128xbf16, #tpu.memory_space<vmem>>) dst(%dma_wait3A_55 : memref<10240x2x128xbf16, #tpu.memory_space<vmem_shared>>)
    } else {
    }
    %eq3A_15 = arith.constant 1 : i32
    %eq3A_16 = arith.cmpi eq, %arg0, %eq3A_15 : i32
    %convert_element_type3A_17 = arith.extui %eq3A_16 : i1 to i32
    %cond3A_18 = arith.constant 0 : i32
    %cond3A_19 = arith.cmpi ne, %convert_element_type3A_17, %cond3A_18 : i32
    scf.if %cond3A_19 {
      %mul3A_24 = arith.constant 40 : i32
      %mul3A_25 = arith.muli %arg1, %mul3A_24 : i32
      %add3A = arith.constant 0 : i32
      %add3A_26 = arith.addi %mul3A_25, %add3A : i32
      %mul3A_27 = arith.constant 128 : i32
      %mul3A_28 = arith.muli %add3A_26, %mul3A_27 : i32
      %add3A_29 = arith.constant 81920 : i32
      %add3A_30 = arith.addi %add3A_29, %mul3A_28 : i32
      "tpu.region"() ({
        %run_scoped3A = tpu.sem_alloc : memref<!tpu.dma_semaphore, #tpu.memory_space<semaphore_mem>>
        %dma_start3A_56 = tpu.memref_slice %arg3[%add3A_30] : memref<163840xi32, #tpu.memory_space<hbm>> -> memref<5120xi32, #tpu.memory_space<hbm>>
        %dma_start3A_57 = tpu.memref_slice %arg3[%add3A_30] : memref<163840xi32, #tpu.memory_space<hbm>> -> memref<5120xi32, #tpu.memory_space<hbm>>
        tpu.enqueue_dma source(%dma_start3A_57 : memref<5120xi32, #tpu.memory_space<hbm>>) target(%arg6 : memref<5120xi32, #tpu.memory_space<vmem>>) target_semaphore(%run_scoped3A : memref<!tpu.dma_semaphore, #tpu.memory_space<semaphore_mem>>)
        %dma_wait3A_58 = tpu.memref_slice %arg3[%add3A_30] : memref<163840xi32, #tpu.memory_space<hbm>> -> memref<5120xi32, #tpu.memory_space<hbm>>
        %dma_wait3A_59 = tpu.memref_slice %arg3[%add3A_30] : memref<163840xi32, #tpu.memory_space<hbm>> -> memref<5120xi32, #tpu.memory_space<hbm>>
        tpu.wait_dma2 semaphore(%run_scoped3A : memref<!tpu.dma_semaphore, #tpu.memory_space<semaphore_mem>>) src(%dma_wait3A_59 : memref<5120xi32, #tpu.memory_space<hbm>>) dst(%arg6 : memref<5120xi32, #tpu.memory_space<vmem>>)
        tpu.yield
      }) : () -> ()
      %mul3A_31 = arith.constant 40 : i32
      %mul3A_32 = arith.muli %arg1, %mul3A_31 : i32
      %add3A_33 = arith.constant 640 : i32
      %add3A_34 = arith.addi %add3A_33, %mul3A_32 : i32
      %add3A_35 = arith.constant 0 : i32
      %add3A_36 = arith.addi %add3A_34, %add3A_35 : i32
      "tpu.region"() ({
        %run_scoped3A = tpu.sem_alloc : memref<!tpu.dma_semaphore, #tpu.memory_space<semaphore_mem>>
        %dma_start3A_56 = arith.constant 0 : i32
        %dma_start3A_57 = tpu.memref_slice %arg4[%add3A_36, %dma_start3A_56] : memref<1280x128xi32, #tpu.memory_space<hbm>> -> memref<40x128xi32, #tpu.memory_space<hbm>>
        %dma_start3A_58 = arith.constant 0 : i32
        %dma_start3A_59 = tpu.memref_slice %arg4[%add3A_36, %dma_start3A_58] : memref<1280x128xi32, #tpu.memory_space<hbm>> -> memref<40x128xi32, #tpu.memory_space<hbm>>
        tpu.enqueue_dma source(%dma_start3A_59 : memref<40x128xi32, #tpu.memory_space<hbm>>) target(%arg7 : memref<40x128xi32, #tpu.memory_space<vmem>>) target_semaphore(%run_scoped3A : memref<!tpu.dma_semaphore, #tpu.memory_space<semaphore_mem>>)
        %dma_wait3A_60 = arith.constant 0 : i32
        %dma_wait3A_61 = tpu.memref_slice %arg4[%add3A_36, %dma_wait3A_60] : memref<1280x128xi32, #tpu.memory_space<hbm>> -> memref<40x128xi32, #tpu.memory_space<hbm>>
        %dma_wait3A_62 = arith.constant 0 : i32
        %dma_wait3A_63 = tpu.memref_slice %arg4[%add3A_36, %dma_wait3A_62] : memref<1280x128xi32, #tpu.memory_space<hbm>> -> memref<40x128xi32, #tpu.memory_space<hbm>>
        tpu.wait_dma2 semaphore(%run_scoped3A : memref<!tpu.dma_semaphore, #tpu.memory_space<semaphore_mem>>) src(%dma_wait3A_63 : memref<40x128xi32, #tpu.memory_space<hbm>>) dst(%arg7 : memref<40x128xi32, #tpu.memory_space<vmem>>)
        tpu.yield
      }) : () -> ()
      %dma_start3A = arith.constant 0 : i32
      %dma_start3A_37 = tpu.memref_slice %arg6[%dma_start3A] : memref<5120xi32, #tpu.memory_space<vmem>> -> memref<128xi32, #tpu.memory_space<vmem>>
      %dma_start3A_38 = arith.constant 0 : i32
      %dma_start3A_39 = arith.constant 0 : i32
      %dma_start3A_40 = arith.constant 0 : i32
      %dma_start3A_41 = tpu.memref_slice %arg2[%dma_start3A_38, %dma_start3A_39, %dma_start3A_40] : memref<10000x2x128xbf16, #tpu.memory_space<hbm>> -> memref<10000x2x128xbf16, #tpu.memory_space<hbm>>
      tpu.enqueue_indirect_dma source(%dma_start3A_41 : memref<10000x2x128xbf16, #tpu.memory_space<hbm>>) target(%arg8 : memref<128x2x128xbf16, #tpu.memory_space<vmem>>) offsets(%dma_start3A_37 : memref<128xi32, #tpu.memory_space<vmem>>) semaphore(%arg11 : memref<!tpu.dma_semaphore, #tpu.memory_space<semaphore_mem>>)
      %scan3A_42 = arith.constant 0 : i32
      %scan3A_43 = arith.constant 0 : i32
      %scan3A_44 = arith.constant 20 : i32
      %scan3A_45 = arith.addi %scan3A_43, %scan3A_44 : i32
      %scan3A_46 = arith.constant 1 : i32
      %scan3A_47 = scf.for %scan3A_56 = %scan3A_43 to %scan3A_45 step %scan3A_46 iter_args(%scan3A_57 = %scan3A_42) -> (i32)  : i32 {
        %mul3A_58 = arith.constant 2 : i32
        %mul3A_59 = arith.muli %mul3A_58, %scan3A_56 : i32
        %add3A_60 = arith.constant 1 : i32
        %add3A_61 = arith.addi %mul3A_59, %add3A_60 : i32
        %ge3A = arith.constant 1 : i32
        %ge3A_62 = arith.cmpi sge, %scan3A_56, %ge3A : i32
        %convert_element_type3A_63 = arith.extui %ge3A_62 : i1 to i32
        %cond3A_64 = arith.constant 0 : i32
        %cond3A_65 = arith.cmpi ne, %convert_element_type3A_63, %cond3A_64 : i32
        scf.if %cond3A_65 {
          %sub3A = arith.constant 1 : i32
          %sub3A_115 = arith.subi %mul3A_59, %sub3A : i32
          %dma_wait3A_116 = arith.constant 0 : i32
          %dma_wait3A_117 = tpu.memref_slice %arg7[%sub3A_115, %dma_wait3A_116] : memref<40x128xi32, #tpu.memory_space<vmem>> -> memref<1x128xi32, #tpu.memory_space<vmem>>
          %dma_wait3A_118 = tpu.memref_squeeze %dma_wait3A_117 : memref<1x128xi32, #tpu.memory_space<vmem>> -> memref<128xi32, #tpu.memory_space<vmem>>
          %dma_wait3A_119 = arith.constant 0 : i32
          %dma_wait3A_120 = arith.constant 0 : i32
          %dma_wait3A_121 = arith.constant 0 : i32
          %dma_wait3A_122 = tpu.memref_slice %arg10[%dma_wait3A_119, %dma_wait3A_120, %dma_wait3A_121] : memref<10240x2x128xbf16, #tpu.memory_space<vmem_shared>> -> memref<10240x2x128xbf16, #tpu.memory_space<vmem_shared>>
          tpu.wait_indirect_dma semaphore(%arg14 : memref<!tpu.dma_semaphore, #tpu.memory_space<semaphore_mem>>) src(%arg9 : memref<128x2x128xbf16, #tpu.memory_space<vmem>>) dst(%dma_wait3A_122 : memref<10240x2x128xbf16, #tpu.memory_space<vmem_shared>>)
        } else {
        }
        %mul3A_66 = arith.constant 128 : i32
        %mul3A_67 = arith.muli %add3A_61, %mul3A_66 : i32
        %dma_start3A_68 = tpu.memref_slice %arg6[%mul3A_67] : memref<5120xi32, #tpu.memory_space<vmem>> -> memref<128xi32, #tpu.memory_space<vmem>>
        %dma_start3A_69 = arith.constant 0 : i32
        %dma_start3A_70 = arith.constant 0 : i32
        %dma_start3A_71 = arith.constant 0 : i32
        %dma_start3A_72 = tpu.memref_slice %arg2[%dma_start3A_69, %dma_start3A_70, %dma_start3A_71] : memref<10000x2x128xbf16, #tpu.memory_space<hbm>> -> memref<10000x2x128xbf16, #tpu.memory_space<hbm>>
        tpu.enqueue_indirect_dma source(%dma_start3A_72 : memref<10000x2x128xbf16, #tpu.memory_space<hbm>>) target(%arg9 : memref<128x2x128xbf16, #tpu.memory_space<vmem>>) offsets(%dma_start3A_68 : memref<128xi32, #tpu.memory_space<vmem>>) semaphore(%arg12 : memref<!tpu.dma_semaphore, #tpu.memory_space<semaphore_mem>>)
        %mul3A_73 = arith.constant 128 : i32
        %mul3A_74 = arith.muli %mul3A_59, %mul3A_73 : i32
        %dma_wait3A_75 = tpu.memref_slice %arg6[%mul3A_74] : memref<5120xi32, #tpu.memory_space<vmem>> -> memref<128xi32, #tpu.memory_space<vmem>>
        %dma_wait3A_76 = arith.constant 0 : i32
        %dma_wait3A_77 = arith.constant 0 : i32
        %dma_wait3A_78 = arith.constant 0 : i32
        %dma_wait3A_79 = tpu.memref_slice %arg2[%dma_wait3A_76, %dma_wait3A_77, %dma_wait3A_78] : memref<10000x2x128xbf16, #tpu.memory_space<hbm>> -> memref<10000x2x128xbf16, #tpu.memory_space<hbm>>
        tpu.wait_indirect_dma semaphore(%arg11 : memref<!tpu.dma_semaphore, #tpu.memory_space<semaphore_mem>>) src(%dma_wait3A_79 : memref<10000x2x128xbf16, #tpu.memory_space<hbm>>) dst(%arg8 : memref<128x2x128xbf16, #tpu.memory_space<vmem>>)
        %dma_start3A_80 = arith.constant 0 : i32
        %dma_start3A_81 = tpu.memref_slice %arg7[%mul3A_59, %dma_start3A_80] : memref<40x128xi32, #tpu.memory_space<vmem>> -> memref<1x128xi32, #tpu.memory_space<vmem>>
        %dma_start3A_82 = tpu.memref_squeeze %dma_start3A_81 : memref<1x128xi32, #tpu.memory_space<vmem>> -> memref<128xi32, #tpu.memory_space<vmem>>
        %dma_start3A_83 = arith.constant 0 : i32
        %dma_start3A_84 = arith.constant 0 : i32
        %dma_start3A_85 = arith.constant 0 : i32
        %dma_start3A_86 = tpu.memref_slice %arg10[%dma_start3A_83, %dma_start3A_84, %dma_start3A_85] : memref<10240x2x128xbf16, #tpu.memory_space<vmem_shared>> -> memref<10240x2x128xbf16, #tpu.memory_space<vmem_shared>>
        tpu.enqueue_indirect_dma source(%arg8 : memref<128x2x128xbf16, #tpu.memory_space<vmem>>) target(%dma_start3A_86 : memref<10240x2x128xbf16, #tpu.memory_space<vmem_shared>>) offsets(%dma_start3A_82 : memref<128xi32, #tpu.memory_space<vmem>>) semaphore(%arg13 : memref<!tpu.dma_semaphore, #tpu.memory_space<semaphore_mem>>) {add = true}
        %dma_wait3A_87 = arith.constant 0 : i32
        %dma_wait3A_88 = tpu.memref_slice %arg7[%mul3A_59, %dma_wait3A_87] : memref<40x128xi32, #tpu.memory_space<vmem>> -> memref<1x128xi32, #tpu.memory_space<vmem>>
        %dma_wait3A_89 = tpu.memref_squeeze %dma_wait3A_88 : memref<1x128xi32, #tpu.memory_space<vmem>> -> memref<128xi32, #tpu.memory_space<vmem>>
        %dma_wait3A_90 = arith.constant 0 : i32
        %dma_wait3A_91 = arith.constant 0 : i32
        %dma_wait3A_92 = arith.constant 0 : i32
        %dma_wait3A_93 = tpu.memref_slice %arg10[%dma_wait3A_90, %dma_wait3A_91, %dma_wait3A_92] : memref<10240x2x128xbf16, #tpu.memory_space<vmem_shared>> -> memref<10240x2x128xbf16, #tpu.memory_space<vmem_shared>>
        tpu.wait_indirect_dma semaphore(%arg13 : memref<!tpu.dma_semaphore, #tpu.memory_space<semaphore_mem>>) src(%arg8 : memref<128x2x128xbf16, #tpu.memory_space<vmem>>) dst(%dma_wait3A_93 : memref<10240x2x128xbf16, #tpu.memory_space<vmem_shared>>)
        %add3A_94 = arith.constant 1 : i32
        %add3A_95 = arith.addi %add3A_61, %add3A_94 : i32
        %lt3A = arith.constant 40 : i32
        %lt3A_96 = arith.cmpi slt, %add3A_95, %lt3A : i32
        %convert_element_type3A_97 = arith.extui %lt3A_96 : i1 to i32
        %cond3A_98 = arith.constant 0 : i32
        %cond3A_99 = arith.cmpi ne, %convert_element_type3A_97, %cond3A_98 : i32
        scf.if %cond3A_99 {
          %add3A_115 = arith.constant 1 : i32
          %add3A_116 = arith.addi %add3A_61, %add3A_115 : i32
          %mul3A_117 = arith.constant 128 : i32
          %mul3A_118 = arith.muli %add3A_116, %mul3A_117 : i32
          %dma_start3A_119 = tpu.memref_slice %arg6[%mul3A_118] : memref<5120xi32, #tpu.memory_space<vmem>> -> memref<128xi32, #tpu.memory_space<vmem>>
          %dma_start3A_120 = arith.constant 0 : i32
          %dma_start3A_121 = arith.constant 0 : i32
          %dma_start3A_122 = arith.constant 0 : i32
          %dma_start3A_123 = tpu.memref_slice %arg2[%dma_start3A_120, %dma_start3A_121, %dma_start3A_122] : memref<10000x2x128xbf16, #tpu.memory_space<hbm>> -> memref<10000x2x128xbf16, #tpu.memory_space<hbm>>
          tpu.enqueue_indirect_dma source(%dma_start3A_123 : memref<10000x2x128xbf16, #tpu.memory_space<hbm>>) target(%arg8 : memref<128x2x128xbf16, #tpu.memory_space<vmem>>) offsets(%dma_start3A_119 : memref<128xi32, #tpu.memory_space<vmem>>) semaphore(%arg11 : memref<!tpu.dma_semaphore, #tpu.memory_space<semaphore_mem>>)
        } else {
        }
        %mul3A_100 = arith.constant 128 : i32
        %mul3A_101 = arith.muli %add3A_61, %mul3A_100 : i32
        %dma_wait3A_102 = tpu.memref_slice %arg6[%mul3A_101] : memref<5120xi32, #tpu.memory_space<vmem>> -> memref<128xi32, #tpu.memory_space<vmem>>
        %dma_wait3A_103 = arith.constant 0 : i32
        %dma_wait3A_104 = arith.constant 0 : i32
        %dma_wait3A_105 = arith.constant 0 : i32
        %dma_wait3A_106 = tpu.memref_slice %arg2[%dma_wait3A_103, %dma_wait3A_104, %dma_wait3A_105] : memref<10000x2x128xbf16, #tpu.memory_space<hbm>> -> memref<10000x2x128xbf16, #tpu.memory_space<hbm>>
        tpu.wait_indirect_dma semaphore(%arg12 : memref<!tpu.dma_semaphore, #tpu.memory_space<semaphore_mem>>) src(%dma_wait3A_106 : memref<10000x2x128xbf16, #tpu.memory_space<hbm>>) dst(%arg9 : memref<128x2x128xbf16, #tpu.memory_space<vmem>>)
        %dma_start3A_107 = arith.constant 0 : i32
        %dma_start3A_108 = tpu.memref_slice %arg7[%add3A_61, %dma_start3A_107] : memref<40x128xi32, #tpu.memory_space<vmem>> -> memref<1x128xi32, #tpu.memory_space<vmem>>
        %dma_start3A_109 = tpu.memref_squeeze %dma_start3A_108 : memref<1x128xi32, #tpu.memory_space<vmem>> -> memref<128xi32, #tpu.memory_space<vmem>>
        %dma_start3A_110 = arith.constant 0 : i32
        %dma_start3A_111 = arith.constant 0 : i32
        %dma_start3A_112 = arith.constant 0 : i32
        %dma_start3A_113 = tpu.memref_slice %arg10[%dma_start3A_110, %dma_start3A_111, %dma_start3A_112] : memref<10240x2x128xbf16, #tpu.memory_space<vmem_shared>> -> memref<10240x2x128xbf16, #tpu.memory_space<vmem_shared>>
        tpu.enqueue_indirect_dma source(%arg9 : memref<128x2x128xbf16, #tpu.memory_space<vmem>>) target(%dma_start3A_113 : memref<10240x2x128xbf16, #tpu.memory_space<vmem_shared>>) offsets(%dma_start3A_109 : memref<128xi32, #tpu.memory_space<vmem>>) semaphore(%arg14 : memref<!tpu.dma_semaphore, #tpu.memory_space<semaphore_mem>>) {add = true}
        %scan3A_114 = arith.constant 0 : i32
        scf.yield %scan3A_114 : i32
      }
      %scan3A_48 = arith.constant 20 : i32
      %dma_wait3A = arith.constant 39 : i32
      %dma_wait3A_49 = arith.constant 0 : i32
      %dma_wait3A_50 = tpu.memref_slice %arg7[%dma_wait3A, %dma_wait3A_49] : memref<40x128xi32, #tpu.memory_space<vmem>> -> memref<1x128xi32, #tpu.memory_space<vmem>>
      %dma_wait3A_51 = tpu.memref_squeeze %dma_wait3A_50 : memref<1x128xi32, #tpu.memory_space<vmem>> -> memref<128xi32, #tpu.memory_space<vmem>>
      %dma_wait3A_52 = arith.constant 0 : i32
      %dma_wait3A_53 = arith.constant 0 : i32
      %dma_wait3A_54 = arith.constant 0 : i32
      %dma_wait3A_55 = tpu.memref_slice %arg10[%dma_wait3A_52, %dma_wait3A_53, %dma_wait3A_54] : memref<10240x2x128xbf16, #tpu.memory_space<vmem_shared>> -> memref<10240x2x128xbf16, #tpu.memory_space<vmem_shared>>
      tpu.wait_indirect_dma semaphore(%arg14 : memref<!tpu.dma_semaphore, #tpu.memory_space<semaphore_mem>>) src(%arg9 : memref<128x2x128xbf16, #tpu.memory_space<vmem>>) dst(%dma_wait3A_55 : memref<10240x2x128xbf16, #tpu.memory_space<vmem_shared>>)
    } else {
    }
    %barrier3A_20 = arith.constant 0 : index
    tpu.barrier barrier_id(%barrier3A_20)
    %mul3A = arith.constant 640 : i32
    %mul3A_21 = arith.muli %arg1, %mul3A : i32
    %mul3A_22 = arith.constant 640 : i32
    %mul3A_23 = arith.muli %arg1, %mul3A_22 : i32
    "tpu.region"() ({
      %run_scoped3A = tpu.sem_alloc : memref<!tpu.dma_semaphore, #tpu.memory_space<semaphore_mem>>
      %dma_start3A = arith.constant 0 : i32
      %dma_start3A_24 = arith.constant 0 : i32
      %dma_start3A_25 = tpu.memref_slice %arg5[%arg0, %mul3A_23, %dma_start3A, %dma_start3A_24] : memref<2x10240x2x128xbf16, #tpu.memory_space<hbm>> -> memref<1x640x2x128xbf16, #tpu.memory_space<hbm>>
      %dma_start3A_26 = tpu.memref_squeeze %dma_start3A_25 : memref<1x640x2x128xbf16, #tpu.memory_space<hbm>> -> memref<640x2x128xbf16, #tpu.memory_space<hbm>>
      %dma_start3A_27 = arith.constant 0 : i32
      %dma_start3A_28 = arith.constant 0 : i32
      %dma_start3A_29 = tpu.memref_slice %arg10[%mul3A_21, %dma_start3A_27, %dma_start3A_28] : memref<10240x2x128xbf16, #tpu.memory_space<vmem_shared>> -> memref<640x2x128xbf16, #tpu.memory_space<vmem_shared>>
      tpu.enqueue_dma source(%dma_start3A_29 : memref<640x2x128xbf16, #tpu.memory_space<vmem_shared>>) target(%dma_start3A_26 : memref<640x2x128xbf16, #tpu.memory_space<hbm>>) target_semaphore(%run_scoped3A : memref<!tpu.dma_semaphore, #tpu.memory_space<semaphore_mem>>)
      %dma_wait3A = arith.constant 0 : i32
      %dma_wait3A_30 = arith.constant 0 : i32
      %dma_wait3A_31 = tpu.memref_slice %arg5[%arg0, %mul3A_23, %dma_wait3A, %dma_wait3A_30] : memref<2x10240x2x128xbf16, #tpu.memory_space<hbm>> -> memref<1x640x2x128xbf16, #tpu.memory_space<hbm>>
      %dma_wait3A_32 = tpu.memref_squeeze %dma_wait3A_31 : memref<1x640x2x128xbf16, #tpu.memory_space<hbm>> -> memref<640x2x128xbf16, #tpu.memory_space<hbm>>
      %dma_wait3A_33 = arith.constant 0 : i32
      %dma_wait3A_34 = arith.constant 0 : i32
      %dma_wait3A_35 = tpu.memref_slice %arg10[%mul3A_21, %dma_wait3A_33, %dma_wait3A_34] : memref<10240x2x128xbf16, #tpu.memory_space<vmem_shared>> -> memref<640x2x128xbf16, #tpu.memory_space<vmem_shared>>
      tpu.wait_dma2 semaphore(%run_scoped3A : memref<!tpu.dma_semaphore, #tpu.memory_space<semaphore_mem>>) src(%dma_wait3A_35 : memref<640x2x128xbf16, #tpu.memory_space<vmem_shared>>) dst(%dma_wait3A_32 : memref<640x2x128xbf16, #tpu.memory_space<hbm>>)
      tpu.yield
    }) : () -> ()
    return
  }
}

#map = affine_map<(d0, d1) -> (0)>
module attributes {stable_mosaic.version = 14 : i64} {
  func.func @_sc_deg_body(%arg0: i32, %arg1: i32, %arg2: memref<163840xi32, #tpu.memory_space<hbm>>, %arg3: memref<20480xf32, #tpu.memory_space<hbm>>, %arg4: memref<10240xf32, #tpu.memory_space<vmem>>, %arg5: memref<5120xi32, #tpu.memory_space<vmem>>, %arg6: memref<640xf32, #tpu.memory_space<vmem>>, %arg7: memref<640xf32, #tpu.memory_space<vmem>>, %arg8: memref<163840xf32, #tpu.memory_space<vmem_shared>>) attributes {dimension_semantics = [#tpu.dimension_semantics<core_parallel>, #tpu.dimension_semantics<subcore_parallel>], iteration_bounds = array<i64: 2, 16>, scalar_prefetch = 0 : i64, scratch_operands = 5 : i64, tpu.core_type = #tpu.core_type<sc_vector_subcore>, window_params = [{transform_indices = #map}, {transform_indices = #map}]} {
    %mul3A = arith.constant 16 : i32
    %mul3A_0 = arith.muli %arg0, %mul3A : i32
    %add3A = arith.addi %mul3A_0, %arg1 : i32
    %scan3A = arith.constant 0 : i32
    %scan3A_1 = arith.constant 0 : i32
    %scan3A_2 = arith.constant 640 : i32
    %scan3A_3 = arith.addi %scan3A_1, %scan3A_2 : i32
    %scan3A_4 = arith.constant 1 : i32
    %scan3A_5 = scf.for %scan3A_31 = %scan3A_1 to %scan3A_3 step %scan3A_4 iter_args(%scan3A_32 = %scan3A) -> (i32)  : i32 {
      %broadcast_in_dim3A_33 = arith.constant 0.000000e+00 : f32
      %broadcast_in_dim3A_34 = vector.broadcast %broadcast_in_dim3A_33 : f32 to vector<16xf32>
      %mul3A_35 = arith.constant 16 : i32
      %mul3A_36 = arith.muli %scan3A_31, %mul3A_35 : i32
      %swap3A = arith.index_cast %mul3A_36 : i32 to index
      %swap3A_37 = tpu.vector_load %arg4[%swap3A] {strides = array<i32>} : memref<10240xf32, #tpu.memory_space<vmem>>, vector<16xf32>,
      tpu.vector_store %arg4[%swap3A], %broadcast_in_dim3A_34 {strides = array<i32>} : memref<10240xf32, #tpu.memory_space<vmem>>, vector<16xf32>,
      %scan3A_38 = arith.constant 0 : i32
      scf.yield %scan3A_38 : i32
    }
    %scan3A_6 = arith.constant 640 : i32
    %mul3A_7 = arith.constant 5120 : i32
    %mul3A_8 = arith.muli %add3A, %mul3A_7 : i32
    "tpu.region"() ({
      %run_scoped3A = tpu.sem_alloc : memref<!tpu.dma_semaphore, #tpu.memory_space<semaphore_mem>>
      %dma_start3A = tpu.memref_slice %arg2[%mul3A_8] : memref<163840xi32, #tpu.memory_space<hbm>> -> memref<5120xi32, #tpu.memory_space<hbm>>
      %dma_start3A_31 = tpu.memref_slice %arg2[%mul3A_8] : memref<163840xi32, #tpu.memory_space<hbm>> -> memref<5120xi32, #tpu.memory_space<hbm>>
      tpu.enqueue_dma source(%dma_start3A_31 : memref<5120xi32, #tpu.memory_space<hbm>>) target(%arg5 : memref<5120xi32, #tpu.memory_space<vmem>>) target_semaphore(%run_scoped3A : memref<!tpu.dma_semaphore, #tpu.memory_space<semaphore_mem>>)
      %dma_wait3A = tpu.memref_slice %arg2[%mul3A_8] : memref<163840xi32, #tpu.memory_space<hbm>> -> memref<5120xi32, #tpu.memory_space<hbm>>
      %dma_wait3A_32 = tpu.memref_slice %arg2[%mul3A_8] : memref<163840xi32, #tpu.memory_space<hbm>> -> memref<5120xi32, #tpu.memory_space<hbm>>
      tpu.wait_dma2 semaphore(%run_scoped3A : memref<!tpu.dma_semaphore, #tpu.memory_space<semaphore_mem>>) src(%dma_wait3A_32 : memref<5120xi32, #tpu.memory_space<hbm>>) dst(%arg5 : memref<5120xi32, #tpu.memory_space<vmem>>)
      tpu.yield
    }) : () -> ()
    %broadcast_in_dim3A = arith.constant 1.000000e+00 : f32
    %broadcast_in_dim3A_9 = vector.broadcast %broadcast_in_dim3A : f32 to vector<16xf32>
    %scan3A_10 = arith.constant 0 : i32
    %scan3A_11 = arith.constant 0 : i32
    %scan3A_12 = arith.constant 320 : i32
    %scan3A_13 = arith.addi %scan3A_11, %scan3A_12 : i32
    %scan3A_14 = arith.constant 1 : i32
    %scan3A_15 = scf.for %scan3A_31 = %scan3A_11 to %scan3A_13 step %scan3A_14 iter_args(%scan3A_32 = %scan3A_10) -> (i32)  : i32 {
      %mul3A_33 = arith.constant 16 : i32
      %mul3A_34 = arith.muli %scan3A_31, %mul3A_33 : i32
      %get3A = arith.index_cast %mul3A_34 : i32 to index
      %get3A_35 = tpu.vector_load %arg5[%get3A] {strides = array<i32>} : memref<5120xi32, #tpu.memory_space<vmem>>, vector<16xi32>,
      tpu.vector_store_idx %arg4[%get3A_35], %broadcast_in_dim3A_9 {add = true} : memref<10240xf32, #tpu.memory_space<vmem>>[vector<16xi32>], vector<16xf32>,
      %scan3A_36 = arith.constant 0 : i32
      scf.yield %scan3A_36 : i32
    }
    %scan3A_16 = arith.constant 320 : i32
    %mul3A_17 = arith.constant 10240 : i32
    %mul3A_18 = arith.muli %arg1, %mul3A_17 : i32
    "tpu.region"() ({
      %run_scoped3A = tpu.sem_alloc : memref<!tpu.dma_semaphore, #tpu.memory_space<semaphore_mem>>
      %dma_start3A = tpu.memref_slice %arg8[%mul3A_18] : memref<163840xf32, #tpu.memory_space<vmem_shared>> -> memref<10240xf32, #tpu.memory_space<vmem_shared>>
      %dma_start3A_31 = tpu.memref_slice %arg8[%mul3A_18] : memref<163840xf32, #tpu.memory_space<vmem_shared>> -> memref<10240xf32, #tpu.memory_space<vmem_shared>>
      tpu.enqueue_dma source(%arg4 : memref<10240xf32, #tpu.memory_space<vmem>>) target(%dma_start3A_31 : memref<10240xf32, #tpu.memory_space<vmem_shared>>) target_semaphore(%run_scoped3A : memref<!tpu.dma_semaphore, #tpu.memory_space<semaphore_mem>>)
      %dma_wait3A = tpu.memref_slice %arg8[%mul3A_18] : memref<163840xf32, #tpu.memory_space<vmem_shared>> -> memref<10240xf32, #tpu.memory_space<vmem_shared>>
      %dma_wait3A_32 = tpu.memref_slice %arg8[%mul3A_18] : memref<163840xf32, #tpu.memory_space<vmem_shared>> -> memref<10240xf32, #tpu.memory_space<vmem_shared>>
      tpu.wait_dma2 semaphore(%run_scoped3A : memref<!tpu.dma_semaphore, #tpu.memory_space<semaphore_mem>>) src(%arg4 : memref<10240xf32, #tpu.memory_space<vmem>>) dst(%dma_wait3A_32 : memref<10240xf32, #tpu.memory_space<vmem_shared>>)
      tpu.yield
    }) : () -> ()
    %barrier3A = arith.constant 0 : index
    tpu.barrier barrier_id(%barrier3A)
    %mul3A_19 = arith.constant 640 : i32
    %mul3A_20 = arith.muli %arg1, %mul3A_19 : i32
    "tpu.region"() ({
      %run_scoped3A = tpu.sem_alloc : memref<!tpu.dma_semaphore, #tpu.memory_space<semaphore_mem>>
      %dma_start3A = tpu.memref_slice %arg8[%mul3A_20] : memref<163840xf32, #tpu.memory_space<vmem_shared>> -> memref<640xf32, #tpu.memory_space<vmem_shared>>
      %dma_start3A_31 = tpu.memref_slice %arg8[%mul3A_20] : memref<163840xf32, #tpu.memory_space<vmem_shared>> -> memref<640xf32, #tpu.memory_space<vmem_shared>>
      tpu.enqueue_dma source(%dma_start3A_31 : memref<640xf32, #tpu.memory_space<vmem_shared>>) target(%arg6 : memref<640xf32, #tpu.memory_space<vmem>>) target_semaphore(%run_scoped3A : memref<!tpu.dma_semaphore, #tpu.memory_space<semaphore_mem>>)
      %dma_wait3A = tpu.memref_slice %arg8[%mul3A_20] : memref<163840xf32, #tpu.memory_space<vmem_shared>> -> memref<640xf32, #tpu.memory_space<vmem_shared>>
      %dma_wait3A_32 = tpu.memref_slice %arg8[%mul3A_20] : memref<163840xf32, #tpu.memory_space<vmem_shared>> -> memref<640xf32, #tpu.memory_space<vmem_shared>>
      tpu.wait_dma2 semaphore(%run_scoped3A : memref<!tpu.dma_semaphore, #tpu.memory_space<semaphore_mem>>) src(%dma_wait3A_32 : memref<640xf32, #tpu.memory_space<vmem_shared>>) dst(%arg6 : memref<640xf32, #tpu.memory_space<vmem>>)
      tpu.yield
    }) : () -> ()
    %scan3A_21 = arith.constant 0 : i32
    %scan3A_22 = arith.constant 1 : i32
    %scan3A_23 = arith.constant 15 : i32
    %scan3A_24 = arith.addi %scan3A_22, %scan3A_23 : i32
    %scan3A_25 = arith.constant 1 : i32
    %scan3A_26 = scf.for %scan3A_31 = %scan3A_22 to %scan3A_24 step %scan3A_25 iter_args(%scan3A_32 = %scan3A_21) -> (i32)  : i32 {
      %mul3A_33 = arith.constant 10240 : i32
      %mul3A_34 = arith.muli %scan3A_31, %mul3A_33 : i32
      %add3A_35 = arith.addi %mul3A_34, %mul3A_20 : i32
      "tpu.region"() ({
        %run_scoped3A = tpu.sem_alloc : memref<!tpu.dma_semaphore, #tpu.memory_space<semaphore_mem>>
        %dma_start3A = tpu.memref_slice %arg8[%add3A_35] : memref<163840xf32, #tpu.memory_space<vmem_shared>> -> memref<640xf32, #tpu.memory_space<vmem_shared>>
        %dma_start3A_44 = tpu.memref_slice %arg8[%add3A_35] : memref<163840xf32, #tpu.memory_space<vmem_shared>> -> memref<640xf32, #tpu.memory_space<vmem_shared>>
        tpu.enqueue_dma source(%dma_start3A_44 : memref<640xf32, #tpu.memory_space<vmem_shared>>) target(%arg7 : memref<640xf32, #tpu.memory_space<vmem>>) target_semaphore(%run_scoped3A : memref<!tpu.dma_semaphore, #tpu.memory_space<semaphore_mem>>)
        %dma_wait3A = tpu.memref_slice %arg8[%add3A_35] : memref<163840xf32, #tpu.memory_space<vmem_shared>> -> memref<640xf32, #tpu.memory_space<vmem_shared>>
        %dma_wait3A_45 = tpu.memref_slice %arg8[%add3A_35] : memref<163840xf32, #tpu.memory_space<vmem_shared>> -> memref<640xf32, #tpu.memory_space<vmem_shared>>
        tpu.wait_dma2 semaphore(%run_scoped3A : memref<!tpu.dma_semaphore, #tpu.memory_space<semaphore_mem>>) src(%dma_wait3A_45 : memref<640xf32, #tpu.memory_space<vmem_shared>>) dst(%arg7 : memref<640xf32, #tpu.memory_space<vmem>>)
        tpu.yield
      }) : () -> ()
      %scan3A_36 = arith.constant 0 : i32
      %scan3A_37 = arith.constant 0 : i32
      %scan3A_38 = arith.constant 40 : i32
      %scan3A_39 = arith.addi %scan3A_37, %scan3A_38 : i32
      %scan3A_40 = arith.constant 1 : i32
      %scan3A_41 = scf.for %scan3A_44 = %scan3A_37 to %scan3A_39 step %scan3A_40 iter_args(%scan3A_45 = %scan3A_36) -> (i32)  : i32 {
        %mul3A_46 = arith.constant 16 : i32
        %mul3A_47 = arith.muli %scan3A_44, %mul3A_46 : i32
        %get3A = arith.index_cast %mul3A_47 : i32 to index
        %get3A_48 = tpu.vector_load %arg6[%get3A] {strides = array<i32>} : memref<640xf32, #tpu.memory_space<vmem>>, vector<16xf32>,
        %get3A_49 = arith.index_cast %mul3A_47 : i32 to index
        %get3A_50 = tpu.vector_load %arg7[%get3A_49] {strides = array<i32>} : memref<640xf32, #tpu.memory_space<vmem>>, vector<16xf32>,
        %add3A_51 = arith.addf %get3A_48, %get3A_50 : vector<16xf32>
        %swap3A = arith.index_cast %mul3A_47 : i32 to index
        %swap3A_52 = tpu.vector_load %arg6[%swap3A] {strides = array<i32>} : memref<640xf32, #tpu.memory_space<vmem>>, vector<16xf32>,
        tpu.vector_store %arg6[%swap3A], %add3A_51 {strides = array<i32>} : memref<640xf32, #tpu.memory_space<vmem>>, vector<16xf32>,
        %scan3A_53 = arith.constant 0 : i32
        scf.yield %scan3A_53 : i32
      }
      %scan3A_42 = arith.constant 40 : i32
      %scan3A_43 = arith.constant 0 : i32
      scf.yield %scan3A_43 : i32
    }
    %scan3A_27 = arith.constant 15 : i32
    %mul3A_28 = arith.constant 10240 : i32
    %mul3A_29 = arith.muli %arg0, %mul3A_28 : i32
    %add3A_30 = arith.addi %mul3A_29, %mul3A_20 : i32
    "tpu.region"() ({
      %run_scoped3A = tpu.sem_alloc : memref<!tpu.dma_semaphore, #tpu.memory_space<semaphore_mem>>
      %dma_start3A = tpu.memref_slice %arg3[%add3A_30] : memref<20480xf32, #tpu.memory_space<hbm>> -> memref<640xf32, #tpu.memory_space<hbm>>
      %dma_start3A_31 = tpu.memref_slice %arg3[%add3A_30] : memref<20480xf32, #tpu.memory_space<hbm>> -> memref<640xf32, #tpu.memory_space<hbm>>
      tpu.enqueue_dma source(%arg6 : memref<640xf32, #tpu.memory_space<vmem>>) target(%dma_start3A_31 : memref<640xf32, #tpu.memory_space<hbm>>) target_semaphore(%run_scoped3A : memref<!tpu.dma_semaphore, #tpu.memory_space<semaphore_mem>>)
      %dma_wait3A = tpu.memref_slice %arg3[%add3A_30] : memref<20480xf32, #tpu.memory_space<hbm>> -> memref<640xf32, #tpu.memory_space<hbm>>
      %dma_wait3A_32 = tpu.memref_slice %arg3[%add3A_30] : memref<20480xf32, #tpu.memory_space<hbm>> -> memref<640xf32, #tpu.memory_space<hbm>>
      tpu.wait_dma2 semaphore(%run_scoped3A : memref<!tpu.dma_semaphore, #tpu.memory_space<semaphore_mem>>) src(%arg6 : memref<640xf32, #tpu.memory_space<vmem>>) dst(%dma_wait3A_32 : memref<640xf32, #tpu.memory_space<hbm>>)
      tpu.yield
    }) : () -> ()
    return
  }
}

#map = affine_map<(d0, d1) -> (0, 0, 0)>
#map1 = affine_map<(d0, d1) -> (0)>
#map2 = affine_map<(d0, d1) -> (0, 0)>
#map3 = affine_map<(d0, d1) -> (0, 0, 0, 0)>
module attributes {stable_mosaic.version = 14 : i64} {
  func.func @_sc_hop_body(%arg0: i32, %arg1: i32, %arg2: memref<10000x2x128xbf16, #tpu.memory_space<hbm>>, %arg3: memref<163840xi32, #tpu.memory_space<hbm>>, %arg4: memref<1280x128xi32, #tpu.memory_space<hbm>>, %arg5: memref<2x10240x2x128xbf16, #tpu.memory_space<hbm>>, %arg6: memref<5120xi32, #tpu.memory_space<vmem>>, %arg7: memref<40x128xi32, #tpu.memory_space<vmem>>, %arg8: memref<128x2x128xbf16, #tpu.memory_space<vmem>>, %arg9: memref<128x2x128xbf16, #tpu.memory_space<vmem>>, %arg10: memref<10240x2x128xbf16, #tpu.memory_space<vmem_shared>>, %arg11: memref<!tpu.dma_semaphore, #tpu.memory_space<semaphore_mem>>, %arg12: memref<!tpu.dma_semaphore, #tpu.memory_space<semaphore_mem>>, %arg13: memref<!tpu.dma_semaphore, #tpu.memory_space<semaphore_mem>>, %arg14: memref<!tpu.dma_semaphore, #tpu.memory_space<semaphore_mem>>) attributes {dimension_semantics = [#tpu.dimension_semantics<core_parallel>, #tpu.dimension_semantics<subcore_parallel>], iteration_bounds = array<i64: 2, 16>, scalar_prefetch = 0 : i64, scratch_operands = 9 : i64, tpu.core_type = #tpu.core_type<sc_vector_subcore>, window_params = [{transform_indices = #map}, {transform_indices = #map1}, {transform_indices = #map2}, {transform_indices = #map3}]} {
    %scan3A = arith.constant 0 : i32
    %scan3A_0 = arith.constant 0 : i32
    %scan3A_1 = arith.constant 1024 : i32
    %scan3A_2 = arith.addi %scan3A_0, %scan3A_1 : i32
    %scan3A_3 = arith.constant 1 : i32
    %scan3A_4 = scf.for %scan3A_24 = %scan3A_0 to %scan3A_2 step %scan3A_3 iter_args(%scan3A_25 = %scan3A) -> (i32)  : i32 {
      %jit3A = arith.constant 8 : i32
      %div3A = arith.divsi %scan3A_24, %jit3A : i32
      %sign3A = arith.constant 0 : i32
      %sign3A_26 = arith.cmpi sgt, %scan3A_24, %sign3A : i32
      %sign3A_27 = arith.extui %sign3A_26 : i1 to i32
      %sign3A_28 = arith.constant 0 : i32
      %sign3A_29 = arith.cmpi slt, %scan3A_24, %sign3A_28 : i32
      %sign3A_30 = arith.extui %sign3A_29 : i1 to i32
      %sign3A_31 = arith.subi %sign3A_27, %sign3A_30 : i32
      %sign3A_32 = arith.constant 0 : i32
      %sign3A_33 = arith.cmpi sgt, %jit3A, %sign3A_32 : i32
      %sign3A_34 = arith.extui %sign3A_33 : i1 to i32
      %sign3A_35 = arith.constant 0 : i32
      %sign3A_36 = arith.cmpi slt, %jit3A, %sign3A_35 : i32
      %sign3A_37 = arith.extui %sign3A_36 : i1 to i32
      %sign3A_38 = arith.subi %sign3A_34, %sign3A_37 : i32
      %ne3A = arith.cmpi ne, %sign3A_31, %sign3A_38 : i32
      %rem3A = arith.remsi %scan3A_24, %jit3A : i32
      %ne3A_39 = arith.constant 0 : i32
      %ne3A_40 = arith.cmpi ne, %rem3A, %ne3A_39 : i32
      %and3A = arith.andi %ne3A, %ne3A_40 : i1
      %sub3A = arith.constant 1 : i32
      %sub3A_41 = arith.subi %div3A, %sub3A : i32
      %select_n3A = arith.select %and3A, %sub3A_41, %div3A : i32
      %jit3A_42 = arith.constant 8 : i32
      %eq3A_43 = arith.constant 0 : i32
      %eq3A_44 = arith.cmpi eq, %jit3A_42, %eq3A_43 : i32
      %jit3A_45 = arith.constant 1 : i32
      %select_n3A_46 = arith.select %eq3A_44, %jit3A_45, %jit3A_42 : i32
      %rem3A_47 = arith.remsi %scan3A_24, %select_n3A_46 : i32
      %ne3A_48 = arith.constant 0 : i32
      %ne3A_49 = arith.cmpi ne, %rem3A_47, %ne3A_48 : i32
      %lt3A = arith.constant 0 : i32
      %lt3A_50 = arith.cmpi slt, %rem3A_47, %lt3A : i32
      %lt3A_51 = arith.constant 0 : i32
      %lt3A_52 = arith.cmpi slt, %select_n3A_46, %lt3A_51 : i32
      %ne3A_53 = arith.xori %lt3A_50, %lt3A_52 : i1
      %and3A_54 = arith.andi %ne3A_53, %ne3A_49 : i1
      %add3A = arith.addi %rem3A_47, %select_n3A_46 : i32
      %select_n3A_55 = arith.select %and3A_54, %add3A, %rem3A_47 : i32
      %broadcast_in_dim3A = arith.constant 0.000000e+00 : bf16
      %broadcast_in_dim3A_56 = vector.broadcast %broadcast_in_dim3A : bf16 to vector<32xbf16>
      %jit3A_57 = arith.constant 4 : i32
      %div3A_58 = arith.divsi %select_n3A_55, %jit3A_57 : i32
      %sign3A_59 = arith.constant 0 : i32
      %sign3A_60 = arith.cmpi sgt, %select_n3A_55, %sign3A_59 : i32
      %sign3A_61 = arith.extui %sign3A_60 : i1 to i32
      %sign3A_62 = arith.constant 0 : i32
      %sign3A_63 = arith.cmpi slt, %select_n3A_55, %sign3A_62 : i32
      %sign3A_64 = arith.extui %sign3A_63 : i1 to i32
      %sign3A_65 = arith.subi %sign3A_61, %sign3A_64 : i32
      %sign3A_66 = arith.constant 0 : i32
      %sign3A_67 = arith.cmpi sgt, %jit3A_57, %sign3A_66 : i32
      %sign3A_68 = arith.extui %sign3A_67 : i1 to i32
      %sign3A_69 = arith.constant 0 : i32
      %sign3A_70 = arith.cmpi slt, %jit3A_57, %sign3A_69 : i32
      %sign3A_71 = arith.extui %sign3A_70 : i1 to i32
      %sign3A_72 = arith.subi %sign3A_68, %sign3A_71 : i32
      %ne3A_73 = arith.cmpi ne, %sign3A_65, %sign3A_72 : i32
      %rem3A_74 = arith.remsi %select_n3A_55, %jit3A_57 : i32
      %ne3A_75 = arith.constant 0 : i32
      %ne3A_76 = arith.cmpi ne, %rem3A_74, %ne3A_75 : i32
      %and3A_77 = arith.andi %ne3A_73, %ne3A_76 : i1
      %sub3A_78 = arith.constant 1 : i32
      %sub3A_79 = arith.subi %div3A_58, %sub3A_78 : i32
      %select_n3A_80 = arith.select %and3A_77, %sub3A_79, %div3A_58 : i32
      %jit3A_81 = arith.constant 4 : i32
      %eq3A_82 = arith.constant 0 : i32
      %eq3A_83 = arith.cmpi eq, %jit3A_81, %eq3A_82 : i32
      %jit3A_84 = arith.constant 1 : i32
      %select_n3A_85 = arith.select %eq3A_83, %jit3A_84, %jit3A_81 : i32
      %rem3A_86 = arith.remsi %select_n3A_55, %select_n3A_85 : i32
      %ne3A_87 = arith.constant 0 : i32
      %ne3A_88 = arith.cmpi ne, %rem3A_86, %ne3A_87 : i32
      %lt3A_89 = arith.constant 0 : i32
      %lt3A_90 = arith.cmpi slt, %rem3A_86, %lt3A_89 : i32
      %lt3A_91 = arith.constant 0 : i32
      %lt3A_92 = arith.cmpi slt, %select_n3A_85, %lt3A_91 : i32
      %ne3A_93 = arith.xori %lt3A_90, %lt3A_92 : i1
      %and3A_94 = arith.andi %ne3A_93, %ne3A_88 : i1
      %add3A_95 = arith.addi %rem3A_86, %select_n3A_85 : i32
      %select_n3A_96 = arith.select %and3A_94, %add3A_95, %rem3A_86 : i32
      %mul3A_97 = arith.constant 32 : i32
      %mul3A_98 = arith.muli %select_n3A_96, %mul3A_97 : i32
      %swap3A = arith.index_cast %select_n3A : i32 to index
      %swap3A_99 = arith.index_cast %select_n3A_80 : i32 to index
      %swap3A_100 = arith.index_cast %mul3A_98 : i32 to index
      %swap3A_101 = tpu.vector_load %arg8[%swap3A, %swap3A_99, %swap3A_100] {strides = array<i32>} : memref<128x2x128xbf16, #tpu.memory_space<vmem>>, vector<32xbf16>,
      tpu.vector_store %arg8[%swap3A, %swap3A_99, %swap3A_100], %broadcast_in_dim3A_56 {strides = array<i32>} : memref<128x2x128xbf16, #tpu.memory_space<vmem>>, vector<32xbf16>,
      %scan3A_102 = arith.constant 0 : i32
      scf.yield %scan3A_102 : i32
    }
    %scan3A_5 = arith.constant 1024 : i32
    %scan3A_6 = arith.constant 0 : i32
    %scan3A_7 = arith.constant 0 : i32
    %scan3A_8 = arith.constant 5 : i32
    %scan3A_9 = arith.addi %scan3A_7, %scan3A_8 : i32
    %scan3A_10 = arith.constant 1 : i32
    %scan3A_11 = scf.for %scan3A_24 = %scan3A_7 to %scan3A_9 step %scan3A_10 iter_args(%scan3A_25 = %scan3A_6) -> (i32)  : i32 {
      %mul3A_26 = arith.constant 640 : i32
      %mul3A_27 = arith.muli %arg1, %mul3A_26 : i32
      %mul3A_28 = arith.constant 128 : i32
      %mul3A_29 = arith.muli %scan3A_24, %mul3A_28 : i32
      %add3A = arith.addi %mul3A_27, %mul3A_29 : i32
      "tpu.region"() ({
        %run_scoped3A = tpu.sem_alloc : memref<!tpu.dma_semaphore, #tpu.memory_space<semaphore_mem>>
        %dma_start3A = arith.constant 0 : i32
        %dma_start3A_31 = arith.constant 0 : i32
        %dma_start3A_32 = tpu.memref_slice %arg10[%add3A, %dma_start3A, %dma_start3A_31] : memref<10240x2x128xbf16, #tpu.memory_space<vmem_shared>> -> memref<128x2x128xbf16, #tpu.memory_space<vmem_shared>>
        %dma_start3A_33 = arith.constant 0 : i32
        %dma_start3A_34 = arith.constant 0 : i32
        %dma_start3A_35 = tpu.memref_slice %arg10[%add3A, %dma_start3A_33, %dma_start3A_34] : memref<10240x2x128xbf16, #tpu.memory_space<vmem_shared>> -> memref<128x2x128xbf16, #tpu.memory_space<vmem_shared>>
        tpu.enqueue_dma source(%arg8 : memref<128x2x128xbf16, #tpu.memory_space<vmem>>) target(%dma_start3A_35 : memref<128x2x128xbf16, #tpu.memory_space<vmem_shared>>) target_semaphore(%run_scoped3A : memref<!tpu.dma_semaphore, #tpu.memory_space<semaphore_mem>>)
        %dma_wait3A = arith.constant 0 : i32
        %dma_wait3A_36 = arith.constant 0 : i32
        %dma_wait3A_37 = tpu.memref_slice %arg10[%add3A, %dma_wait3A, %dma_wait3A_36] : memref<10240x2x128xbf16, #tpu.memory_space<vmem_shared>> -> memref<128x2x128xbf16, #tpu.memory_space<vmem_shared>>
        %dma_wait3A_38 = arith.constant 0 : i32
        %dma_wait3A_39 = arith.constant 0 : i32
        %dma_wait3A_40 = tpu.memref_slice %arg10[%add3A, %dma_wait3A_38, %dma_wait3A_39] : memref<10240x2x128xbf16, #tpu.memory_space<vmem_shared>> -> memref<128x2x128xbf16, #tpu.memory_space<vmem_shared>>
        tpu.wait_dma2 semaphore(%run_scoped3A : memref<!tpu.dma_semaphore, #tpu.memory_space<semaphore_mem>>) src(%arg8 : memref<128x2x128xbf16, #tpu.memory_space<vmem>>) dst(%dma_wait3A_40 : memref<128x2x128xbf16, #tpu.memory_space<vmem_shared>>)
        tpu.yield
      }) : () -> ()
      %scan3A_30 = arith.constant 0 : i32
      scf.yield %scan3A_30 : i32
    }
    %scan3A_12 = arith.constant 5 : i32
    %barrier3A = arith.constant 0 : index
    tpu.barrier barrier_id(%barrier3A)
    %eq3A = arith.constant 0 : i32
    %eq3A_13 = arith.cmpi eq, %arg0, %eq3A : i32
    %convert_element_type3A = arith.extui %eq3A_13 : i1 to i32
    %cond3A = arith.constant 0 : i32
    %cond3A_14 = arith.cmpi ne, %convert_element_type3A, %cond3A : i32
    scf.if %cond3A_14 {
      %mul3A_24 = arith.constant 40 : i32
      %mul3A_25 = arith.muli %arg1, %mul3A_24 : i32
      %add3A = arith.constant 0 : i32
      %add3A_26 = arith.addi %mul3A_25, %add3A : i32
      %mul3A_27 = arith.constant 128 : i32
      %mul3A_28 = arith.muli %add3A_26, %mul3A_27 : i32
      %add3A_29 = arith.constant 0 : i32
      %add3A_30 = arith.addi %add3A_29, %mul3A_28 : i32
      "tpu.region"() ({
        %run_scoped3A = tpu.sem_alloc : memref<!tpu.dma_semaphore, #tpu.memory_space<semaphore_mem>>
        %dma_start3A_56 = tpu.memref_slice %arg3[%add3A_30] : memref<163840xi32, #tpu.memory_space<hbm>> -> memref<5120xi32, #tpu.memory_space<hbm>>
        %dma_start3A_57 = tpu.memref_slice %arg3[%add3A_30] : memref<163840xi32, #tpu.memory_space<hbm>> -> memref<5120xi32, #tpu.memory_space<hbm>>
        tpu.enqueue_dma source(%dma_start3A_57 : memref<5120xi32, #tpu.memory_space<hbm>>) target(%arg6 : memref<5120xi32, #tpu.memory_space<vmem>>) target_semaphore(%run_scoped3A : memref<!tpu.dma_semaphore, #tpu.memory_space<semaphore_mem>>)
        %dma_wait3A_58 = tpu.memref_slice %arg3[%add3A_30] : memref<163840xi32, #tpu.memory_space<hbm>> -> memref<5120xi32, #tpu.memory_space<hbm>>
        %dma_wait3A_59 = tpu.memref_slice %arg3[%add3A_30] : memref<163840xi32, #tpu.memory_space<hbm>> -> memref<5120xi32, #tpu.memory_space<hbm>>
        tpu.wait_dma2 semaphore(%run_scoped3A : memref<!tpu.dma_semaphore, #tpu.memory_space<semaphore_mem>>) src(%dma_wait3A_59 : memref<5120xi32, #tpu.memory_space<hbm>>) dst(%arg6 : memref<5120xi32, #tpu.memory_space<vmem>>)
        tpu.yield
      }) : () -> ()
      %mul3A_31 = arith.constant 40 : i32
      %mul3A_32 = arith.muli %arg1, %mul3A_31 : i32
      %add3A_33 = arith.constant 0 : i32
      %add3A_34 = arith.addi %add3A_33, %mul3A_32 : i32
      %add3A_35 = arith.constant 0 : i32
      %add3A_36 = arith.addi %add3A_34, %add3A_35 : i32
      "tpu.region"() ({
        %run_scoped3A = tpu.sem_alloc : memref<!tpu.dma_semaphore, #tpu.memory_space<semaphore_mem>>
        %dma_start3A_56 = arith.constant 0 : i32
        %dma_start3A_57 = tpu.memref_slice %arg4[%add3A_36, %dma_start3A_56] : memref<1280x128xi32, #tpu.memory_space<hbm>> -> memref<40x128xi32, #tpu.memory_space<hbm>>
        %dma_start3A_58 = arith.constant 0 : i32
        %dma_start3A_59 = tpu.memref_slice %arg4[%add3A_36, %dma_start3A_58] : memref<1280x128xi32, #tpu.memory_space<hbm>> -> memref<40x128xi32, #tpu.memory_space<hbm>>
        tpu.enqueue_dma source(%dma_start3A_59 : memref<40x128xi32, #tpu.memory_space<hbm>>) target(%arg7 : memref<40x128xi32, #tpu.memory_space<vmem>>) target_semaphore(%run_scoped3A : memref<!tpu.dma_semaphore, #tpu.memory_space<semaphore_mem>>)
        %dma_wait3A_60 = arith.constant 0 : i32
        %dma_wait3A_61 = tpu.memref_slice %arg4[%add3A_36, %dma_wait3A_60] : memref<1280x128xi32, #tpu.memory_space<hbm>> -> memref<40x128xi32, #tpu.memory_space<hbm>>
        %dma_wait3A_62 = arith.constant 0 : i32
        %dma_wait3A_63 = tpu.memref_slice %arg4[%add3A_36, %dma_wait3A_62] : memref<1280x128xi32, #tpu.memory_space<hbm>> -> memref<40x128xi32, #tpu.memory_space<hbm>>
        tpu.wait_dma2 semaphore(%run_scoped3A : memref<!tpu.dma_semaphore, #tpu.memory_space<semaphore_mem>>) src(%dma_wait3A_63 : memref<40x128xi32, #tpu.memory_space<hbm>>) dst(%arg7 : memref<40x128xi32, #tpu.memory_space<vmem>>)
        tpu.yield
      }) : () -> ()
      %dma_start3A = arith.constant 0 : i32
      %dma_start3A_37 = tpu.memref_slice %arg6[%dma_start3A] : memref<5120xi32, #tpu.memory_space<vmem>> -> memref<128xi32, #tpu.memory_space<vmem>>
      %dma_start3A_38 = arith.constant 0 : i32
      %dma_start3A_39 = arith.constant 0 : i32
      %dma_start3A_40 = arith.constant 0 : i32
      %dma_start3A_41 = tpu.memref_slice %arg2[%dma_start3A_38, %dma_start3A_39, %dma_start3A_40] : memref<10000x2x128xbf16, #tpu.memory_space<hbm>> -> memref<10000x2x128xbf16, #tpu.memory_space<hbm>>
      tpu.enqueue_indirect_dma source(%dma_start3A_41 : memref<10000x2x128xbf16, #tpu.memory_space<hbm>>) target(%arg8 : memref<128x2x128xbf16, #tpu.memory_space<vmem>>) offsets(%dma_start3A_37 : memref<128xi32, #tpu.memory_space<vmem>>) semaphore(%arg11 : memref<!tpu.dma_semaphore, #tpu.memory_space<semaphore_mem>>)
      %scan3A_42 = arith.constant 0 : i32
      %scan3A_43 = arith.constant 0 : i32
      %scan3A_44 = arith.constant 20 : i32
      %scan3A_45 = arith.addi %scan3A_43, %scan3A_44 : i32
      %scan3A_46 = arith.constant 1 : i32
      %scan3A_47 = scf.for %scan3A_56 = %scan3A_43 to %scan3A_45 step %scan3A_46 iter_args(%scan3A_57 = %scan3A_42) -> (i32)  : i32 {
        %mul3A_58 = arith.constant 2 : i32
        %mul3A_59 = arith.muli %mul3A_58, %scan3A_56 : i32
        %add3A_60 = arith.constant 1 : i32
        %add3A_61 = arith.addi %mul3A_59, %add3A_60 : i32
        %ge3A = arith.constant 1 : i32
        %ge3A_62 = arith.cmpi sge, %scan3A_56, %ge3A : i32
        %convert_element_type3A_63 = arith.extui %ge3A_62 : i1 to i32
        %cond3A_64 = arith.constant 0 : i32
        %cond3A_65 = arith.cmpi ne, %convert_element_type3A_63, %cond3A_64 : i32
        scf.if %cond3A_65 {
          %sub3A = arith.constant 1 : i32
          %sub3A_115 = arith.subi %mul3A_59, %sub3A : i32
          %dma_wait3A_116 = arith.constant 0 : i32
          %dma_wait3A_117 = tpu.memref_slice %arg7[%sub3A_115, %dma_wait3A_116] : memref<40x128xi32, #tpu.memory_space<vmem>> -> memref<1x128xi32, #tpu.memory_space<vmem>>
          %dma_wait3A_118 = tpu.memref_squeeze %dma_wait3A_117 : memref<1x128xi32, #tpu.memory_space<vmem>> -> memref<128xi32, #tpu.memory_space<vmem>>
          %dma_wait3A_119 = arith.constant 0 : i32
          %dma_wait3A_120 = arith.constant 0 : i32
          %dma_wait3A_121 = arith.constant 0 : i32
          %dma_wait3A_122 = tpu.memref_slice %arg10[%dma_wait3A_119, %dma_wait3A_120, %dma_wait3A_121] : memref<10240x2x128xbf16, #tpu.memory_space<vmem_shared>> -> memref<10240x2x128xbf16, #tpu.memory_space<vmem_shared>>
          tpu.wait_indirect_dma semaphore(%arg14 : memref<!tpu.dma_semaphore, #tpu.memory_space<semaphore_mem>>) src(%arg9 : memref<128x2x128xbf16, #tpu.memory_space<vmem>>) dst(%dma_wait3A_122 : memref<10240x2x128xbf16, #tpu.memory_space<vmem_shared>>)
        } else {
        }
        %mul3A_66 = arith.constant 128 : i32
        %mul3A_67 = arith.muli %add3A_61, %mul3A_66 : i32
        %dma_start3A_68 = tpu.memref_slice %arg6[%mul3A_67] : memref<5120xi32, #tpu.memory_space<vmem>> -> memref<128xi32, #tpu.memory_space<vmem>>
        %dma_start3A_69 = arith.constant 0 : i32
        %dma_start3A_70 = arith.constant 0 : i32
        %dma_start3A_71 = arith.constant 0 : i32
        %dma_start3A_72 = tpu.memref_slice %arg2[%dma_start3A_69, %dma_start3A_70, %dma_start3A_71] : memref<10000x2x128xbf16, #tpu.memory_space<hbm>> -> memref<10000x2x128xbf16, #tpu.memory_space<hbm>>
        tpu.enqueue_indirect_dma source(%dma_start3A_72 : memref<10000x2x128xbf16, #tpu.memory_space<hbm>>) target(%arg9 : memref<128x2x128xbf16, #tpu.memory_space<vmem>>) offsets(%dma_start3A_68 : memref<128xi32, #tpu.memory_space<vmem>>) semaphore(%arg12 : memref<!tpu.dma_semaphore, #tpu.memory_space<semaphore_mem>>)
        %mul3A_73 = arith.constant 128 : i32
        %mul3A_74 = arith.muli %mul3A_59, %mul3A_73 : i32
        %dma_wait3A_75 = tpu.memref_slice %arg6[%mul3A_74] : memref<5120xi32, #tpu.memory_space<vmem>> -> memref<128xi32, #tpu.memory_space<vmem>>
        %dma_wait3A_76 = arith.constant 0 : i32
        %dma_wait3A_77 = arith.constant 0 : i32
        %dma_wait3A_78 = arith.constant 0 : i32
        %dma_wait3A_79 = tpu.memref_slice %arg2[%dma_wait3A_76, %dma_wait3A_77, %dma_wait3A_78] : memref<10000x2x128xbf16, #tpu.memory_space<hbm>> -> memref<10000x2x128xbf16, #tpu.memory_space<hbm>>
        tpu.wait_indirect_dma semaphore(%arg11 : memref<!tpu.dma_semaphore, #tpu.memory_space<semaphore_mem>>) src(%dma_wait3A_79 : memref<10000x2x128xbf16, #tpu.memory_space<hbm>>) dst(%arg8 : memref<128x2x128xbf16, #tpu.memory_space<vmem>>)
        %dma_start3A_80 = arith.constant 0 : i32
        %dma_start3A_81 = tpu.memref_slice %arg7[%mul3A_59, %dma_start3A_80] : memref<40x128xi32, #tpu.memory_space<vmem>> -> memref<1x128xi32, #tpu.memory_space<vmem>>
        %dma_start3A_82 = tpu.memref_squeeze %dma_start3A_81 : memref<1x128xi32, #tpu.memory_space<vmem>> -> memref<128xi32, #tpu.memory_space<vmem>>
        %dma_start3A_83 = arith.constant 0 : i32
        %dma_start3A_84 = arith.constant 0 : i32
        %dma_start3A_85 = arith.constant 0 : i32
        %dma_start3A_86 = tpu.memref_slice %arg10[%dma_start3A_83, %dma_start3A_84, %dma_start3A_85] : memref<10240x2x128xbf16, #tpu.memory_space<vmem_shared>> -> memref<10240x2x128xbf16, #tpu.memory_space<vmem_shared>>
        tpu.enqueue_indirect_dma source(%arg8 : memref<128x2x128xbf16, #tpu.memory_space<vmem>>) target(%dma_start3A_86 : memref<10240x2x128xbf16, #tpu.memory_space<vmem_shared>>) offsets(%dma_start3A_82 : memref<128xi32, #tpu.memory_space<vmem>>) semaphore(%arg13 : memref<!tpu.dma_semaphore, #tpu.memory_space<semaphore_mem>>) {add = true}
        %dma_wait3A_87 = arith.constant 0 : i32
        %dma_wait3A_88 = tpu.memref_slice %arg7[%mul3A_59, %dma_wait3A_87] : memref<40x128xi32, #tpu.memory_space<vmem>> -> memref<1x128xi32, #tpu.memory_space<vmem>>
        %dma_wait3A_89 = tpu.memref_squeeze %dma_wait3A_88 : memref<1x128xi32, #tpu.memory_space<vmem>> -> memref<128xi32, #tpu.memory_space<vmem>>
        %dma_wait3A_90 = arith.constant 0 : i32
        %dma_wait3A_91 = arith.constant 0 : i32
        %dma_wait3A_92 = arith.constant 0 : i32
        %dma_wait3A_93 = tpu.memref_slice %arg10[%dma_wait3A_90, %dma_wait3A_91, %dma_wait3A_92] : memref<10240x2x128xbf16, #tpu.memory_space<vmem_shared>> -> memref<10240x2x128xbf16, #tpu.memory_space<vmem_shared>>
        tpu.wait_indirect_dma semaphore(%arg13 : memref<!tpu.dma_semaphore, #tpu.memory_space<semaphore_mem>>) src(%arg8 : memref<128x2x128xbf16, #tpu.memory_space<vmem>>) dst(%dma_wait3A_93 : memref<10240x2x128xbf16, #tpu.memory_space<vmem_shared>>)
        %add3A_94 = arith.constant 1 : i32
        %add3A_95 = arith.addi %add3A_61, %add3A_94 : i32
        %lt3A = arith.constant 40 : i32
        %lt3A_96 = arith.cmpi slt, %add3A_95, %lt3A : i32
        %convert_element_type3A_97 = arith.extui %lt3A_96 : i1 to i32
        %cond3A_98 = arith.constant 0 : i32
        %cond3A_99 = arith.cmpi ne, %convert_element_type3A_97, %cond3A_98 : i32
        scf.if %cond3A_99 {
          %add3A_115 = arith.constant 1 : i32
          %add3A_116 = arith.addi %add3A_61, %add3A_115 : i32
          %mul3A_117 = arith.constant 128 : i32
          %mul3A_118 = arith.muli %add3A_116, %mul3A_117 : i32
          %dma_start3A_119 = tpu.memref_slice %arg6[%mul3A_118] : memref<5120xi32, #tpu.memory_space<vmem>> -> memref<128xi32, #tpu.memory_space<vmem>>
          %dma_start3A_120 = arith.constant 0 : i32
          %dma_start3A_121 = arith.constant 0 : i32
          %dma_start3A_122 = arith.constant 0 : i32
          %dma_start3A_123 = tpu.memref_slice %arg2[%dma_start3A_120, %dma_start3A_121, %dma_start3A_122] : memref<10000x2x128xbf16, #tpu.memory_space<hbm>> -> memref<10000x2x128xbf16, #tpu.memory_space<hbm>>
          tpu.enqueue_indirect_dma source(%dma_start3A_123 : memref<10000x2x128xbf16, #tpu.memory_space<hbm>>) target(%arg8 : memref<128x2x128xbf16, #tpu.memory_space<vmem>>) offsets(%dma_start3A_119 : memref<128xi32, #tpu.memory_space<vmem>>) semaphore(%arg11 : memref<!tpu.dma_semaphore, #tpu.memory_space<semaphore_mem>>)
        } else {
        }
        %mul3A_100 = arith.constant 128 : i32
        %mul3A_101 = arith.muli %add3A_61, %mul3A_100 : i32
        %dma_wait3A_102 = tpu.memref_slice %arg6[%mul3A_101] : memref<5120xi32, #tpu.memory_space<vmem>> -> memref<128xi32, #tpu.memory_space<vmem>>
        %dma_wait3A_103 = arith.constant 0 : i32
        %dma_wait3A_104 = arith.constant 0 : i32
        %dma_wait3A_105 = arith.constant 0 : i32
        %dma_wait3A_106 = tpu.memref_slice %arg2[%dma_wait3A_103, %dma_wait3A_104, %dma_wait3A_105] : memref<10000x2x128xbf16, #tpu.memory_space<hbm>> -> memref<10000x2x128xbf16, #tpu.memory_space<hbm>>
        tpu.wait_indirect_dma semaphore(%arg12 : memref<!tpu.dma_semaphore, #tpu.memory_space<semaphore_mem>>) src(%dma_wait3A_106 : memref<10000x2x128xbf16, #tpu.memory_space<hbm>>) dst(%arg9 : memref<128x2x128xbf16, #tpu.memory_space<vmem>>)
        %dma_start3A_107 = arith.constant 0 : i32
        %dma_start3A_108 = tpu.memref_slice %arg7[%add3A_61, %dma_start3A_107] : memref<40x128xi32, #tpu.memory_space<vmem>> -> memref<1x128xi32, #tpu.memory_space<vmem>>
        %dma_start3A_109 = tpu.memref_squeeze %dma_start3A_108 : memref<1x128xi32, #tpu.memory_space<vmem>> -> memref<128xi32, #tpu.memory_space<vmem>>
        %dma_start3A_110 = arith.constant 0 : i32
        %dma_start3A_111 = arith.constant 0 : i32
        %dma_start3A_112 = arith.constant 0 : i32
        %dma_start3A_113 = tpu.memref_slice %arg10[%dma_start3A_110, %dma_start3A_111, %dma_start3A_112] : memref<10240x2x128xbf16, #tpu.memory_space<vmem_shared>> -> memref<10240x2x128xbf16, #tpu.memory_space<vmem_shared>>
        tpu.enqueue_indirect_dma source(%arg9 : memref<128x2x128xbf16, #tpu.memory_space<vmem>>) target(%dma_start3A_113 : memref<10240x2x128xbf16, #tpu.memory_space<vmem_shared>>) offsets(%dma_start3A_109 : memref<128xi32, #tpu.memory_space<vmem>>) semaphore(%arg14 : memref<!tpu.dma_semaphore, #tpu.memory_space<semaphore_mem>>) {add = true}
        %scan3A_114 = arith.constant 0 : i32
        scf.yield %scan3A_114 : i32
      }
      %scan3A_48 = arith.constant 20 : i32
      %dma_wait3A = arith.constant 39 : i32
      %dma_wait3A_49 = arith.constant 0 : i32
      %dma_wait3A_50 = tpu.memref_slice %arg7[%dma_wait3A, %dma_wait3A_49] : memref<40x128xi32, #tpu.memory_space<vmem>> -> memref<1x128xi32, #tpu.memory_space<vmem>>
      %dma_wait3A_51 = tpu.memref_squeeze %dma_wait3A_50 : memref<1x128xi32, #tpu.memory_space<vmem>> -> memref<128xi32, #tpu.memory_space<vmem>>
      %dma_wait3A_52 = arith.constant 0 : i32
      %dma_wait3A_53 = arith.constant 0 : i32
      %dma_wait3A_54 = arith.constant 0 : i32
      %dma_wait3A_55 = tpu.memref_slice %arg10[%dma_wait3A_52, %dma_wait3A_53, %dma_wait3A_54] : memref<10240x2x128xbf16, #tpu.memory_space<vmem_shared>> -> memref<10240x2x128xbf16, #tpu.memory_space<vmem_shared>>
      tpu.wait_indirect_dma semaphore(%arg14 : memref<!tpu.dma_semaphore, #tpu.memory_space<semaphore_mem>>) src(%arg9 : memref<128x2x128xbf16, #tpu.memory_space<vmem>>) dst(%dma_wait3A_55 : memref<10240x2x128xbf16, #tpu.memory_space<vmem_shared>>)
    } else {
    }
    %eq3A_15 = arith.constant 1 : i32
    %eq3A_16 = arith.cmpi eq, %arg0, %eq3A_15 : i32
    %convert_element_type3A_17 = arith.extui %eq3A_16 : i1 to i32
    %cond3A_18 = arith.constant 0 : i32
    %cond3A_19 = arith.cmpi ne, %convert_element_type3A_17, %cond3A_18 : i32
    scf.if %cond3A_19 {
      %mul3A_24 = arith.constant 40 : i32
      %mul3A_25 = arith.muli %arg1, %mul3A_24 : i32
      %add3A = arith.constant 0 : i32
      %add3A_26 = arith.addi %mul3A_25, %add3A : i32
      %mul3A_27 = arith.constant 128 : i32
      %mul3A_28 = arith.muli %add3A_26, %mul3A_27 : i32
      %add3A_29 = arith.constant 81920 : i32
      %add3A_30 = arith.addi %add3A_29, %mul3A_28 : i32
      "tpu.region"() ({
        %run_scoped3A = tpu.sem_alloc : memref<!tpu.dma_semaphore, #tpu.memory_space<semaphore_mem>>
        %dma_start3A_56 = tpu.memref_slice %arg3[%add3A_30] : memref<163840xi32, #tpu.memory_space<hbm>> -> memref<5120xi32, #tpu.memory_space<hbm>>
        %dma_start3A_57 = tpu.memref_slice %arg3[%add3A_30] : memref<163840xi32, #tpu.memory_space<hbm>> -> memref<5120xi32, #tpu.memory_space<hbm>>
        tpu.enqueue_dma source(%dma_start3A_57 : memref<5120xi32, #tpu.memory_space<hbm>>) target(%arg6 : memref<5120xi32, #tpu.memory_space<vmem>>) target_semaphore(%run_scoped3A : memref<!tpu.dma_semaphore, #tpu.memory_space<semaphore_mem>>)
        %dma_wait3A_58 = tpu.memref_slice %arg3[%add3A_30] : memref<163840xi32, #tpu.memory_space<hbm>> -> memref<5120xi32, #tpu.memory_space<hbm>>
        %dma_wait3A_59 = tpu.memref_slice %arg3[%add3A_30] : memref<163840xi32, #tpu.memory_space<hbm>> -> memref<5120xi32, #tpu.memory_space<hbm>>
        tpu.wait_dma2 semaphore(%run_scoped3A : memref<!tpu.dma_semaphore, #tpu.memory_space<semaphore_mem>>) src(%dma_wait3A_59 : memref<5120xi32, #tpu.memory_space<hbm>>) dst(%arg6 : memref<5120xi32, #tpu.memory_space<vmem>>)
        tpu.yield
      }) : () -> ()
      %mul3A_31 = arith.constant 40 : i32
      %mul3A_32 = arith.muli %arg1, %mul3A_31 : i32
      %add3A_33 = arith.constant 640 : i32
      %add3A_34 = arith.addi %add3A_33, %mul3A_32 : i32
      %add3A_35 = arith.constant 0 : i32
      %add3A_36 = arith.addi %add3A_34, %add3A_35 : i32
      "tpu.region"() ({
        %run_scoped3A = tpu.sem_alloc : memref<!tpu.dma_semaphore, #tpu.memory_space<semaphore_mem>>
        %dma_start3A_56 = arith.constant 0 : i32
        %dma_start3A_57 = tpu.memref_slice %arg4[%add3A_36, %dma_start3A_56] : memref<1280x128xi32, #tpu.memory_space<hbm>> -> memref<40x128xi32, #tpu.memory_space<hbm>>
        %dma_start3A_58 = arith.constant 0 : i32
        %dma_start3A_59 = tpu.memref_slice %arg4[%add3A_36, %dma_start3A_58] : memref<1280x128xi32, #tpu.memory_space<hbm>> -> memref<40x128xi32, #tpu.memory_space<hbm>>
        tpu.enqueue_dma source(%dma_start3A_59 : memref<40x128xi32, #tpu.memory_space<hbm>>) target(%arg7 : memref<40x128xi32, #tpu.memory_space<vmem>>) target_semaphore(%run_scoped3A : memref<!tpu.dma_semaphore, #tpu.memory_space<semaphore_mem>>)
        %dma_wait3A_60 = arith.constant 0 : i32
        %dma_wait3A_61 = tpu.memref_slice %arg4[%add3A_36, %dma_wait3A_60] : memref<1280x128xi32, #tpu.memory_space<hbm>> -> memref<40x128xi32, #tpu.memory_space<hbm>>
        %dma_wait3A_62 = arith.constant 0 : i32
        %dma_wait3A_63 = tpu.memref_slice %arg4[%add3A_36, %dma_wait3A_62] : memref<1280x128xi32, #tpu.memory_space<hbm>> -> memref<40x128xi32, #tpu.memory_space<hbm>>
        tpu.wait_dma2 semaphore(%run_scoped3A : memref<!tpu.dma_semaphore, #tpu.memory_space<semaphore_mem>>) src(%dma_wait3A_63 : memref<40x128xi32, #tpu.memory_space<hbm>>) dst(%arg7 : memref<40x128xi32, #tpu.memory_space<vmem>>)
        tpu.yield
      }) : () -> ()
      %dma_start3A = arith.constant 0 : i32
      %dma_start3A_37 = tpu.memref_slice %arg6[%dma_start3A] : memref<5120xi32, #tpu.memory_space<vmem>> -> memref<128xi32, #tpu.memory_space<vmem>>
      %dma_start3A_38 = arith.constant 0 : i32
      %dma_start3A_39 = arith.constant 0 : i32
      %dma_start3A_40 = arith.constant 0 : i32
      %dma_start3A_41 = tpu.memref_slice %arg2[%dma_start3A_38, %dma_start3A_39, %dma_start3A_40] : memref<10000x2x128xbf16, #tpu.memory_space<hbm>> -> memref<10000x2x128xbf16, #tpu.memory_space<hbm>>
      tpu.enqueue_indirect_dma source(%dma_start3A_41 : memref<10000x2x128xbf16, #tpu.memory_space<hbm>>) target(%arg8 : memref<128x2x128xbf16, #tpu.memory_space<vmem>>) offsets(%dma_start3A_37 : memref<128xi32, #tpu.memory_space<vmem>>) semaphore(%arg11 : memref<!tpu.dma_semaphore, #tpu.memory_space<semaphore_mem>>)
      %scan3A_42 = arith.constant 0 : i32
      %scan3A_43 = arith.constant 0 : i32
      %scan3A_44 = arith.constant 20 : i32
      %scan3A_45 = arith.addi %scan3A_43, %scan3A_44 : i32
      %scan3A_46 = arith.constant 1 : i32
      %scan3A_47 = scf.for %scan3A_56 = %scan3A_43 to %scan3A_45 step %scan3A_46 iter_args(%scan3A_57 = %scan3A_42) -> (i32)  : i32 {
        %mul3A_58 = arith.constant 2 : i32
        %mul3A_59 = arith.muli %mul3A_58, %scan3A_56 : i32
        %add3A_60 = arith.constant 1 : i32
        %add3A_61 = arith.addi %mul3A_59, %add3A_60 : i32
        %ge3A = arith.constant 1 : i32
        %ge3A_62 = arith.cmpi sge, %scan3A_56, %ge3A : i32
        %convert_element_type3A_63 = arith.extui %ge3A_62 : i1 to i32
        %cond3A_64 = arith.constant 0 : i32
        %cond3A_65 = arith.cmpi ne, %convert_element_type3A_63, %cond3A_64 : i32
        scf.if %cond3A_65 {
          %sub3A = arith.constant 1 : i32
          %sub3A_115 = arith.subi %mul3A_59, %sub3A : i32
          %dma_wait3A_116 = arith.constant 0 : i32
          %dma_wait3A_117 = tpu.memref_slice %arg7[%sub3A_115, %dma_wait3A_116] : memref<40x128xi32, #tpu.memory_space<vmem>> -> memref<1x128xi32, #tpu.memory_space<vmem>>
          %dma_wait3A_118 = tpu.memref_squeeze %dma_wait3A_117 : memref<1x128xi32, #tpu.memory_space<vmem>> -> memref<128xi32, #tpu.memory_space<vmem>>
          %dma_wait3A_119 = arith.constant 0 : i32
          %dma_wait3A_120 = arith.constant 0 : i32
          %dma_wait3A_121 = arith.constant 0 : i32
          %dma_wait3A_122 = tpu.memref_slice %arg10[%dma_wait3A_119, %dma_wait3A_120, %dma_wait3A_121] : memref<10240x2x128xbf16, #tpu.memory_space<vmem_shared>> -> memref<10240x2x128xbf16, #tpu.memory_space<vmem_shared>>
          tpu.wait_indirect_dma semaphore(%arg14 : memref<!tpu.dma_semaphore, #tpu.memory_space<semaphore_mem>>) src(%arg9 : memref<128x2x128xbf16, #tpu.memory_space<vmem>>) dst(%dma_wait3A_122 : memref<10240x2x128xbf16, #tpu.memory_space<vmem_shared>>)
        } else {
        }
        %mul3A_66 = arith.constant 128 : i32
        %mul3A_67 = arith.muli %add3A_61, %mul3A_66 : i32
        %dma_start3A_68 = tpu.memref_slice %arg6[%mul3A_67] : memref<5120xi32, #tpu.memory_space<vmem>> -> memref<128xi32, #tpu.memory_space<vmem>>
        %dma_start3A_69 = arith.constant 0 : i32
        %dma_start3A_70 = arith.constant 0 : i32
        %dma_start3A_71 = arith.constant 0 : i32
        %dma_start3A_72 = tpu.memref_slice %arg2[%dma_start3A_69, %dma_start3A_70, %dma_start3A_71] : memref<10000x2x128xbf16, #tpu.memory_space<hbm>> -> memref<10000x2x128xbf16, #tpu.memory_space<hbm>>
        tpu.enqueue_indirect_dma source(%dma_start3A_72 : memref<10000x2x128xbf16, #tpu.memory_space<hbm>>) target(%arg9 : memref<128x2x128xbf16, #tpu.memory_space<vmem>>) offsets(%dma_start3A_68 : memref<128xi32, #tpu.memory_space<vmem>>) semaphore(%arg12 : memref<!tpu.dma_semaphore, #tpu.memory_space<semaphore_mem>>)
        %mul3A_73 = arith.constant 128 : i32
        %mul3A_74 = arith.muli %mul3A_59, %mul3A_73 : i32
        %dma_wait3A_75 = tpu.memref_slice %arg6[%mul3A_74] : memref<5120xi32, #tpu.memory_space<vmem>> -> memref<128xi32, #tpu.memory_space<vmem>>
        %dma_wait3A_76 = arith.constant 0 : i32
        %dma_wait3A_77 = arith.constant 0 : i32
        %dma_wait3A_78 = arith.constant 0 : i32
        %dma_wait3A_79 = tpu.memref_slice %arg2[%dma_wait3A_76, %dma_wait3A_77, %dma_wait3A_78] : memref<10000x2x128xbf16, #tpu.memory_space<hbm>> -> memref<10000x2x128xbf16, #tpu.memory_space<hbm>>
        tpu.wait_indirect_dma semaphore(%arg11 : memref<!tpu.dma_semaphore, #tpu.memory_space<semaphore_mem>>) src(%dma_wait3A_79 : memref<10000x2x128xbf16, #tpu.memory_space<hbm>>) dst(%arg8 : memref<128x2x128xbf16, #tpu.memory_space<vmem>>)
        %dma_start3A_80 = arith.constant 0 : i32
        %dma_start3A_81 = tpu.memref_slice %arg7[%mul3A_59, %dma_start3A_80] : memref<40x128xi32, #tpu.memory_space<vmem>> -> memref<1x128xi32, #tpu.memory_space<vmem>>
        %dma_start3A_82 = tpu.memref_squeeze %dma_start3A_81 : memref<1x128xi32, #tpu.memory_space<vmem>> -> memref<128xi32, #tpu.memory_space<vmem>>
        %dma_start3A_83 = arith.constant 0 : i32
        %dma_start3A_84 = arith.constant 0 : i32
        %dma_start3A_85 = arith.constant 0 : i32
        %dma_start3A_86 = tpu.memref_slice %arg10[%dma_start3A_83, %dma_start3A_84, %dma_start3A_85] : memref<10240x2x128xbf16, #tpu.memory_space<vmem_shared>> -> memref<10240x2x128xbf16, #tpu.memory_space<vmem_shared>>
        tpu.enqueue_indirect_dma source(%arg8 : memref<128x2x128xbf16, #tpu.memory_space<vmem>>) target(%dma_start3A_86 : memref<10240x2x128xbf16, #tpu.memory_space<vmem_shared>>) offsets(%dma_start3A_82 : memref<128xi32, #tpu.memory_space<vmem>>) semaphore(%arg13 : memref<!tpu.dma_semaphore, #tpu.memory_space<semaphore_mem>>) {add = true}
        %dma_wait3A_87 = arith.constant 0 : i32
        %dma_wait3A_88 = tpu.memref_slice %arg7[%mul3A_59, %dma_wait3A_87] : memref<40x128xi32, #tpu.memory_space<vmem>> -> memref<1x128xi32, #tpu.memory_space<vmem>>
        %dma_wait3A_89 = tpu.memref_squeeze %dma_wait3A_88 : memref<1x128xi32, #tpu.memory_space<vmem>> -> memref<128xi32, #tpu.memory_space<vmem>>
        %dma_wait3A_90 = arith.constant 0 : i32
        %dma_wait3A_91 = arith.constant 0 : i32
        %dma_wait3A_92 = arith.constant 0 : i32
        %dma_wait3A_93 = tpu.memref_slice %arg10[%dma_wait3A_90, %dma_wait3A_91, %dma_wait3A_92] : memref<10240x2x128xbf16, #tpu.memory_space<vmem_shared>> -> memref<10240x2x128xbf16, #tpu.memory_space<vmem_shared>>
        tpu.wait_indirect_dma semaphore(%arg13 : memref<!tpu.dma_semaphore, #tpu.memory_space<semaphore_mem>>) src(%arg8 : memref<128x2x128xbf16, #tpu.memory_space<vmem>>) dst(%dma_wait3A_93 : memref<10240x2x128xbf16, #tpu.memory_space<vmem_shared>>)
        %add3A_94 = arith.constant 1 : i32
        %add3A_95 = arith.addi %add3A_61, %add3A_94 : i32
        %lt3A = arith.constant 40 : i32
        %lt3A_96 = arith.cmpi slt, %add3A_95, %lt3A : i32
        %convert_element_type3A_97 = arith.extui %lt3A_96 : i1 to i32
        %cond3A_98 = arith.constant 0 : i32
        %cond3A_99 = arith.cmpi ne, %convert_element_type3A_97, %cond3A_98 : i32
        scf.if %cond3A_99 {
          %add3A_115 = arith.constant 1 : i32
          %add3A_116 = arith.addi %add3A_61, %add3A_115 : i32
          %mul3A_117 = arith.constant 128 : i32
          %mul3A_118 = arith.muli %add3A_116, %mul3A_117 : i32
          %dma_start3A_119 = tpu.memref_slice %arg6[%mul3A_118] : memref<5120xi32, #tpu.memory_space<vmem>> -> memref<128xi32, #tpu.memory_space<vmem>>
          %dma_start3A_120 = arith.constant 0 : i32
          %dma_start3A_121 = arith.constant 0 : i32
          %dma_start3A_122 = arith.constant 0 : i32
          %dma_start3A_123 = tpu.memref_slice %arg2[%dma_start3A_120, %dma_start3A_121, %dma_start3A_122] : memref<10000x2x128xbf16, #tpu.memory_space<hbm>> -> memref<10000x2x128xbf16, #tpu.memory_space<hbm>>
          tpu.enqueue_indirect_dma source(%dma_start3A_123 : memref<10000x2x128xbf16, #tpu.memory_space<hbm>>) target(%arg8 : memref<128x2x128xbf16, #tpu.memory_space<vmem>>) offsets(%dma_start3A_119 : memref<128xi32, #tpu.memory_space<vmem>>) semaphore(%arg11 : memref<!tpu.dma_semaphore, #tpu.memory_space<semaphore_mem>>)
        } else {
        }
        %mul3A_100 = arith.constant 128 : i32
        %mul3A_101 = arith.muli %add3A_61, %mul3A_100 : i32
        %dma_wait3A_102 = tpu.memref_slice %arg6[%mul3A_101] : memref<5120xi32, #tpu.memory_space<vmem>> -> memref<128xi32, #tpu.memory_space<vmem>>
        %dma_wait3A_103 = arith.constant 0 : i32
        %dma_wait3A_104 = arith.constant 0 : i32
        %dma_wait3A_105 = arith.constant 0 : i32
        %dma_wait3A_106 = tpu.memref_slice %arg2[%dma_wait3A_103, %dma_wait3A_104, %dma_wait3A_105] : memref<10000x2x128xbf16, #tpu.memory_space<hbm>> -> memref<10000x2x128xbf16, #tpu.memory_space<hbm>>
        tpu.wait_indirect_dma semaphore(%arg12 : memref<!tpu.dma_semaphore, #tpu.memory_space<semaphore_mem>>) src(%dma_wait3A_106 : memref<10000x2x128xbf16, #tpu.memory_space<hbm>>) dst(%arg9 : memref<128x2x128xbf16, #tpu.memory_space<vmem>>)
        %dma_start3A_107 = arith.constant 0 : i32
        %dma_start3A_108 = tpu.memref_slice %arg7[%add3A_61, %dma_start3A_107] : memref<40x128xi32, #tpu.memory_space<vmem>> -> memref<1x128xi32, #tpu.memory_space<vmem>>
        %dma_start3A_109 = tpu.memref_squeeze %dma_start3A_108 : memref<1x128xi32, #tpu.memory_space<vmem>> -> memref<128xi32, #tpu.memory_space<vmem>>
        %dma_start3A_110 = arith.constant 0 : i32
        %dma_start3A_111 = arith.constant 0 : i32
        %dma_start3A_112 = arith.constant 0 : i32
        %dma_start3A_113 = tpu.memref_slice %arg10[%dma_start3A_110, %dma_start3A_111, %dma_start3A_112] : memref<10240x2x128xbf16, #tpu.memory_space<vmem_shared>> -> memref<10240x2x128xbf16, #tpu.memory_space<vmem_shared>>
        tpu.enqueue_indirect_dma source(%arg9 : memref<128x2x128xbf16, #tpu.memory_space<vmem>>) target(%dma_start3A_113 : memref<10240x2x128xbf16, #tpu.memory_space<vmem_shared>>) offsets(%dma_start3A_109 : memref<128xi32, #tpu.memory_space<vmem>>) semaphore(%arg14 : memref<!tpu.dma_semaphore, #tpu.memory_space<semaphore_mem>>) {add = true}
        %scan3A_114 = arith.constant 0 : i32
        scf.yield %scan3A_114 : i32
      }
      %scan3A_48 = arith.constant 20 : i32
      %dma_wait3A = arith.constant 39 : i32
      %dma_wait3A_49 = arith.constant 0 : i32
      %dma_wait3A_50 = tpu.memref_slice %arg7[%dma_wait3A, %dma_wait3A_49] : memref<40x128xi32, #tpu.memory_space<vmem>> -> memref<1x128xi32, #tpu.memory_space<vmem>>
      %dma_wait3A_51 = tpu.memref_squeeze %dma_wait3A_50 : memref<1x128xi32, #tpu.memory_space<vmem>> -> memref<128xi32, #tpu.memory_space<vmem>>
      %dma_wait3A_52 = arith.constant 0 : i32
      %dma_wait3A_53 = arith.constant 0 : i32
      %dma_wait3A_54 = arith.constant 0 : i32
      %dma_wait3A_55 = tpu.memref_slice %arg10[%dma_wait3A_52, %dma_wait3A_53, %dma_wait3A_54] : memref<10240x2x128xbf16, #tpu.memory_space<vmem_shared>> -> memref<10240x2x128xbf16, #tpu.memory_space<vmem_shared>>
      tpu.wait_indirect_dma semaphore(%arg14 : memref<!tpu.dma_semaphore, #tpu.memory_space<semaphore_mem>>) src(%arg9 : memref<128x2x128xbf16, #tpu.memory_space<vmem>>) dst(%dma_wait3A_55 : memref<10240x2x128xbf16, #tpu.memory_space<vmem_shared>>)
    } else {
    }
    %barrier3A_20 = arith.constant 0 : index
    tpu.barrier barrier_id(%barrier3A_20)
    %mul3A = arith.constant 640 : i32
    %mul3A_21 = arith.muli %arg1, %mul3A : i32
    %mul3A_22 = arith.constant 640 : i32
    %mul3A_23 = arith.muli %arg1, %mul3A_22 : i32
    "tpu.region"() ({
      %run_scoped3A = tpu.sem_alloc : memref<!tpu.dma_semaphore, #tpu.memory_space<semaphore_mem>>
      %dma_start3A = arith.constant 0 : i32
      %dma_start3A_24 = arith.constant 0 : i32
      %dma_start3A_25 = tpu.memref_slice %arg5[%arg0, %mul3A_23, %dma_start3A, %dma_start3A_24] : memref<2x10240x2x128xbf16, #tpu.memory_space<hbm>> -> memref<1x640x2x128xbf16, #tpu.memory_space<hbm>>
      %dma_start3A_26 = tpu.memref_squeeze %dma_start3A_25 : memref<1x640x2x128xbf16, #tpu.memory_space<hbm>> -> memref<640x2x128xbf16, #tpu.memory_space<hbm>>
      %dma_start3A_27 = arith.constant 0 : i32
      %dma_start3A_28 = arith.constant 0 : i32
      %dma_start3A_29 = tpu.memref_slice %arg10[%mul3A_21, %dma_start3A_27, %dma_start3A_28] : memref<10240x2x128xbf16, #tpu.memory_space<vmem_shared>> -> memref<640x2x128xbf16, #tpu.memory_space<vmem_shared>>
      tpu.enqueue_dma source(%dma_start3A_29 : memref<640x2x128xbf16, #tpu.memory_space<vmem_shared>>) target(%dma_start3A_26 : memref<640x2x128xbf16, #tpu.memory_space<hbm>>) target_semaphore(%run_scoped3A : memref<!tpu.dma_semaphore, #tpu.memory_space<semaphore_mem>>)
      %dma_wait3A = arith.constant 0 : i32
      %dma_wait3A_30 = arith.constant 0 : i32
      %dma_wait3A_31 = tpu.memref_slice %arg5[%arg0, %mul3A_23, %dma_wait3A, %dma_wait3A_30] : memref<2x10240x2x128xbf16, #tpu.memory_space<hbm>> -> memref<1x640x2x128xbf16, #tpu.memory_space<hbm>>
      %dma_wait3A_32 = tpu.memref_squeeze %dma_wait3A_31 : memref<1x640x2x128xbf16, #tpu.memory_space<hbm>> -> memref<640x2x128xbf16, #tpu.memory_space<hbm>>
      %dma_wait3A_33 = arith.constant 0 : i32
      %dma_wait3A_34 = arith.constant 0 : i32
      %dma_wait3A_35 = tpu.memref_slice %arg10[%mul3A_21, %dma_wait3A_33, %dma_wait3A_34] : memref<10240x2x128xbf16, #tpu.memory_space<vmem_shared>> -> memref<640x2x128xbf16, #tpu.memory_space<vmem_shared>>
      tpu.wait_dma2 semaphore(%run_scoped3A : memref<!tpu.dma_semaphore, #tpu.memory_space<semaphore_mem>>) src(%dma_wait3A_35 : memref<640x2x128xbf16, #tpu.memory_space<vmem_shared>>) dst(%dma_wait3A_32 : memref<640x2x128xbf16, #tpu.memory_space<hbm>>)
      tpu.yield
    }) : () -> ()
    return
  }
}

module attributes {stable_mosaic.version = 14 : i64} {
  func.func @_tc_init_body(%arg0: i32, %arg1: memref<2000x256xf32, #tpu.memory_space<vmem>>, %arg2: memref<256x256xbf16, #tpu.memory_space<vmem>>, %arg3: memref<1x256xf32, #tpu.memory_space<vmem>>, %arg4: memref<256x768xbf16, #tpu.memory_space<vmem>>, %arg5: memref<1x768xf32, #tpu.memory_space<vmem>>, %arg6: memref<1x768xf32, #tpu.memory_space<vmem>>, %arg7: memref<2x2000x1xf32, #tpu.memory_space<vmem>>, %arg8: memref<2000x256xf32, #tpu.memory_space<vmem>>, %arg9: memref<2000x256xbf16, #tpu.memory_space<vmem>>) attributes {dimension_semantics = [#tpu.dimension_semantics<arbitrary>], iteration_bounds = array<i64: 5>, scalar_prefetch = 0 : i64, scratch_operands = 0 : i64, tpu.core_type = #tpu.core_type<tc>, window_params = [{transform_indices = @transform_0, window_bounds = array<i64: 2000, 256>}, {pipeline_mode = #tpu.pipeline_mode<synchronous>, transform_indices = @transform_1, window_bounds = array<i64: 256, 256>}, {pipeline_mode = #tpu.pipeline_mode<synchronous>, transform_indices = @transform_2, window_bounds = array<i64: 1, 256>}, {pipeline_mode = #tpu.pipeline_mode<synchronous>, transform_indices = @transform_3, window_bounds = array<i64: 256, 768>}, {pipeline_mode = #tpu.pipeline_mode<synchronous>, transform_indices = @transform_4, window_bounds = array<i64: 1, 768>}, {pipeline_mode = #tpu.pipeline_mode<synchronous>, transform_indices = @transform_5, window_bounds = array<i64: 1, 768>}, {transform_indices = @transform_6, window_bounds = array<i64: 2, 2000, 1>}, {transform_indices = @transform_7, window_bounds = array<i64: 2000, 256>}, {transform_indices = @transform_8, window_bounds = array<i64: 2000, 256>}]} {
    %get3A = arith.constant 0 : index
    %get3A_0 = arith.constant 0 : index
    %get3A_1 = vector.load %arg1[%get3A, %get3A_0] : memref<2000x256xf32, #tpu.memory_space<vmem>>, vector<2000x256xf32>
    %convert_element_type3A = arith.truncf %get3A_1 : vector<2000x256xf32> to vector<2000x256xbf16>
    %get3A_2 = arith.constant 0 : index
    %get3A_3 = arith.constant 0 : index
    %get3A_4 = vector.load %arg2[%get3A_2, %get3A_3] : memref<256x256xbf16, #tpu.memory_space<vmem>>, vector<256x256xbf16>
    %dot_general3A = arith.constant dense<0.000000e+00> : vector<2000x256xf32>
    %dot_general3A_5 = tpu.matmul %convert_element_type3A, %get3A_4, %dot_general3A {dimension_numbers = #tpu.dot_dimension_numbers<[1], [0], [0], [1], [0, 0, 1, 1], [], []>, transpose_lhs_hint = false} : vector<2000x256xbf16>, vector<256x256xbf16>, vector<2000x256xf32> -> vector<2000x256xf32>
    %get3A_6 = arith.constant 0 : index
    %get3A_7 = arith.constant 0 : index
    %get3A_8 = vector.load %arg3[%get3A_6, %get3A_7] : memref<1x256xf32, #tpu.memory_space<vmem>>, vector<1x256xf32>
    %add3A = vector.broadcast %get3A_8 : vector<1x256xf32> to vector<2000x256xf32>
    %add3A_9 = arith.addf %dot_general3A_5, %add3A : vector<2000x256xf32>
    %convert_element_type3A_10 = arith.truncf %add3A_9 : vector<2000x256xf32> to vector<2000x256xbf16>
    %get3A_11 = arith.constant 0 : index
    %get3A_12 = arith.constant 0 : index
    %get3A_13 = vector.load %arg4[%get3A_11, %get3A_12] : memref<256x768xbf16, #tpu.memory_space<vmem>>, vector<256x768xbf16>
    %dot_general3A_14 = arith.constant dense<0.000000e+00> : vector<2000x768xf32>
    %dot_general3A_15 = tpu.matmul %convert_element_type3A_10, %get3A_13, %dot_general3A_14 {dimension_numbers = #tpu.dot_dimension_numbers<[1], [0], [0], [1], [0, 0, 1, 1], [], []>, transpose_lhs_hint = false} : vector<2000x256xbf16>, vector<256x768xbf16>, vector<2000x768xf32> -> vector<2000x768xf32>
    %get3A_16 = arith.constant 0 : index
    %get3A_17 = arith.constant 0 : index
    %get3A_18 = vector.load %arg5[%get3A_16, %get3A_17] : memref<1x768xf32, #tpu.memory_space<vmem>>, vector<1x768xf32>
    %add3A_19 = vector.broadcast %get3A_18 : vector<1x768xf32> to vector<2000x768xf32>
    %add3A_20 = arith.addf %dot_general3A_15, %add3A_19 : vector<2000x768xf32>
    %get3A_21 = arith.constant 0 : index
    %get3A_22 = arith.constant 0 : index
    %get3A_23 = vector.load %arg6[%get3A_21, %get3A_22] : memref<1x768xf32, #tpu.memory_space<vmem>>, vector<1x768xf32>
    %broadcast_in_dim3A = vector.shape_cast %get3A_23 : vector<1x768xf32> to vector<1x768xf32>
    %broadcast_in_dim3A_24 = vector.broadcast %broadcast_in_dim3A : vector<1x768xf32> to vector<2000x768xf32>
    %slice3A = vector.extract_strided_slice %add3A_20 {offsets = [0, 0], sizes = [2000, 256], strides = [1, 1]} : vector<2000x768xf32> to vector<2000x256xf32>
    %slice3A_25 = vector.extract_strided_slice %add3A_20 {offsets = [0, 256], sizes = [2000, 256], strides = [1, 1]} : vector<2000x768xf32> to vector<2000x256xf32>
    %slice3A_26 = vector.extract_strided_slice %add3A_20 {offsets = [0, 512], sizes = [2000, 256], strides = [1, 1]} : vector<2000x768xf32> to vector<2000x256xf32>
    %slice3A_27 = vector.extract_strided_slice %broadcast_in_dim3A_24 {offsets = [0, 0], sizes = [2000, 256], strides = [1, 1]} : vector<2000x768xf32> to vector<2000x256xf32>
    %slice3A_28 = vector.extract_strided_slice %broadcast_in_dim3A_24 {offsets = [0, 256], sizes = [2000, 256], strides = [1, 1]} : vector<2000x768xf32> to vector<2000x256xf32>
    %slice3A_29 = vector.extract_strided_slice %broadcast_in_dim3A_24 {offsets = [0, 512], sizes = [2000, 256], strides = [1, 1]} : vector<2000x768xf32> to vector<2000x256xf32>
    %add3A_30 = arith.addf %slice3A, %slice3A_27 : vector<2000x256xf32>
    %logistic3A = arith.negf %add3A_30 : vector<2000x256xf32>
    %logistic3A_31 = math.exp %logistic3A : vector<2000x256xf32>
    %logistic3A_32 = arith.constant 1.000000e+00 : f32
    %logistic3A_33 = vector.broadcast %logistic3A_32 : f32 to vector<2000x256xf32>
    %logistic3A_34 = arith.addf %logistic3A_33, %logistic3A_31 : vector<2000x256xf32>
    %logistic3A_35 = arith.divf %logistic3A_33, %logistic3A_34 : vector<2000x256xf32>
    %add3A_36 = arith.addf %slice3A_25, %slice3A_28 : vector<2000x256xf32>
    %logistic3A_37 = arith.negf %add3A_36 : vector<2000x256xf32>
    %logistic3A_38 = math.exp %logistic3A_37 : vector<2000x256xf32>
    %logistic3A_39 = arith.constant 1.000000e+00 : f32
    %logistic3A_40 = vector.broadcast %logistic3A_39 : f32 to vector<2000x256xf32>
    %logistic3A_41 = arith.addf %logistic3A_40, %logistic3A_38 : vector<2000x256xf32>
    %logistic3A_42 = arith.divf %logistic3A_40, %logistic3A_41 : vector<2000x256xf32>
    %mul3A = arith.mulf %logistic3A_35, %slice3A_29 : vector<2000x256xf32>
    %add3A_43 = arith.addf %slice3A_26, %mul3A : vector<2000x256xf32>
    %tanh3A = math.tanh %add3A_43 : vector<2000x256xf32>
    %sub3A = arith.constant 1.000000e+00 : f32
    %sub3A_44 = vector.broadcast %sub3A : f32 to vector<2000x256xf32>
    %sub3A_45 = arith.subf %sub3A_44, %logistic3A_42 : vector<2000x256xf32>
    %mul3A_46 = arith.mulf %sub3A_45, %tanh3A : vector<2000x256xf32>
    %mul3A_47 = arith.constant 0.000000e+00 : f32
    %mul3A_48 = vector.broadcast %mul3A_47 : f32 to vector<2000x256xf32>
    %mul3A_49 = arith.mulf %logistic3A_42, %mul3A_48 : vector<2000x256xf32>
    %add3A_50 = arith.addf %mul3A_46, %mul3A_49 : vector<2000x256xf32>
    %swap3A = arith.constant 0 : index
    %swap3A_51 = arith.constant 0 : index
    %swap3A_52 = vector.load %arg8[%swap3A, %swap3A_51] : memref<2000x256xf32, #tpu.memory_space<vmem>>, vector<2000x256xf32>
    tpu.vector_store %arg8[%swap3A, %swap3A_51], %add3A_50 {strides = array<i32>} : memref<2000x256xf32, #tpu.memory_space<vmem>>, vector<2000x256xf32>,
    %get3A_53 = arith.constant 0 : index
    %get3A_54 = arith.constant 0 : index
    %get3A_55 = arith.constant 0 : index
    %get3A_56 = vector.load %arg7[%get3A_53, %get3A_54, %get3A_55] : memref<2x2000x1xf32, #tpu.memory_space<vmem>>, vector<1x2000x1xf32>
    %get3A_57 = vector.shape_cast %get3A_56 : vector<1x2000x1xf32> to vector<2000x1xf32>
    %get3A_58 = arith.constant 1 : index
    %get3A_59 = arith.constant 0 : index
    %get3A_60 = arith.constant 0 : index
    %get3A_61 = vector.load %arg7[%get3A_58, %get3A_59, %get3A_60] : memref<2x2000x1xf32, #tpu.memory_space<vmem>>, vector<1x2000x1xf32>
    %get3A_62 = vector.shape_cast %get3A_61 : vector<1x2000x1xf32> to vector<2000x1xf32>
    %add3A_63 = arith.addf %get3A_57, %get3A_62 : vector<2000x1xf32>
    %max3A = arith.constant 1.000000e+00 : f32
    %max3A_64 = vector.broadcast %max3A : f32 to vector<2000x1xf32>
    %max3A_65 = arith.maximumf %add3A_63, %max3A_64 : vector<2000x1xf32>
    %rsqrt3A = math.rsqrt %max3A_65 : vector<2000x1xf32>
    %mul3A_66 = vector.broadcast %rsqrt3A : vector<2000x1xf32> to vector<2000x256xf32>
    %mul3A_67 = arith.mulf %add3A_50, %mul3A_66 : vector<2000x256xf32>
    %convert_element_type3A_68 = arith.truncf %mul3A_67 : vector<2000x256xf32> to vector<2000x256xbf16>
    %swap3A_69 = arith.constant 0 : index
    %swap3A_70 = arith.constant 0 : index
    %swap3A_71 = vector.load %arg9[%swap3A_69, %swap3A_70] : memref<2000x256xbf16, #tpu.memory_space<vmem>>, vector<2000x256xbf16>
    tpu.vector_store %arg9[%swap3A_69, %swap3A_70], %convert_element_type3A_68 {strides = array<i32>} : memref<2000x256xbf16, #tpu.memory_space<vmem>>, vector<2000x256xbf16>,
    return
  }
  func.func @transform_0(%arg0: i32) -> (i32, i32) {
    %c0_i32 = arith.constant 0 : i32
    %c0_i32_0 = arith.constant 0 : i32
    return %arg0, %c0_i32 : i32, i32
  }
  func.func @transform_1(%arg0: i32) -> (i32, i32) {
    %c0_i32 = arith.constant 0 : i32
    %c0_i32_0 = arith.constant 0 : i32
    %c0_i32_1 = arith.constant 0 : i32
    return %c0_i32, %c0_i32_0 : i32, i32
  }
  func.func @transform_2(%arg0: i32) -> (i32, i32) {
    %c0_i32 = arith.constant 0 : i32
    %c0_i32_0 = arith.constant 0 : i32
    %c0_i32_1 = arith.constant 0 : i32
    return %c0_i32, %c0_i32_0 : i32, i32
  }
  func.func @transform_3(%arg0: i32) -> (i32, i32) {
    %c0_i32 = arith.constant 0 : i32
    %c0_i32_0 = arith.constant 0 : i32
    %c0_i32_1 = arith.constant 0 : i32
    return %c0_i32, %c0_i32_0 : i32, i32
  }
  func.func @transform_4(%arg0: i32) -> (i32, i32) {
    %c0_i32 = arith.constant 0 : i32
    %c0_i32_0 = arith.constant 0 : i32
    %c0_i32_1 = arith.constant 0 : i32
    return %c0_i32, %c0_i32_0 : i32, i32
  }
  func.func @transform_5(%arg0: i32) -> (i32, i32) {
    %c0_i32 = arith.constant 0 : i32
    %c0_i32_0 = arith.constant 0 : i32
    %c0_i32_1 = arith.constant 0 : i32
    return %c0_i32, %c0_i32_0 : i32, i32
  }
  func.func @transform_6(%arg0: i32) -> (i32, i32, i32) {
    %c0_i32 = arith.constant 0 : i32
    %c0_i32_0 = arith.constant 0 : i32
    %c0_i32_1 = arith.constant 0 : i32
    return %c0_i32, %arg0, %c0_i32_0 : i32, i32, i32
  }
  func.func @transform_7(%arg0: i32) -> (i32, i32) {
    %c0_i32 = arith.constant 0 : i32
    %c0_i32_0 = arith.constant 0 : i32
    return %arg0, %c0_i32 : i32, i32
  }
  func.func @transform_8(%arg0: i32) -> (i32, i32) {
    %c0_i32 = arith.constant 0 : i32
    %c0_i32_0 = arith.constant 0 : i32
    return %arg0, %c0_i32 : i32, i32
  }
}

module attributes {stable_mosaic.version = 14 : i64} {
  func.func @_tc_hop_body(%arg0: i32, %arg1: memref<2x2000x256xbf16, #tpu.memory_space<vmem>>, %arg2: memref<2x2000x1xf32, #tpu.memory_space<vmem>>, %arg3: memref<2000x256xf32, #tpu.memory_space<vmem>>, %arg4: memref<256x256xbf16, #tpu.memory_space<vmem>>, %arg5: memref<1x256xf32, #tpu.memory_space<vmem>>, %arg6: memref<256x768xbf16, #tpu.memory_space<vmem>>, %arg7: memref<256x768xbf16, #tpu.memory_space<vmem>>, %arg8: memref<1x768xf32, #tpu.memory_space<vmem>>, %arg9: memref<1x768xf32, #tpu.memory_space<vmem>>, %arg10: memref<2000x256xf32, #tpu.memory_space<vmem>>, %arg11: memref<2000x256xbf16, #tpu.memory_space<vmem>>) attributes {dimension_semantics = [#tpu.dimension_semantics<arbitrary>], iteration_bounds = array<i64: 5>, scalar_prefetch = 0 : i64, scratch_operands = 0 : i64, tpu.core_type = #tpu.core_type<tc>, window_params = [{transform_indices = @transform_0, window_bounds = array<i64: 2, 2000, 256>}, {transform_indices = @transform_1, window_bounds = array<i64: 2, 2000, 1>}, {transform_indices = @transform_2, window_bounds = array<i64: 2000, 256>}, {pipeline_mode = #tpu.pipeline_mode<synchronous>, transform_indices = @transform_3, window_bounds = array<i64: 256, 256>}, {pipeline_mode = #tpu.pipeline_mode<synchronous>, transform_indices = @transform_4, window_bounds = array<i64: 1, 256>}, {pipeline_mode = #tpu.pipeline_mode<synchronous>, transform_indices = @transform_5, window_bounds = array<i64: 256, 768>}, {pipeline_mode = #tpu.pipeline_mode<synchronous>, transform_indices = @transform_6, window_bounds = array<i64: 256, 768>}, {pipeline_mode = #tpu.pipeline_mode<synchronous>, transform_indices = @transform_7, window_bounds = array<i64: 1, 768>}, {pipeline_mode = #tpu.pipeline_mode<synchronous>, transform_indices = @transform_8, window_bounds = array<i64: 1, 768>}, {transform_indices = @transform_9, window_bounds = array<i64: 2000, 256>}, {transform_indices = @transform_10, window_bounds = array<i64: 2000, 256>}]} {
    %get3A = arith.constant 0 : index
    %get3A_0 = arith.constant 0 : index
    %get3A_1 = arith.constant 0 : index
    %get3A_2 = vector.load %arg2[%get3A, %get3A_0, %get3A_1] : memref<2x2000x1xf32, #tpu.memory_space<vmem>>, vector<1x2000x1xf32>
    %get3A_3 = vector.shape_cast %get3A_2 : vector<1x2000x1xf32> to vector<2000x1xf32>
    %get3A_4 = arith.constant 1 : index
    %get3A_5 = arith.constant 0 : index
    %get3A_6 = arith.constant 0 : index
    %get3A_7 = vector.load %arg2[%get3A_4, %get3A_5, %get3A_6] : memref<2x2000x1xf32, #tpu.memory_space<vmem>>, vector<1x2000x1xf32>
    %get3A_8 = vector.shape_cast %get3A_7 : vector<1x2000x1xf32> to vector<2000x1xf32>
    %add3A = arith.addf %get3A_3, %get3A_8 : vector<2000x1xf32>
    %max3A = arith.constant 1.000000e+00 : f32
    %max3A_9 = vector.broadcast %max3A : f32 to vector<2000x1xf32>
    %max3A_10 = arith.maximumf %add3A, %max3A_9 : vector<2000x1xf32>
    %rsqrt3A = math.rsqrt %max3A_10 : vector<2000x1xf32>
    %get3A_11 = arith.constant 0 : index
    %get3A_12 = arith.constant 0 : index
    %get3A_13 = arith.constant 0 : index
    %get3A_14 = vector.load %arg1[%get3A_11, %get3A_12, %get3A_13] : memref<2x2000x256xbf16, #tpu.memory_space<vmem>>, vector<1x2000x256xbf16>
    %get3A_15 = vector.shape_cast %get3A_14 : vector<1x2000x256xbf16> to vector<2000x256xbf16>
    %convert_element_type3A = arith.extf %get3A_15 : vector<2000x256xbf16> to vector<2000x256xf32>
    %get3A_16 = arith.constant 1 : index
    %get3A_17 = arith.constant 0 : index
    %get3A_18 = arith.constant 0 : index
    %get3A_19 = vector.load %arg1[%get3A_16, %get3A_17, %get3A_18] : memref<2x2000x256xbf16, #tpu.memory_space<vmem>>, vector<1x2000x256xbf16>
    %get3A_20 = vector.shape_cast %get3A_19 : vector<1x2000x256xbf16> to vector<2000x256xbf16>
    %convert_element_type3A_21 = arith.extf %get3A_20 : vector<2000x256xbf16> to vector<2000x256xf32>
    %add3A_22 = arith.addf %convert_element_type3A, %convert_element_type3A_21 : vector<2000x256xf32>
    %mul3A = vector.broadcast %rsqrt3A : vector<2000x1xf32> to vector<2000x256xf32>
    %mul3A_23 = arith.mulf %add3A_22, %mul3A : vector<2000x256xf32>
    %convert_element_type3A_24 = arith.truncf %mul3A_23 : vector<2000x256xf32> to vector<2000x256xbf16>
    %get3A_25 = arith.constant 0 : index
    %get3A_26 = arith.constant 0 : index
    %get3A_27 = vector.load %arg4[%get3A_25, %get3A_26] : memref<256x256xbf16, #tpu.memory_space<vmem>>, vector<256x256xbf16>
    %dot_general3A = arith.constant dense<0.000000e+00> : vector<2000x256xf32>
    %dot_general3A_28 = tpu.matmul %convert_element_type3A_24, %get3A_27, %dot_general3A {dimension_numbers = #tpu.dot_dimension_numbers<[1], [0], [0], [1], [0, 0, 1, 1], [], []>, transpose_lhs_hint = false} : vector<2000x256xbf16>, vector<256x256xbf16>, vector<2000x256xf32> -> vector<2000x256xf32>
    %get3A_29 = arith.constant 0 : index
    %get3A_30 = arith.constant 0 : index
    %get3A_31 = vector.load %arg5[%get3A_29, %get3A_30] : memref<1x256xf32, #tpu.memory_space<vmem>>, vector<1x256xf32>
    %add3A_32 = vector.broadcast %get3A_31 : vector<1x256xf32> to vector<2000x256xf32>
    %add3A_33 = arith.addf %dot_general3A_28, %add3A_32 : vector<2000x256xf32>
    %max3A_34 = arith.constant 0.000000e+00 : f32
    %max3A_35 = vector.broadcast %max3A_34 : f32 to vector<2000x256xf32>
    %max3A_36 = arith.maximumf %add3A_33, %max3A_35 : vector<2000x256xf32>
    %convert_element_type3A_37 = arith.truncf %max3A_36 : vector<2000x256xf32> to vector<2000x256xbf16>
    %get3A_38 = arith.constant 0 : index
    %get3A_39 = arith.constant 0 : index
    %get3A_40 = vector.load %arg6[%get3A_38, %get3A_39] : memref<256x768xbf16, #tpu.memory_space<vmem>>, vector<256x768xbf16>
    %dot_general3A_41 = arith.constant dense<0.000000e+00> : vector<2000x768xf32>
    %dot_general3A_42 = tpu.matmul %convert_element_type3A_37, %get3A_40, %dot_general3A_41 {dimension_numbers = #tpu.dot_dimension_numbers<[1], [0], [0], [1], [0, 0, 1, 1], [], []>, transpose_lhs_hint = false} : vector<2000x256xbf16>, vector<256x768xbf16>, vector<2000x768xf32> -> vector<2000x768xf32>
    %get3A_43 = arith.constant 0 : index
    %get3A_44 = arith.constant 0 : index
    %get3A_45 = vector.load %arg8[%get3A_43, %get3A_44] : memref<1x768xf32, #tpu.memory_space<vmem>>, vector<1x768xf32>
    %add3A_46 = vector.broadcast %get3A_45 : vector<1x768xf32> to vector<2000x768xf32>
    %add3A_47 = arith.addf %dot_general3A_42, %add3A_46 : vector<2000x768xf32>
    %get3A_48 = arith.constant 0 : index
    %get3A_49 = arith.constant 0 : index
    %get3A_50 = vector.load %arg3[%get3A_48, %get3A_49] : memref<2000x256xf32, #tpu.memory_space<vmem>>, vector<2000x256xf32>
    %convert_element_type3A_51 = arith.truncf %get3A_50 : vector<2000x256xf32> to vector<2000x256xbf16>
    %get3A_52 = arith.constant 0 : index
    %get3A_53 = arith.constant 0 : index
    %get3A_54 = vector.load %arg7[%get3A_52, %get3A_53] : memref<256x768xbf16, #tpu.memory_space<vmem>>, vector<256x768xbf16>
    %dot_general3A_55 = arith.constant dense<0.000000e+00> : vector<2000x768xf32>
    %dot_general3A_56 = tpu.matmul %convert_element_type3A_51, %get3A_54, %dot_general3A_55 {dimension_numbers = #tpu.dot_dimension_numbers<[1], [0], [0], [1], [0, 0, 1, 1], [], []>, transpose_lhs_hint = false} : vector<2000x256xbf16>, vector<256x768xbf16>, vector<2000x768xf32> -> vector<2000x768xf32>
    %get3A_57 = arith.constant 0 : index
    %get3A_58 = arith.constant 0 : index
    %get3A_59 = vector.load %arg9[%get3A_57, %get3A_58] : memref<1x768xf32, #tpu.memory_space<vmem>>, vector<1x768xf32>
    %add3A_60 = vector.broadcast %get3A_59 : vector<1x768xf32> to vector<2000x768xf32>
    %add3A_61 = arith.addf %dot_general3A_56, %add3A_60 : vector<2000x768xf32>
    %get3A_62 = arith.constant 0 : index
    %get3A_63 = arith.constant 0 : index
    %get3A_64 = vector.load %arg3[%get3A_62, %get3A_63] : memref<2000x256xf32, #tpu.memory_space<vmem>>, vector<2000x256xf32>
    %slice3A = vector.extract_strided_slice %add3A_47 {offsets = [0, 0], sizes = [2000, 256], strides = [1, 1]} : vector<2000x768xf32> to vector<2000x256xf32>
    %slice3A_65 = vector.extract_strided_slice %add3A_47 {offsets = [0, 256], sizes = [2000, 256], strides = [1, 1]} : vector<2000x768xf32> to vector<2000x256xf32>
    %slice3A_66 = vector.extract_strided_slice %add3A_47 {offsets = [0, 512], sizes = [2000, 256], strides = [1, 1]} : vector<2000x768xf32> to vector<2000x256xf32>
    %slice3A_67 = vector.extract_strided_slice %add3A_61 {offsets = [0, 0], sizes = [2000, 256], strides = [1, 1]} : vector<2000x768xf32> to vector<2000x256xf32>
    %slice3A_68 = vector.extract_strided_slice %add3A_61 {offsets = [0, 256], sizes = [2000, 256], strides = [1, 1]} : vector<2000x768xf32> to vector<2000x256xf32>
    %slice3A_69 = vector.extract_strided_slice %add3A_61 {offsets = [0, 512], sizes = [2000, 256], strides = [1, 1]} : vector<2000x768xf32> to vector<2000x256xf32>
    %add3A_70 = arith.addf %slice3A, %slice3A_67 : vector<2000x256xf32>
    %logistic3A = arith.negf %add3A_70 : vector<2000x256xf32>
    %logistic3A_71 = math.exp %logistic3A : vector<2000x256xf32>
    %logistic3A_72 = arith.constant 1.000000e+00 : f32
    %logistic3A_73 = vector.broadcast %logistic3A_72 : f32 to vector<2000x256xf32>
    %logistic3A_74 = arith.addf %logistic3A_73, %logistic3A_71 : vector<2000x256xf32>
    %logistic3A_75 = arith.divf %logistic3A_73, %logistic3A_74 : vector<2000x256xf32>
    %add3A_76 = arith.addf %slice3A_65, %slice3A_68 : vector<2000x256xf32>
    %logistic3A_77 = arith.negf %add3A_76 : vector<2000x256xf32>
    %logistic3A_78 = math.exp %logistic3A_77 : vector<2000x256xf32>
    %logistic3A_79 = arith.constant 1.000000e+00 : f32
    %logistic3A_80 = vector.broadcast %logistic3A_79 : f32 to vector<2000x256xf32>
    %logistic3A_81 = arith.addf %logistic3A_80, %logistic3A_78 : vector<2000x256xf32>
    %logistic3A_82 = arith.divf %logistic3A_80, %logistic3A_81 : vector<2000x256xf32>
    %mul3A_83 = arith.mulf %logistic3A_75, %slice3A_69 : vector<2000x256xf32>
    %add3A_84 = arith.addf %slice3A_66, %mul3A_83 : vector<2000x256xf32>
    %tanh3A = math.tanh %add3A_84 : vector<2000x256xf32>
    %sub3A = arith.constant 1.000000e+00 : f32
    %sub3A_85 = vector.broadcast %sub3A : f32 to vector<2000x256xf32>
    %sub3A_86 = arith.subf %sub3A_85, %logistic3A_82 : vector<2000x256xf32>
    %mul3A_87 = arith.mulf %sub3A_86, %tanh3A : vector<2000x256xf32>
    %mul3A_88 = arith.mulf %logistic3A_82, %get3A_64 : vector<2000x256xf32>
    %add3A_89 = arith.addf %mul3A_87, %mul3A_88 : vector<2000x256xf32>
    %swap3A = arith.constant 0 : index
    %swap3A_90 = arith.constant 0 : index
    %swap3A_91 = vector.load %arg10[%swap3A, %swap3A_90] : memref<2000x256xf32, #tpu.memory_space<vmem>>, vector<2000x256xf32>
    tpu.vector_store %arg10[%swap3A, %swap3A_90], %add3A_89 {strides = array<i32>} : memref<2000x256xf32, #tpu.memory_space<vmem>>, vector<2000x256xf32>,
    %mul3A_92 = vector.broadcast %rsqrt3A : vector<2000x1xf32> to vector<2000x256xf32>
    %mul3A_93 = arith.mulf %add3A_89, %mul3A_92 : vector<2000x256xf32>
    %convert_element_type3A_94 = arith.truncf %mul3A_93 : vector<2000x256xf32> to vector<2000x256xbf16>
    %swap3A_95 = arith.constant 0 : index
    %swap3A_96 = arith.constant 0 : index
    %swap3A_97 = vector.load %arg11[%swap3A_95, %swap3A_96] : memref<2000x256xbf16, #tpu.memory_space<vmem>>, vector<2000x256xbf16>
    tpu.vector_store %arg11[%swap3A_95, %swap3A_96], %convert_element_type3A_94 {strides = array<i32>} : memref<2000x256xbf16, #tpu.memory_space<vmem>>, vector<2000x256xbf16>,
    return
  }
  func.func @transform_0(%arg0: i32) -> (i32, i32, i32) {
    %c0_i32 = arith.constant 0 : i32
    %c0_i32_0 = arith.constant 0 : i32
    %c0_i32_1 = arith.constant 0 : i32
    return %c0_i32, %arg0, %c0_i32_0 : i32, i32, i32
  }
  func.func @transform_1(%arg0: i32) -> (i32, i32, i32) {
    %c0_i32 = arith.constant 0 : i32
    %c0_i32_0 = arith.constant 0 : i32
    %c0_i32_1 = arith.constant 0 : i32
    return %c0_i32, %arg0, %c0_i32_0 : i32, i32, i32
  }
  func.func @transform_2(%arg0: i32) -> (i32, i32) {
    %c0_i32 = arith.constant 0 : i32
    %c0_i32_0 = arith.constant 0 : i32
    return %arg0, %c0_i32 : i32, i32
  }
  func.func @transform_3(%arg0: i32) -> (i32, i32) {
    %c0_i32 = arith.constant 0 : i32
    %c0_i32_0 = arith.constant 0 : i32
    %c0_i32_1 = arith.constant 0 : i32
    return %c0_i32, %c0_i32_0 : i32, i32
  }
  func.func @transform_4(%arg0: i32) -> (i32, i32) {
    %c0_i32 = arith.constant 0 : i32
    %c0_i32_0 = arith.constant 0 : i32
    %c0_i32_1 = arith.constant 0 : i32
    return %c0_i32, %c0_i32_0 : i32, i32
  }
  func.func @transform_5(%arg0: i32) -> (i32, i32) {
    %c0_i32 = arith.constant 0 : i32
    %c0_i32_0 = arith.constant 0 : i32
    %c0_i32_1 = arith.constant 0 : i32
    return %c0_i32, %c0_i32_0 : i32, i32
  }
  func.func @transform_6(%arg0: i32) -> (i32, i32) {
    %c0_i32 = arith.constant 0 : i32
    %c0_i32_0 = arith.constant 0 : i32
    %c0_i32_1 = arith.constant 0 : i32
    return %c0_i32, %c0_i32_0 : i32, i32
  }
  func.func @transform_7(%arg0: i32) -> (i32, i32) {
    %c0_i32 = arith.constant 0 : i32
    %c0_i32_0 = arith.constant 0 : i32
    %c0_i32_1 = arith.constant 0 : i32
    return %c0_i32, %c0_i32_0 : i32, i32
  }
  func.func @transform_8(%arg0: i32) -> (i32, i32) {
    %c0_i32 = arith.constant 0 : i32
    %c0_i32_0 = arith.constant 0 : i32
    %c0_i32_1 = arith.constant 0 : i32
    return %c0_i32, %c0_i32_0 : i32, i32
  }
  func.func @transform_9(%arg0: i32) -> (i32, i32) {
    %c0_i32 = arith.constant 0 : i32
    %c0_i32_0 = arith.constant 0 : i32
    return %arg0, %c0_i32 : i32, i32
  }
  func.func @transform_10(%arg0: i32) -> (i32, i32) {
    %c0_i32 = arith.constant 0 : i32
    %c0_i32_0 = arith.constant 0 : i32
    return %arg0, %c0_i32 : i32, i32
  }
}

module attributes {stable_mosaic.version = 14 : i64} {
  func.func @_tc_hop_body(%arg0: i32, %arg1: memref<2x2000x256xbf16, #tpu.memory_space<vmem>>, %arg2: memref<2x2000x1xf32, #tpu.memory_space<vmem>>, %arg3: memref<2000x256xf32, #tpu.memory_space<vmem>>, %arg4: memref<256x256xbf16, #tpu.memory_space<vmem>>, %arg5: memref<1x256xf32, #tpu.memory_space<vmem>>, %arg6: memref<256x768xbf16, #tpu.memory_space<vmem>>, %arg7: memref<256x768xbf16, #tpu.memory_space<vmem>>, %arg8: memref<1x768xf32, #tpu.memory_space<vmem>>, %arg9: memref<1x768xf32, #tpu.memory_space<vmem>>, %arg10: memref<2000x256xf32, #tpu.memory_space<vmem>>, %arg11: memref<2000x256xbf16, #tpu.memory_space<vmem>>) attributes {dimension_semantics = [#tpu.dimension_semantics<arbitrary>], iteration_bounds = array<i64: 5>, scalar_prefetch = 0 : i64, scratch_operands = 0 : i64, tpu.core_type = #tpu.core_type<tc>, window_params = [{transform_indices = @transform_0, window_bounds = array<i64: 2, 2000, 256>}, {transform_indices = @transform_1, window_bounds = array<i64: 2, 2000, 1>}, {transform_indices = @transform_2, window_bounds = array<i64: 2000, 256>}, {pipeline_mode = #tpu.pipeline_mode<synchronous>, transform_indices = @transform_3, window_bounds = array<i64: 256, 256>}, {pipeline_mode = #tpu.pipeline_mode<synchronous>, transform_indices = @transform_4, window_bounds = array<i64: 1, 256>}, {pipeline_mode = #tpu.pipeline_mode<synchronous>, transform_indices = @transform_5, window_bounds = array<i64: 256, 768>}, {pipeline_mode = #tpu.pipeline_mode<synchronous>, transform_indices = @transform_6, window_bounds = array<i64: 256, 768>}, {pipeline_mode = #tpu.pipeline_mode<synchronous>, transform_indices = @transform_7, window_bounds = array<i64: 1, 768>}, {pipeline_mode = #tpu.pipeline_mode<synchronous>, transform_indices = @transform_8, window_bounds = array<i64: 1, 768>}, {transform_indices = @transform_9, window_bounds = array<i64: 2000, 256>}, {transform_indices = @transform_10, window_bounds = array<i64: 2000, 256>}]} {
    %get3A = arith.constant 0 : index
    %get3A_0 = arith.constant 0 : index
    %get3A_1 = arith.constant 0 : index
    %get3A_2 = vector.load %arg2[%get3A, %get3A_0, %get3A_1] : memref<2x2000x1xf32, #tpu.memory_space<vmem>>, vector<1x2000x1xf32>
    %get3A_3 = vector.shape_cast %get3A_2 : vector<1x2000x1xf32> to vector<2000x1xf32>
    %get3A_4 = arith.constant 1 : index
    %get3A_5 = arith.constant 0 : index
    %get3A_6 = arith.constant 0 : index
    %get3A_7 = vector.load %arg2[%get3A_4, %get3A_5, %get3A_6] : memref<2x2000x1xf32, #tpu.memory_space<vmem>>, vector<1x2000x1xf32>
    %get3A_8 = vector.shape_cast %get3A_7 : vector<1x2000x1xf32> to vector<2000x1xf32>
    %add3A = arith.addf %get3A_3, %get3A_8 : vector<2000x1xf32>
    %max3A = arith.constant 1.000000e+00 : f32
    %max3A_9 = vector.broadcast %max3A : f32 to vector<2000x1xf32>
    %max3A_10 = arith.maximumf %add3A, %max3A_9 : vector<2000x1xf32>
    %rsqrt3A = math.rsqrt %max3A_10 : vector<2000x1xf32>
    %get3A_11 = arith.constant 0 : index
    %get3A_12 = arith.constant 0 : index
    %get3A_13 = arith.constant 0 : index
    %get3A_14 = vector.load %arg1[%get3A_11, %get3A_12, %get3A_13] : memref<2x2000x256xbf16, #tpu.memory_space<vmem>>, vector<1x2000x256xbf16>
    %get3A_15 = vector.shape_cast %get3A_14 : vector<1x2000x256xbf16> to vector<2000x256xbf16>
    %convert_element_type3A = arith.extf %get3A_15 : vector<2000x256xbf16> to vector<2000x256xf32>
    %get3A_16 = arith.constant 1 : index
    %get3A_17 = arith.constant 0 : index
    %get3A_18 = arith.constant 0 : index
    %get3A_19 = vector.load %arg1[%get3A_16, %get3A_17, %get3A_18] : memref<2x2000x256xbf16, #tpu.memory_space<vmem>>, vector<1x2000x256xbf16>
    %get3A_20 = vector.shape_cast %get3A_19 : vector<1x2000x256xbf16> to vector<2000x256xbf16>
    %convert_element_type3A_21 = arith.extf %get3A_20 : vector<2000x256xbf16> to vector<2000x256xf32>
    %add3A_22 = arith.addf %convert_element_type3A, %convert_element_type3A_21 : vector<2000x256xf32>
    %mul3A = vector.broadcast %rsqrt3A : vector<2000x1xf32> to vector<2000x256xf32>
    %mul3A_23 = arith.mulf %add3A_22, %mul3A : vector<2000x256xf32>
    %convert_element_type3A_24 = arith.truncf %mul3A_23 : vector<2000x256xf32> to vector<2000x256xbf16>
    %get3A_25 = arith.constant 0 : index
    %get3A_26 = arith.constant 0 : index
    %get3A_27 = vector.load %arg4[%get3A_25, %get3A_26] : memref<256x256xbf16, #tpu.memory_space<vmem>>, vector<256x256xbf16>
    %dot_general3A = arith.constant dense<0.000000e+00> : vector<2000x256xf32>
    %dot_general3A_28 = tpu.matmul %convert_element_type3A_24, %get3A_27, %dot_general3A {dimension_numbers = #tpu.dot_dimension_numbers<[1], [0], [0], [1], [0, 0, 1, 1], [], []>, transpose_lhs_hint = false} : vector<2000x256xbf16>, vector<256x256xbf16>, vector<2000x256xf32> -> vector<2000x256xf32>
    %get3A_29 = arith.constant 0 : index
    %get3A_30 = arith.constant 0 : index
    %get3A_31 = vector.load %arg5[%get3A_29, %get3A_30] : memref<1x256xf32, #tpu.memory_space<vmem>>, vector<1x256xf32>
    %add3A_32 = vector.broadcast %get3A_31 : vector<1x256xf32> to vector<2000x256xf32>
    %add3A_33 = arith.addf %dot_general3A_28, %add3A_32 : vector<2000x256xf32>
    %max3A_34 = arith.constant 0.000000e+00 : f32
    %max3A_35 = vector.broadcast %max3A_34 : f32 to vector<2000x256xf32>
    %max3A_36 = arith.maximumf %add3A_33, %max3A_35 : vector<2000x256xf32>
    %convert_element_type3A_37 = arith.truncf %max3A_36 : vector<2000x256xf32> to vector<2000x256xbf16>
    %get3A_38 = arith.constant 0 : index
    %get3A_39 = arith.constant 0 : index
    %get3A_40 = vector.load %arg6[%get3A_38, %get3A_39] : memref<256x768xbf16, #tpu.memory_space<vmem>>, vector<256x768xbf16>
    %dot_general3A_41 = arith.constant dense<0.000000e+00> : vector<2000x768xf32>
    %dot_general3A_42 = tpu.matmul %convert_element_type3A_37, %get3A_40, %dot_general3A_41 {dimension_numbers = #tpu.dot_dimension_numbers<[1], [0], [0], [1], [0, 0, 1, 1], [], []>, transpose_lhs_hint = false} : vector<2000x256xbf16>, vector<256x768xbf16>, vector<2000x768xf32> -> vector<2000x768xf32>
    %get3A_43 = arith.constant 0 : index
    %get3A_44 = arith.constant 0 : index
    %get3A_45 = vector.load %arg8[%get3A_43, %get3A_44] : memref<1x768xf32, #tpu.memory_space<vmem>>, vector<1x768xf32>
    %add3A_46 = vector.broadcast %get3A_45 : vector<1x768xf32> to vector<2000x768xf32>
    %add3A_47 = arith.addf %dot_general3A_42, %add3A_46 : vector<2000x768xf32>
    %get3A_48 = arith.constant 0 : index
    %get3A_49 = arith.constant 0 : index
    %get3A_50 = vector.load %arg3[%get3A_48, %get3A_49] : memref<2000x256xf32, #tpu.memory_space<vmem>>, vector<2000x256xf32>
    %convert_element_type3A_51 = arith.truncf %get3A_50 : vector<2000x256xf32> to vector<2000x256xbf16>
    %get3A_52 = arith.constant 0 : index
    %get3A_53 = arith.constant 0 : index
    %get3A_54 = vector.load %arg7[%get3A_52, %get3A_53] : memref<256x768xbf16, #tpu.memory_space<vmem>>, vector<256x768xbf16>
    %dot_general3A_55 = arith.constant dense<0.000000e+00> : vector<2000x768xf32>
    %dot_general3A_56 = tpu.matmul %convert_element_type3A_51, %get3A_54, %dot_general3A_55 {dimension_numbers = #tpu.dot_dimension_numbers<[1], [0], [0], [1], [0, 0, 1, 1], [], []>, transpose_lhs_hint = false} : vector<2000x256xbf16>, vector<256x768xbf16>, vector<2000x768xf32> -> vector<2000x768xf32>
    %get3A_57 = arith.constant 0 : index
    %get3A_58 = arith.constant 0 : index
    %get3A_59 = vector.load %arg9[%get3A_57, %get3A_58] : memref<1x768xf32, #tpu.memory_space<vmem>>, vector<1x768xf32>
    %add3A_60 = vector.broadcast %get3A_59 : vector<1x768xf32> to vector<2000x768xf32>
    %add3A_61 = arith.addf %dot_general3A_56, %add3A_60 : vector<2000x768xf32>
    %get3A_62 = arith.constant 0 : index
    %get3A_63 = arith.constant 0 : index
    %get3A_64 = vector.load %arg3[%get3A_62, %get3A_63] : memref<2000x256xf32, #tpu.memory_space<vmem>>, vector<2000x256xf32>
    %slice3A = vector.extract_strided_slice %add3A_47 {offsets = [0, 0], sizes = [2000, 256], strides = [1, 1]} : vector<2000x768xf32> to vector<2000x256xf32>
    %slice3A_65 = vector.extract_strided_slice %add3A_47 {offsets = [0, 256], sizes = [2000, 256], strides = [1, 1]} : vector<2000x768xf32> to vector<2000x256xf32>
    %slice3A_66 = vector.extract_strided_slice %add3A_47 {offsets = [0, 512], sizes = [2000, 256], strides = [1, 1]} : vector<2000x768xf32> to vector<2000x256xf32>
    %slice3A_67 = vector.extract_strided_slice %add3A_61 {offsets = [0, 0], sizes = [2000, 256], strides = [1, 1]} : vector<2000x768xf32> to vector<2000x256xf32>
    %slice3A_68 = vector.extract_strided_slice %add3A_61 {offsets = [0, 256], sizes = [2000, 256], strides = [1, 1]} : vector<2000x768xf32> to vector<2000x256xf32>
    %slice3A_69 = vector.extract_strided_slice %add3A_61 {offsets = [0, 512], sizes = [2000, 256], strides = [1, 1]} : vector<2000x768xf32> to vector<2000x256xf32>
    %add3A_70 = arith.addf %slice3A, %slice3A_67 : vector<2000x256xf32>
    %logistic3A = arith.negf %add3A_70 : vector<2000x256xf32>
    %logistic3A_71 = math.exp %logistic3A : vector<2000x256xf32>
    %logistic3A_72 = arith.constant 1.000000e+00 : f32
    %logistic3A_73 = vector.broadcast %logistic3A_72 : f32 to vector<2000x256xf32>
    %logistic3A_74 = arith.addf %logistic3A_73, %logistic3A_71 : vector<2000x256xf32>
    %logistic3A_75 = arith.divf %logistic3A_73, %logistic3A_74 : vector<2000x256xf32>
    %add3A_76 = arith.addf %slice3A_65, %slice3A_68 : vector<2000x256xf32>
    %logistic3A_77 = arith.negf %add3A_76 : vector<2000x256xf32>
    %logistic3A_78 = math.exp %logistic3A_77 : vector<2000x256xf32>
    %logistic3A_79 = arith.constant 1.000000e+00 : f32
    %logistic3A_80 = vector.broadcast %logistic3A_79 : f32 to vector<2000x256xf32>
    %logistic3A_81 = arith.addf %logistic3A_80, %logistic3A_78 : vector<2000x256xf32>
    %logistic3A_82 = arith.divf %logistic3A_80, %logistic3A_81 : vector<2000x256xf32>
    %mul3A_83 = arith.mulf %logistic3A_75, %slice3A_69 : vector<2000x256xf32>
    %add3A_84 = arith.addf %slice3A_66, %mul3A_83 : vector<2000x256xf32>
    %tanh3A = math.tanh %add3A_84 : vector<2000x256xf32>
    %sub3A = arith.constant 1.000000e+00 : f32
    %sub3A_85 = vector.broadcast %sub3A : f32 to vector<2000x256xf32>
    %sub3A_86 = arith.subf %sub3A_85, %logistic3A_82 : vector<2000x256xf32>
    %mul3A_87 = arith.mulf %sub3A_86, %tanh3A : vector<2000x256xf32>
    %mul3A_88 = arith.mulf %logistic3A_82, %get3A_64 : vector<2000x256xf32>
    %add3A_89 = arith.addf %mul3A_87, %mul3A_88 : vector<2000x256xf32>
    %swap3A = arith.constant 0 : index
    %swap3A_90 = arith.constant 0 : index
    %swap3A_91 = vector.load %arg10[%swap3A, %swap3A_90] : memref<2000x256xf32, #tpu.memory_space<vmem>>, vector<2000x256xf32>
    tpu.vector_store %arg10[%swap3A, %swap3A_90], %add3A_89 {strides = array<i32>} : memref<2000x256xf32, #tpu.memory_space<vmem>>, vector<2000x256xf32>,
    %mul3A_92 = vector.broadcast %rsqrt3A : vector<2000x1xf32> to vector<2000x256xf32>
    %mul3A_93 = arith.mulf %add3A_89, %mul3A_92 : vector<2000x256xf32>
    %convert_element_type3A_94 = arith.truncf %mul3A_93 : vector<2000x256xf32> to vector<2000x256xbf16>
    %swap3A_95 = arith.constant 0 : index
    %swap3A_96 = arith.constant 0 : index
    %swap3A_97 = vector.load %arg11[%swap3A_95, %swap3A_96] : memref<2000x256xbf16, #tpu.memory_space<vmem>>, vector<2000x256xbf16>
    tpu.vector_store %arg11[%swap3A_95, %swap3A_96], %convert_element_type3A_94 {strides = array<i32>} : memref<2000x256xbf16, #tpu.memory_space<vmem>>, vector<2000x256xbf16>,
    return
  }
  func.func @transform_0(%arg0: i32) -> (i32, i32, i32) {
    %c0_i32 = arith.constant 0 : i32
    %c0_i32_0 = arith.constant 0 : i32
    %c0_i32_1 = arith.constant 0 : i32
    return %c0_i32, %arg0, %c0_i32_0 : i32, i32, i32
  }
  func.func @transform_1(%arg0: i32) -> (i32, i32, i32) {
    %c0_i32 = arith.constant 0 : i32
    %c0_i32_0 = arith.constant 0 : i32
    %c0_i32_1 = arith.constant 0 : i32
    return %c0_i32, %arg0, %c0_i32_0 : i32, i32, i32
  }
  func.func @transform_2(%arg0: i32) -> (i32, i32) {
    %c0_i32 = arith.constant 0 : i32
    %c0_i32_0 = arith.constant 0 : i32
    return %arg0, %c0_i32 : i32, i32
  }
  func.func @transform_3(%arg0: i32) -> (i32, i32) {
    %c0_i32 = arith.constant 0 : i32
    %c0_i32_0 = arith.constant 0 : i32
    %c0_i32_1 = arith.constant 0 : i32
    return %c0_i32, %c0_i32_0 : i32, i32
  }
  func.func @transform_4(%arg0: i32) -> (i32, i32) {
    %c0_i32 = arith.constant 0 : i32
    %c0_i32_0 = arith.constant 0 : i32
    %c0_i32_1 = arith.constant 0 : i32
    return %c0_i32, %c0_i32_0 : i32, i32
  }
  func.func @transform_5(%arg0: i32) -> (i32, i32) {
    %c0_i32 = arith.constant 0 : i32
    %c0_i32_0 = arith.constant 0 : i32
    %c0_i32_1 = arith.constant 0 : i32
    return %c0_i32, %c0_i32_0 : i32, i32
  }
  func.func @transform_6(%arg0: i32) -> (i32, i32) {
    %c0_i32 = arith.constant 0 : i32
    %c0_i32_0 = arith.constant 0 : i32
    %c0_i32_1 = arith.constant 0 : i32
    return %c0_i32, %c0_i32_0 : i32, i32
  }
  func.func @transform_7(%arg0: i32) -> (i32, i32) {
    %c0_i32 = arith.constant 0 : i32
    %c0_i32_0 = arith.constant 0 : i32
    %c0_i32_1 = arith.constant 0 : i32
    return %c0_i32, %c0_i32_0 : i32, i32
  }
  func.func @transform_8(%arg0: i32) -> (i32, i32) {
    %c0_i32 = arith.constant 0 : i32
    %c0_i32_0 = arith.constant 0 : i32
    %c0_i32_1 = arith.constant 0 : i32
    return %c0_i32, %c0_i32_0 : i32, i32
  }
  func.func @transform_9(%arg0: i32) -> (i32, i32) {
    %c0_i32 = arith.constant 0 : i32
    %c0_i32_0 = arith.constant 0 : i32
    return %arg0, %c0_i32 : i32, i32
  }
  func.func @transform_10(%arg0: i32) -> (i32, i32) {
    %c0_i32 = arith.constant 0 : i32
    %c0_i32_0 = arith.constant 0 : i32
    return %arg0, %c0_i32 : i32, i32
  }
}

</mosaic_0001>

<sc_bundles>
// kernel: kernel.10.cloned.1.call-start
scs
__scs_entry_jumppad:
0x0: {  	(pc) =	sbr.rel $0x88, $3  }
0x1: {  	(tag) =	ssettag $0x0;
	lr =	simm.s32 $0x1  }
0x2: {  	[smem:$0x3F93] =	sst lr;
	_ =	strace $0xD0000000  }
0x3: {  	_ = 	snop  }
0x4: {  	_ = 	snop  }
0x5: {  	_ = 	snop  }
0x6: {  	_ = 	snop  }
0x7: {  	_ = 	snop  }
__scs_overlays_trampoline_lowered:
0x8: {  	[smem:$0x3FA2] =	sst s0  }
0x9: {  	[smem:$0x3FA3] =	sst s1  }
0xa: {  	[smem:$0x3FA4] =	sst s2  }
0xb: {  	[smem:$0x3FA5] =	sst s3  }
0xc: {  	[smem:$0x3FA6] =	sst s4  }
0xd: {  	[smem:$0x3FA7] =	sst s5  }
0xe: {  	[smem:$0x3FA8] =	sst s6  }
0xf: {  	[smem:$0x3FA9] =	sst s7  }
0x10: {  	[smem:$0x3FAA] =	sst s8  }
0x11: {  	[smem:$0x3FAB] =	sst s9;
	s0 =	simm.s32 @!p0 $0x0  }
0x12: {  	s1 =	sld [smem:$0x3F91];
	s0 =	simm.s32 @p0 $0x1  }
0x13: {  	[smem:$0x3FAC] =	sst s0;
	s0 =	simm.s32 @!p1 $0x0  }
0x14: {  	s2 =	sld [smem:$0x3F90];
	s0 =	simm.s32 @p1 $0x1  }
0x15: {  	[smem:$0x3FAD] =	sst s0;
	s0 =	simm.s32 @!p2 $0x0  }
0x16: {  	s3 =	sld [smem:$0x3FDB];
	s0 =	simm.s32 @p2 $0x1  }
0x17: {  	s4 =	simm.s32 $0x1BF5;
	[smem:$0x3FAF] =	sst s0  }
0x18: {  	s0 =	sld [smem:$0x3F92];
	_ =	swait.ge [sflag:s4], $0x0  }
0x19: {  	s7 =	sld [smem:$0x3F93]  }
0x1a: {  	s8 =	sadd.s32 $0xFFFFE003, lr  }
0x1b: {  	s9 =	sadd.s32 $0xFFFFFEF7, lr;
	s5 =	simm.s32 $0xFFFFFFFF;
	p2 =	slt.u32 s8, $0xFFFFF086  }
0x1c: {  	p1 =	slt.u32 s9, $0xF7A;
	s5 =	simm.s32 @!p2 $0x0  }
0x1d: {  	s5 =	simm.s32 @p1 $0x1;
	p0 =	seq.s32 s7, s2  }
0x1e: {  	s7 =	smul.u32 @!p0 $0xF7A, s2;
	p2 =	seq.s32 @!p0 s5, $0x0  }
0x1f: {  	s9 =	smul.u32 $0xF7A, s1;
	s8 =	simm.s32 @!p0 $0x1BF5;
	p2 =	por !p2, p0  }
0x20: {  	[sflag:s8] =	ssyncset.s32 @!p0 $0xFFFFF086;
	s6 =	sadd.s32 @!p0 s3, s7;
	s7 =	simm.s32 @!p0 $0x108  }
0x21: {  	s3 =	sadd.s32 s3, s9;
	s6 =	sadd.s32 @!p0 $0x88, s6;
	s7 =	simm.s32 @p2 $0x1082  }
0x22: {  	[simem:s7], [sflag:s8] =	dma.local @!p0 [hbm:s6], $0xF7A  }
0x23: {  	s9 =	sor.u32 $0xD0000000, s2;
	s6 =	simm.s32 $0x108;
	_ =	swait.ge @!p0 [sflag:s8], $0x0  }
0x24: {  	s3 =	sadd.s32 $0x88, s3;
	s6 =	simm.s32 @!p1 $0x1082;
	[sflag:s4] =	ssyncset.s32 $0xFFFFF086  }
0x25: {  	[simem:s6], [sflag:s4] =	dma.local [hbm:s3], $0xF7A  }
0x26: {  	[smem:$0x3F93] =	sst s1;
	(tag) =	ssettag s2;
	_ =	strace s9  }
0x27: {  	s1 =	sld [smem:$0x3FA3]  }
0x28: {  	s2 =	sld [smem:$0x3FA4]  }
0x29: {  	s4 =	sld [smem:$0x3FA6]  }
0x2a: {  	p0 =	seq.s32 s5, $0x0;
	s5 =	sld [smem:$0x3FA7]  }
0x2b: {  	s6 =	sld [smem:$0x3FA8]  }
0x2c: {  	s7 =	sld [smem:$0x3FA9]  }
0x2d: {  	s3 =	simm.s32 $0x108;
	s8 =	sld [smem:$0x3FAA]  }
0x2e: {  	s3 =	simm.s32 @!p0 $0x1082;
	s9 =	sld [smem:$0x3FAB]  }
0x2f: {  	lr =	sadd.s32 s0, s3;
	s0 =	sld [smem:$0x3FA2]  }
0x30: {  	s3 =	sld [smem:$0x3FA5]  }
0x31: {  	[smem:$0x3FAE] =	sst s10  }
0x32: {  	s10 =	sld [smem:$0x3FAC];
	_ =	sdelay $0x3  }
0x33: {  	p0 =	seq.s32 s10, $0x1;
	s10 =	sld [smem:$0x3FAE];
	_ =	sdelay $0x3  }
0x34: {  	[smem:$0x3FAE] =	sst s10  }
0x35: {  	s10 =	sld [smem:$0x3FAD];
	_ =	sdelay $0x3  }
0x36: {  	p1 =	seq.s32 s10, $0x1;
	s10 =	sld [smem:$0x3FAE];
	_ =	sdelay $0x3  }
0x37: {  	[smem:$0x3FAE] =	sst s10  }
0x38: {  	s10 =	sld [smem:$0x3FAF]  }
0x39: {  	_ = 	snop;
	(pc) =	sbr.ind lr, $3  }
0x3a: {  	_ = 	snop  }
0x3b: {  	_ = 	snop  }
0x3c: {  	p2 =	seq.s32 s10, $0x1;
	s10 =	sld [smem:$0x3FAE]  }
0x3d: {  	_ =	shalt  }
0x3e: {  	_ =	shalt  }
0x3f: {  	_ =	shalt  }
0x40: {  	_ =	shalt  }
0x41: {  	_ =	shalt  }
0x42: {  	_ =	shalt  }
0x43: {  	_ =	shalt  }
0x44: {  	_ =	shalt  }
0x45: {  	_ =	shalt  }
0x46: {  	_ =	shalt  }
0x47: {  	_ =	shalt  }
0x48: {  	_ =	shalt  }
0x49: {  	_ =	shalt  }
0x4a: {  	_ =	shalt  }
0x4b: {  	_ =	shalt  }
0x4c: {  	_ =	shalt  }
0x4d: {  	_ =	shalt  }
0x4e: {  	_ =	shalt  }
0x4f: {  	_ =	shalt  }
0x50: {  	_ =	shalt  }
0x51: {  	_ =	shalt  }
0x52: {  	_ =	shalt  }
0x53: {  	_ =	shalt  }
0x54: {  	_ =	shalt  }
0x55: {  	_ =	shalt  }
0x56: {  	_ =	shalt  }
0x57: {  	_ =	shalt  }
0x58: {  	_ =	shalt  }
0x59: {  	_ =	shalt  }
0x5a: {  	_ =	shalt  }
0x5b: {  	_ =	shalt  }
0x5c: {  	_ =	shalt  }
0x5d: {  	_ =	shalt  }
0x5e: {  	_ =	shalt  }
0x5f: {  	_ =	shalt  }
0x60: {  	_ =	shalt  }
0x61: {  	_ =	shalt  }
0x62: {  	_ =	shalt  }
0x63: {  	_ =	shalt  }
0x64: {  	_ =	shalt  }
0x65: {  	_ =	shalt  }
0x66: {  	_ =	shalt  }
0x67: {  	_ =	shalt  }
0x68: {  	_ =	shalt  }
0x69: {  	_ =	shalt  }
0x6a: {  	_ =	shalt  }
0x6b: {  	_ =	shalt  }
0x6c: {  	_ =	shalt  }
0x6d: {  	_ =	shalt  }
0x6e: {  	_ =	shalt  }
0x6f: {  	_ =	shalt  }
0x70: {  	_ =	shalt  }
0x71: {  	_ =	shalt  }
0x72: {  	_ =	shalt  }
0x73: {  	_ =	shalt  }
0x74: {  	_ =	shalt  }
0x75: {  	_ =	shalt  }
0x76: {  	_ =	shalt  }
0x77: {  	_ =	shalt  }
0x78: {  	_ =	shalt  }
0x79: {  	_ =	shalt  }
0x7a: {  	_ =	shalt  }
0x7b: {  	_ =	shalt  }
0x7c: {  	_ =	shalt  }
0x7d: {  	_ =	shalt  }
0x7e: {  	_ =	shalt  }
0x7f: {  	_ =	shalt  }
0x80: {  	_ =	shalt  }
0x81: {  	_ =	shalt  }
0x82: {  	_ =	shalt  }
0x83: {  	_ =	shalt  }
0x84: {  	_ =	shalt  }
0x85: {  	_ =	shalt  }
0x86: {  	_ =	shalt  }
0x87: {  	_ =	shalt  }
.Lfunc_end0:
.L_simem_size_0:
called_computation_lowered:
.L_overlay_start_0:
0x88: {  	s2 =	sld [smem:$0x3FD9]  }
0x89: {  	s3 =	sld [smem:$0x3FFE];
	_ =	sdelay $0x1  }
0x8a: {  	s1 =	srdreg.scid  }
0x8b: {  	s0 =	sand.u32 $0x1, s1  }
0x8c: {  	s17 =	sshll.u32 s0, $0xA;
	s2 =	sadd.s32 s3, s2  }
0x8d: {  	s2 =	sadd.s32 s2, s17  }
0x8e: {  	[smem:$0x3FBA] =	sst s2  }
0x8f: {  	_ = 	snop  }
0x90: {  	s2 =	sld [smem:$0x3FD0];
	(tm) =	ssettm $0x1  }
0x91: {  	s18 =	sld [smem:$0x3FFB];
	_ =	sdelay $0x3  }
0x92: {  	_ =	strace s18  }
0x93: {  	s3 =	sld [smem:$0x3FFC];
	_ =	sdelay $0x3  }
0x94: {  	_ =	strace s3  }
0x95: {  	s3 =	sld [smem:$0x3FFD];
	_ =	sdelay $0x3  }
0x96: {  	_ =	strace s3  }
0x97: {  	_ =	strace $0x8FFFFFFF  }
0x98: {  	s19 =	sld [smem:$0x3FDB];
	_ =	sdelay $0x1  }
0x99: {  	s4 =	simm.s32 $_scs_section_size  }
0x9a: {  	s5 =	simm.s32 $_size__tile_overlayer_lowered;
	s6 =	simm.s32 $_tile_overlayer_lowered  }
0x9b: {  	s22 =	simm.s32 $0x1BFF;
	s21 =	sshll.u32 s6, $0x1;
	s3 =	sadd.s32 s4, s19  }
0x9c: {  	s7 =	simm.s32 $0x0;
	s20 =	sshll.u32 s5, $0x1;
	s5 =	sadd.s32 s21, s3  }
0x9d: {  	[timem:s7], [sflag:s22] =	dma.local [hbm:s5], s20  }
0x9e: {  	_ =	swait.ge [sflag:s22], s20  }
0x9f: {  	s4 =	ssub.s32 $0x0, s20;
	[sflag:s22] =	ssyncset.done $0x0  }
0xa0: {  	[sflag:s22] =	ssyncadd.s32 s4;
	_ =	sdelay $0x1  }
0xa1: {  	s23 =	simm.s32 $0x1B8B  }
0xa2: {  	_ =	swait.ge [sflag:s23], $0x1  }
0xa3: {  	[sflag:s23] =	ssyncset.done $0x0  }
0xa4: {  	s25 =	simm.s32 $0x1B8E;
	s24 =	sld [smem:$0x3FFE];
	[sflag:s23] =	ssyncadd.s32 $0xFFFFFFFF  }
0xa5: {  	s26 =	simm.s32 $execute0_lowered;
	[smem:$0x3FD2] =	sst s25  }
0xa6: {  	s5 =	sshll.u32 s26, $0x1;
	_ =	strace $0x80000046;
	[dreg:$0x1] =	wrdreg $0xFFFFFFFF  }
0xa7: {  	s28 =	simm.s32 $_size_execute0_lowered;
	s3 =	sadd.s32 s3, s5;
	[dreg:$0x0] =	wrdreg $0x0  }
0xa8: {  	s5 =	sshll.u32 s28, $0x1;
	[dreg:$0x2] =	wrdreg s3  }
0xa9: {  	[dreg:$0x3] =	wrdreg s5  }
0xaa: {  	[dreg:$0x4] =	wrdreg $0xC0  }
0xab: {  	_ =	task [dreg:s7], $0x5FFFF  }
0xac: {  	[dreg:$0x1] =	wrdreg $0xFFFFFFFF  }
0xad: {  	[dreg:$0x0] =	wrdreg $0x60  }
0xae: {  	[dreg:$0x2] =	wrdreg s24  }
0xaf: {  	[dreg:$0x3] =	wrdreg s2  }
0xb0: {  	[dreg:$0x4] =	wrdreg $0x41000  }
0xb1: {  	[dreg:$0x5] =	wrdreg $0x9  }
0xb2: {  	_ =	task.clear_ibuf [dreg:s7], $0x6FFFF;
	_ =	strace $0x90000046  }
0xb3: {  	s29 =	simm.s32 $0x9;
	_ =	strace $0x80000048  }
0xb4: {  	_ =	swait.ge [sflag:s29], $0x1  }
0xb5: {  	[sflag:s29] =	ssyncadd.s32 $0xFFFFFFFF  }
0xb6: {  	_ =	strace $0x90000048  }
0xb7: {  	_ =	sfence  }
0xb8: {  	s30 =	sld [smem:$0x0];
	_ =	sdelay $0x2  }
0xb9: {  	s31 =	sshll.u32 s1, $0xD;
	s1 =	sshrl.u32 s1, $0x2  }
0xba: {  	s3 =	sand.u32 $0x4000, s31;
	s1 =	sadd.s32 s1, s30  }
0xbb: {  	s0 =	sor.u32 s3, s0;
	s1 =	sshll.u32 s1, $0x11  }
0xbc: {  	s0 =	sor.u32 s1, s0  }
0xbd: {  	s0 =	sadd.s32 $0x8F2B, s0  }
0xbe: {  	[sflag:s0] =	ssyncadd.remote.s32 $0x1  }
0xbf: {  	_ =	sfence.sel $0xFFFF  }
0xc0: {  	[dreg:$0x0] =	wrdreg $0xFFFFFFFF;
	(pc) =	sbr.abs _section_cstart, $3  }
0xc1: {  	[dreg:$0x1] =	wrdreg $0xFFFFFFFF  }
0xc2: {  	_ =	task.clear_ibuf [dreg:s7], $0x2FFFF;
	_ =	strace $0x9FFFFFFF  }
0xc3: {  	(tm) =	ssettm $0x7FFFFFFF  }
tec
execute0_lowered:
.L_overlay_start_1:
0x0: {  	(tag) =	ssettag $0x1  }
0x1: {  	s4 =	rddreg [dreg:$0x0]  }
0x2: {  	s0 =	srdreg.scid;
	s6 =	rddreg [dreg:$0x1]  }
0x3: {  	s5 =	rddreg [dreg:$0x2];
	s3 =	sand.u32 $0x1, s0;
	s0 =	stileid.u32  }
0x4: {  	s2 =	simm.s32 $0x0;
	s12 =	simm.s32 $0x0;
	s8 =	smul.u32 $0x280, s0  }
0x5: {  	s1 =	sshll.u32 s3, $0x4;
	s9 =	ssub.s32 $0x2, s3;
	s3 =	smul.u32 $0x2800, s3  }
0x6: {  	[smem:$0x7FF] =	sst s2;
	s11 =	smul.u32 $0xA000, s0;
	s1 =	sor.u32 s0, s1  }
0x7: {  	s10 =	sshrl.u32 s9, $0x1;
	s7 =	smul.u32 $0x280, s1;
	s1 =	rddreg [dreg:$0x3]  }
0x8: {  	_ =	strace $0x80000047;
	s29 =	ssub.s32 s9, s10;
	s30 =	sadd.s32 s8, s3  }
0x9: {  	s31 =	sshrl.u32 s11, $0x2;
	s10 =	simm.s32 $0x3C00;
	s9 =	sshrl.u32 s30, $0x3  }
0xa: {  	s11 =	simm.s32 $0x3E80;
	s4 =	sadd.s32 s7, s4;
	s6 =	sadd.s32 s6, s9  }
0xb: {  	s7 =	smax.u32 s29, $0x1;
	s9 =	simm.s32 $0x1;
	s3 =	sadd.s32 $0x3400, s4  }
0xc: {  	v0 =	vimm.f32 $0.0e+00;
	v1 =	vimm.f32 $1.000000000e+00;
	s4 =	sadd.s32 s31, s5;
	s5 =	sadd.s32 s8, s5;
	s8 =	simm.s32 $0x2800  }
.LBB2_1:
0xd: {  	s13 =	simm.s32 $0x40;
	s14 =	simm.s32 $0x0  }
.LBB2_2:
0xe: {  	p0 =	sne.s32 s13, $0x9FC0;
	[tilespmem:s14+$0x0] =	vst v0;
	s14 =	smov.u32 s13;
	s13 =	sadd.s32 $0x40, s13  }
.Ltmp0:
0xf: {  	(pc) =	sbr.rel @p0 .LBB2_2-.Ltmp0, $2  }
0x10: {  	_ =	sdelay $0x2  }
0x11: {  	s14 =	sshra.s32 s14, $0x2  }
0x12: {  	[tilespmem:s14+$0x0] =	vst v0;
	s13 =	simm.s32 $0x0  }
0x13: {  	[tilespmem:s8], [sflag:$0x1] =	stream.linear.gather [hbm4b:s3+s13], $0x1400, $0x38;
	[tilespmem:$0x6900] =	vst v63  }
0x14: {  	_ =	swait.ge [sflag:s9], $0x1400  }
0x15: {  	[sflag:s9] =	ssyncset.done $0x0  }
0x16: {  	s14 =	simm.s32 $0x0;
	s13 =	simm.s32 $0x40;
	[sflag:s9] =	ssyncadd.s32 $0xFFFFEC00  }
.LBB2_4:
0x17: {  	p0 =	sne.s32 s13, $0x4FC0;
	v2 =	vld [tilespmem:s14+$0x2800];
	_ =	sdelay $0x3  }
.Ltmp1:
0x18: {  	(pc) =	sbr.rel @p0 .LBB2_4-.Ltmp1, $2  }
0x19: {  	_ =	sdelay $0x2  }
0x1a: {  	s14 =	sshra.s32 s13, $0x2;
	s13 =	sadd.s32 $0x40, s13;
	[tilespmem:v2+s2+$0x0] =	vst.idx.add.f32.msk $0xffff, v1  }
0x1b: {  	v2 =	vld [tilespmem:s14+$0x2800];
	_ =	sdelay $0x7  }
0x1c: {  	s13 =	simm.s32 $0x1;
	[tilespmem:v2+s2+$0x0] =	vst.idx.add.f32.msk $0xffff, v1  }
0x1d: {  	[spmem:s4] =	stream.linear.scatter [tilespmem:s2], [sflag:$0x1], $0x2800, $0x38;
	[tilespmem:$0x6900] =	vst v63  }
0x1e: {  	_ =	swait.ge [sflag:s13], $0x2800  }
0x1f: {  	[sflag:s13] =	ssyncset.done $0x0  }
0x20: {  	[sflag:s13] =	ssyncadd.s32 $0xFFFFD800  }
0x21: {  	[bflag:$0x0] =	sbarrier.arrive $0xFFFF  }
0x22: {  	[tilespmem:s10], [sflag:$0x1] =	stream.linear.gather [spmem:s5], $0x280, $0x38;
	[tilespmem:$0x6900] =	vst v63  }
0x23: {  	_ =	swait.ge [sflag:s13], $0x280  }
0x24: {  	[sflag:s13] =	ssyncset.done $0x0  }
0x25: {  	[sflag:s13] =	ssyncadd.s32 $0xFFFFFD80  }
.LBB2_6:
0x26: {  	s14 =	smul.u32 $0xA000, s13;
	_ =	sdelay $0x1  }
0x27: {  	s14 =	sshra.s32 s14, $0x2  }
0x28: {  	s14 =	sadd.s32 s14, s5  }
0x29: {  	[tilespmem:s11], [sflag:$0x1] =	stream.linear.gather [spmem:s14], $0x280, $0x38;
	[tilespmem:$0x6900] =	vst v63  }
0x2a: {  	_ =	swait.ge [sflag:s9], $0x280  }
0x2b: {  	[sflag:s9] =	ssyncset.done $0x0  }
0x2c: {  	s14 =	simm.s32 $0x0;
	[sflag:s9] =	ssyncadd.s32 $0xFFFFFD80  }
0x2d: {  	s15 =	simm.s32 $0x40;
	v2 =	vld [tilespmem:s14+$0x3E80]  }
.LBB2_7:
0x2e: {  	p0 =	sne.s32 s15, $0x9C0;
	v3 =	vld [tilespmem:s14+$0x3C00];
	_ =	sdelay $0x2  }
.Ltmp2:
0x2f: {  	(pc) =	sbr.rel @p0 .LBB2_7-.Ltmp2, $4  }
0x30: {  	_ = 	snop  }
0x31: {  	v3 =	vadd.f32 v2, v3  }
0x32: {  	s16 =	sshra.s32 s15, $0x2  }
0x33: {  	s15 =	sadd.s32 $0x40, s15;
	v2 =	vld [tilespmem:s16+$0x3E80];
	[tilespmem:s14+$0x3C00] =	vst v3;
	s14 =	smov.u32 s16  }
0x34: {  	v3 =	vld [tilespmem:s14+$0x3C00]  }
0x35: {  	s13 =	sadd.s32 $0x1, s13  }
0x36: {  	p0 =	sne.s32 s13, $0x10  }
.Ltmp3:
0x37: {  	_ = 	snop;
	(pc) =	sbr.rel @p0 .LBB2_6-.Ltmp3, $3  }
0x38: {  	_ = 	snop  }
0x39: {  	v2 =	vadd.f32 v2, v3;
	_ =	sdelay $0x1  }
0x3a: {  	[tilespmem:s14+$0x3C00] =	vst v2  }
0x3b: {  	s12 =	sadd.s32 $0x1, s12  }
0x3c: {  	p0 =	sne.s32 s12, s7  }
.Ltmp4:
0x3d: {  	_ = 	snop;
	(pc) =	sbr.rel @p0 .LBB2_1-.Ltmp4, $4  }
0x3e: {  	[hbm4b:s6+s2] =	stream.linear.scatter [tilespmem:s10], [sflag:$0x1], $0x280, $0x38;
	[tilespmem:$0x6900] =	vst v63  }
0x3f: {  	_ =	swait.ge [sflag:s9], $0x280  }
0x40: {  	[sflag:s9] =	ssyncset.done $0x0  }
0x41: {  	[sflag:s9] =	ssyncadd.s32 $0xFFFFFD80  }
0x42: {  	_ =	sfence.sel $0x180000  }
0x43: {  	[bflag:$0x0] =	sbarrier.arrive $0xFFFF  }
0x44: {  	p0 =	sne.s32 s0, $0x0;
	_ =	strace $0x90000047  }
0x45: {  	s0 =	sadd.s32 @!p0 $0x100000, s1;
	[bflag:$0x2] =	sbarrier.arrive $0xFFFF  }
0x46: {  	[sflag:s0] =	ssyncadd.tile.s32 @!p0 $0x1;
	_ =	shalt  }
.Lfunc_end2:
_tile_overlayer_lowered:
.L_overlay_start_2:
0x47: {  	(tag) =	ssettag $0x2  }
0x48: {  	s0 =	rddreg [dreg:$0x0];
	s2 =	stileid.u32  }
0x49: {  	s1 =	rddreg [dreg:$0x1];
	p0 =	sne.s32 s2, $0x0  }
0x4a: {  	s3 =	rddreg [dreg:$0x2];
	[bflag:$0x3] =	sbarrier.arrive $0xFFFF;
	s2 =	simm.s32 @!p0 $0x1C01  }
0x4b: {  	[timem:s3], [sflag:s2] =	dma.local @!p0 [hbm:s0], s1  }
0x4c: {  	s0 =	simm.s32 @!p0 $0x1  }
0x4d: {  	_ =	swait.ge @!p0 [sflag:s0], s1  }
0x4e: {  	s1 =	ssub.s32 @!p0 $0x0, s1;
	[sflag:s0] =	ssyncset.done @!p0 $0x0  }
0x4f: {  	[sflag:s0] =	ssyncadd.s32 @!p0 s1  }
0x50: {  	[bflag:$0x3] =	sbarrier.arrive $0xFFFF  }
0x51: {  	_ =	shalt  }

// kernel: kernel.13.cloned.1.call-start
scs
__scs_entry_jumppad:
0x0: {  	(pc) =	sbr.rel $0x88, $3  }
0x1: {  	(tag) =	ssettag $0x0;
	lr =	simm.s32 $0x1  }
0x2: {  	[smem:$0x3F93] =	sst lr;
	_ =	strace $0xD0000000  }
0x3: {  	_ = 	snop  }
0x4: {  	_ = 	snop  }
0x5: {  	_ = 	snop  }
0x6: {  	_ = 	snop  }
0x7: {  	_ = 	snop  }
__scs_overlays_trampoline_lowered:
0x8: {  	[smem:$0x3FA2] =	sst s0  }
0x9: {  	[smem:$0x3FA3] =	sst s1  }
0xa: {  	[smem:$0x3FA4] =	sst s2  }
0xb: {  	[smem:$0x3FA5] =	sst s3  }
0xc: {  	[smem:$0x3FA6] =	sst s4  }
0xd: {  	[smem:$0x3FA7] =	sst s5  }
0xe: {  	[smem:$0x3FA8] =	sst s6  }
0xf: {  	[smem:$0x3FA9] =	sst s7  }
0x10: {  	[smem:$0x3FAA] =	sst s8  }
0x11: {  	[smem:$0x3FAB] =	sst s9;
	s0 =	simm.s32 @!p0 $0x0  }
0x12: {  	s1 =	sld [smem:$0x3F91];
	s0 =	simm.s32 @p0 $0x1  }
0x13: {  	[smem:$0x3FAC] =	sst s0;
	s0 =	simm.s32 @!p1 $0x0  }
0x14: {  	s2 =	sld [smem:$0x3F90];
	s0 =	simm.s32 @p1 $0x1  }
0x15: {  	[smem:$0x3FAD] =	sst s0;
	s0 =	simm.s32 @!p2 $0x0  }
0x16: {  	s3 =	sld [smem:$0x3FDB];
	s0 =	simm.s32 @p2 $0x1  }
0x17: {  	s4 =	simm.s32 $0x1BF5;
	[smem:$0x3FAF] =	sst s0  }
0x18: {  	s0 =	sld [smem:$0x3F92];
	_ =	swait.ge [sflag:s4], $0x0  }
0x19: {  	s7 =	sld [smem:$0x3F93]  }
0x1a: {  	s8 =	sadd.s32 $0xFFFFE003, lr  }
0x1b: {  	s9 =	sadd.s32 $0xFFFFFEF7, lr;
	s5 =	simm.s32 $0xFFFFFFFF;
	p2 =	slt.u32 s8, $0xFFFFF086  }
0x1c: {  	p1 =	slt.u32 s9, $0xF7A;
	s5 =	simm.s32 @!p2 $0x0  }
0x1d: {  	s5 =	simm.s32 @p1 $0x1;
	p0 =	seq.s32 s7, s2  }
0x1e: {  	s7 =	smul.u32 @!p0 $0xF7A, s2;
	p2 =	seq.s32 @!p0 s5, $0x0  }
0x1f: {  	s9 =	smul.u32 $0xF7A, s1;
	s8 =	simm.s32 @!p0 $0x1BF5;
	p2 =	por !p2, p0  }
0x20: {  	[sflag:s8] =	ssyncset.s32 @!p0 $0xFFFFF086;
	s6 =	sadd.s32 @!p0 s3, s7;
	s7 =	simm.s32 @!p0 $0x108  }
0x21: {  	s3 =	sadd.s32 s3, s9;
	s6 =	sadd.s32 @!p0 $0x88, s6;
	s7 =	simm.s32 @p2 $0x1082  }
0x22: {  	[simem:s7], [sflag:s8] =	dma.local @!p0 [hbm:s6], $0xF7A  }
0x23: {  	s9 =	sor.u32 $0xD0000000, s2;
	s6 =	simm.s32 $0x108;
	_ =	swait.ge @!p0 [sflag:s8], $0x0  }
0x24: {  	s3 =	sadd.s32 $0x88, s3;
	s6 =	simm.s32 @!p1 $0x1082;
	[sflag:s4] =	ssyncset.s32 $0xFFFFF086  }
0x25: {  	[simem:s6], [sflag:s4] =	dma.local [hbm:s3], $0xF7A  }
0x26: {  	[smem:$0x3F93] =	sst s1;
	(tag) =	ssettag s2;
	_ =	strace s9  }
0x27: {  	s1 =	sld [smem:$0x3FA3]  }
0x28: {  	s2 =	sld [smem:$0x3FA4]  }
0x29: {  	s4 =	sld [smem:$0x3FA6]  }
0x2a: {  	p0 =	seq.s32 s5, $0x0;
	s5 =	sld [smem:$0x3FA7]  }
0x2b: {  	s6 =	sld [smem:$0x3FA8]  }
0x2c: {  	s7 =	sld [smem:$0x3FA9]  }
0x2d: {  	s3 =	simm.s32 $0x108;
	s8 =	sld [smem:$0x3FAA]  }
0x2e: {  	s3 =	simm.s32 @!p0 $0x1082;
	s9 =	sld [smem:$0x3FAB]  }
0x2f: {  	lr =	sadd.s32 s0, s3;
	s0 =	sld [smem:$0x3FA2]  }
0x30: {  	s3 =	sld [smem:$0x3FA5]  }
0x31: {  	[smem:$0x3FAE] =	sst s10  }
0x32: {  	s10 =	sld [smem:$0x3FAC];
	_ =	sdelay $0x3  }
0x33: {  	p0 =	seq.s32 s10, $0x1;
	s10 =	sld [smem:$0x3FAE];
	_ =	sdelay $0x3  }
0x34: {  	[smem:$0x3FAE] =	sst s10  }
0x35: {  	s10 =	sld [smem:$0x3FAD];
	_ =	sdelay $0x3  }
0x36: {  	p1 =	seq.s32 s10, $0x1;
	s10 =	sld [smem:$0x3FAE];
	_ =	sdelay $0x3  }
0x37: {  	[smem:$0x3FAE] =	sst s10  }
0x38: {  	s10 =	sld [smem:$0x3FAF]  }
0x39: {  	_ = 	snop;
	(pc) =	sbr.ind lr, $3  }
0x3a: {  	_ = 	snop  }
0x3b: {  	_ = 	snop  }
0x3c: {  	p2 =	seq.s32 s10, $0x1;
	s10 =	sld [smem:$0x3FAE]  }
0x3d: {  	_ =	shalt  }
0x3e: {  	_ =	shalt  }
0x3f: {  	_ =	shalt  }
0x40: {  	_ =	shalt  }
0x41: {  	_ =	shalt  }
0x42: {  	_ =	shalt  }
0x43: {  	_ =	shalt  }
0x44: {  	_ =	shalt  }
0x45: {  	_ =	shalt  }
0x46: {  	_ =	shalt  }
0x47: {  	_ =	shalt  }
0x48: {  	_ =	shalt  }
0x49: {  	_ =	shalt  }
0x4a: {  	_ =	shalt  }
0x4b: {  	_ =	shalt  }
0x4c: {  	_ =	shalt  }
0x4d: {  	_ =	shalt  }
0x4e: {  	_ =	shalt  }
0x4f: {  	_ =	shalt  }
0x50: {  	_ =	shalt  }
0x51: {  	_ =	shalt  }
0x52: {  	_ =	shalt  }
0x53: {  	_ =	shalt  }
0x54: {  	_ =	shalt  }
0x55: {  	_ =	shalt  }
0x56: {  	_ =	shalt  }
0x57: {  	_ =	shalt  }
0x58: {  	_ =	shalt  }
0x59: {  	_ =	shalt  }
0x5a: {  	_ =	shalt  }
0x5b: {  	_ =	shalt  }
0x5c: {  	_ =	shalt  }
0x5d: {  	_ =	shalt  }
0x5e: {  	_ =	shalt  }
0x5f: {  	_ =	shalt  }
0x60: {  	_ =	shalt  }
0x61: {  	_ =	shalt  }
0x62: {  	_ =	shalt  }
0x63: {  	_ =	shalt  }
0x64: {  	_ =	shalt  }
0x65: {  	_ =	shalt  }
0x66: {  	_ =	shalt  }
0x67: {  	_ =	shalt  }
0x68: {  	_ =	shalt  }
0x69: {  	_ =	shalt  }
0x6a: {  	_ =	shalt  }
0x6b: {  	_ =	shalt  }
0x6c: {  	_ =	shalt  }
0x6d: {  	_ =	shalt  }
0x6e: {  	_ =	shalt  }
0x6f: {  	_ =	shalt  }
0x70: {  	_ =	shalt  }
0x71: {  	_ =	shalt  }
0x72: {  	_ =	shalt  }
0x73: {  	_ =	shalt  }
0x74: {  	_ =	shalt  }
0x75: {  	_ =	shalt  }
0x76: {  	_ =	shalt  }
0x77: {  	_ =	shalt  }
0x78: {  	_ =	shalt  }
0x79: {  	_ =	shalt  }
0x7a: {  	_ =	shalt  }
0x7b: {  	_ =	shalt  }
0x7c: {  	_ =	shalt  }
0x7d: {  	_ =	shalt  }
0x7e: {  	_ =	shalt  }
0x7f: {  	_ =	shalt  }
0x80: {  	_ =	shalt  }
0x81: {  	_ =	shalt  }
0x82: {  	_ =	shalt  }
0x83: {  	_ =	shalt  }
0x84: {  	_ =	shalt  }
0x85: {  	_ =	shalt  }
0x86: {  	_ =	shalt  }
0x87: {  	_ =	shalt  }
.Lfunc_end0:
.L_simem_size_0:
called_computation.1_lowered:
.L_overlay_start_0:
0x88: {  	s2 =	sld [smem:$0x3FD9]  }
0x89: {  	s3 =	sld [smem:$0x3FFE];
	_ =	sdelay $0x1  }
0x8a: {  	s1 =	srdreg.scid  }
0x8b: {  	s0 =	sand.u32 $0x1, s1  }
0x8c: {  	s16 =	sshll.u32 s0, $0xA;
	s2 =	sadd.s32 s3, s2  }
0x8d: {  	s2 =	sadd.s32 s2, s16  }
0x8e: {  	[smem:$0x3FBA] =	sst s2  }
0x8f: {  	_ = 	snop  }
0x90: {  	(tm) =	ssettm $0x1  }
0x91: {  	s17 =	sld [smem:$0x3FFB];
	_ =	sdelay $0x3  }
0x92: {  	_ =	strace s17  }
0x93: {  	s2 =	sld [smem:$0x3FFC];
	_ =	sdelay $0x3  }
0x94: {  	_ =	strace s2  }
0x95: {  	s2 =	sld [smem:$0x3FFD];
	_ =	sdelay $0x3  }
0x96: {  	_ =	strace s2  }
0x97: {  	_ =	strace $0x8FFFFFFF  }
0x98: {  	s18 =	sld [smem:$0x3FDB];
	_ =	sdelay $0x1  }
0x99: {  	s19 =	simm.s32 $_scs_section_size  }
0x9a: {  	s4 =	simm.s32 $_size__tile_overlayer_lowered;
	s5 =	simm.s32 $_tile_overlayer_lowered  }
0x9b: {  	s22 =	simm.s32 $0x1BFF;
	s21 =	sshll.u32 s5, $0x1;
	s2 =	sadd.s32 s19, s18  }
0x9c: {  	s6 =	simm.s32 $0x0;
	s20 =	sshll.u32 s4, $0x1;
	s4 =	sadd.s32 s21, s2  }
0x9d: {  	[timem:s6], [sflag:s22] =	dma.local [hbm:s4], s20  }
0x9e: {  	_ =	swait.ge [sflag:s22], s20  }
0x9f: {  	s3 =	ssub.s32 $0x0, s20;
	[sflag:s22] =	ssyncset.done $0x0  }
0xa0: {  	[sflag:s22] =	ssyncadd.s32 s3;
	_ =	sdelay $0x1  }
0xa1: {  	s23 =	simm.s32 $0x1B8B  }
0xa2: {  	_ =	swait.ge [sflag:s23], $0x1  }
0xa3: {  	[sflag:s23] =	ssyncset.done $0x0  }
0xa4: {  	s25 =	simm.s32 $0x1B8E;
	s24 =	sld [smem:$0x3FFE];
	[sflag:s23] =	ssyncadd.s32 $0xFFFFFFFF  }
0xa5: {  	s26 =	simm.s32 $execute0_lowered;
	[smem:$0x3FD2] =	sst s25  }
0xa6: {  	s4 =	sshll.u32 s26, $0x1;
	_ =	strace $0x80000049;
	[dreg:$0x1] =	wrdreg $0xFFFFFFFF  }
0xa7: {  	s28 =	simm.s32 $_size_execute0_lowered;
	s2 =	sadd.s32 s2, s4;
	[dreg:$0x0] =	wrdreg $0x0  }
0xa8: {  	s4 =	sshll.u32 s28, $0x1;
	[dreg:$0x2] =	wrdreg s2  }
0xa9: {  	[dreg:$0x3] =	wrdreg s4  }
0xaa: {  	[dreg:$0x4] =	wrdreg $0xC0  }
0xab: {  	_ =	task [dreg:s6], $0x5FFFF  }
0xac: {  	[dreg:$0x1] =	wrdreg $0xFFFFFFFF  }
0xad: {  	[dreg:$0x0] =	wrdreg $0x60  }
0xae: {  	[dreg:$0x2] =	wrdreg s24  }
0xaf: {  	[dreg:$0x3] =	wrdreg $0xA8000  }
0xb0: {  	[dreg:$0x4] =	wrdreg $0x9  }
0xb1: {  	_ =	task.clear_ibuf [dreg:s6], $0x5FFFF;
	_ =	strace $0x90000049  }
0xb2: {  	s29 =	simm.s32 $0x9;
	_ =	strace $0x8000004B  }
0xb3: {  	_ =	swait.ge [sflag:s29], $0x1  }
0xb4: {  	[sflag:s29] =	ssyncadd.s32 $0xFFFFFFFF  }
0xb5: {  	_ =	strace $0x9000004B  }
0xb6: {  	_ =	sfence  }
0xb7: {  	s30 =	sld [smem:$0x0];
	_ =	sdelay $0x2  }
0xb8: {  	s31 =	sshll.u32 s1, $0xD;
	s1 =	sshrl.u32 s1, $0x2  }
0xb9: {  	s3 =	sand.u32 $0x4000, s31;
	s1 =	sadd.s32 s1, s30  }
0xba: {  	s0 =	sor.u32 s3, s0;
	s1 =	sshll.u32 s1, $0x11  }
0xbb: {  	s0 =	sor.u32 s1, s0  }
0xbc: {  	s0 =	sadd.s32 $0x8F2B, s0  }
0xbd: {  	[sflag:s0] =	ssyncadd.remote.s32 $0x1  }
0xbe: {  	_ =	sfence.sel $0xFFFF  }
0xbf: {  	[dreg:$0x0] =	wrdreg $0xFFFFFFFF;
	(pc) =	sbr.abs _section_cstart, $3  }
0xc0: {  	[dreg:$0x1] =	wrdreg $0xFFFFFFFF  }
0xc1: {  	_ =	task.clear_ibuf [dreg:s6], $0x2FFFF;
	_ =	strace $0x9FFFFFFF  }
0xc2: {  	(tm) =	ssettm $0x7FFFFFFF  }
0xc3: {  	_ =	shalt  }
tec
execute0_lowered:
.L_overlay_start_1:
0x0: {  	(tag) =	ssettag $0x1  }
0x1: {  	s0 =	rddreg [dreg:$0x0]  }
0x2: {  	s1 =	rddreg [dreg:$0x1];
	s2 =	srdreg.scid  }
0x3: {  	s3 =	simm.s32 $0x0;
	s16 =	simm.s32 $0x2800;
	s17 =	simm.s32 $0x5  }
0x4: {  	s18 =	simm.s32 $0x1400;
	s19 =	simm.s32 $0x80;
	s20 =	simm.s32 $0x6800  }
0x5: {  	s28 =	simm.s32 $0x4;
	s29 =	simm.s32 $0x1380;
	s6 =	sand.u32 $0x1, s2  }
0x6: {  	s30 =	simm.s32 $0x2700;
	s2 =	stileid.u32;
	s5 =	smul.u32 $0x280000, s6  }
0x7: {  	s31 =	simm.s32 $0x2780;
	[smem:$0x7FF] =	sst s3;
	s7 =	smul.u32 $0x28000, s2  }
0x8: {  	s4 =	sadd.s32 $0x5B600, s0;
	s8 =	sadd.s32 $0x8400, s0;
	s10 =	smul.u32 $0x50000, s2  }
0x9: {  	s9 =	sadd.s32 $0x3400, s0;
	_ =	strace $0x8000004A;
	s11 =	smul.u32 $0x1400, s2  }
0xa: {  	s21 =	ssub.s32 $0x2, s6;
	s13 =	smul.u32 $0x280, s2;
	p0 =	seq.s32 s6, $0x1  }
0xb: {  	s12 =	sshrl.u32 s21, $0x1;
	s5 =	sadd.s32 s7, s5;
	s10 =	sshrl.u32 s10, $0x2  }
0xc: {  	s12 =	ssub.s32 s21, s12;
	s22 =	sshrl.u32 s11, $0x3;
	s23 =	sadd.s32 s8, s13  }
0xd: {  	s25 =	sadd.s32 s9, s13;
	s7 =	sshrl.u32 s7, $0x1;
	s21 =	simm.s32 $0x1  }
0xe: {  	s5 =	sshrl.u32 s5, $0x4;
	[dreg:$0x3] =	wrdreg s23;
	s24 =	sadd.s32 $0x2800, s22  }
0xf: {  	[dreg:$0x4] =	wrdreg s25;
	s26 =	sadd.s32 s7, s1;
	s11 =	smax.u32 s12, $0x1  }
0x10: {  	s22 =	simm.s32 $0x3;
	s23 =	simm.s32 $0x100;
	s0 =	sadd.s32 s5, s0  }
.Ltmp0:
0x11: {  	s5 =	sadd.s32 s10, s1;
	s8 =	sadd.s32 s8, s24;
	(pc) =	sbr.rel .LBB2_1-.Ltmp0, $4  }
0x12: {  	s6 =	sadd.s32 s9, s24;
	s24 =	simm.s32 $0x2;
	[dreg:$0x5] =	wrdreg s8  }
0x13: {  	s25 =	sshrl.u32 s26, $0x3;
	s26 =	simm.s32 $0x1480;
	[dreg:$0x6] =	wrdreg s6  }
0x14: {  	s10 =	sadd.s32 $0x82800, s0;
	s12 =	sadd.s32 $0x4000, s5;
	s13 =	sadd.s32 $0x8000, s5  }
0x15: {  	v0 =	vimm.bf16 $0.0e+00;
	s14 =	sadd.s32 $0xC000, s5;
	s15 =	sadd.s32 $0x10000, s5;
	s0 =	simm.s32 $0x0  }
.LBB2_6:
0x16: {  	[spmem:s1] =	stream.indirect.scatter.add.bf16 [tilespmem:s20], [sflag:$0x4], $0x80, s7, s19, $0xb8;
	[tilespmem:$0x1E800] =	vst v63  }
0x17: {  	_ =	swait.ge [sflag:s28], $0x4000  }
0x18: {  	[sflag:s28] =	ssyncset.done $0x0  }
0x19: {  	[sflag:s28] =	ssyncadd.s32 $0xFFFFC000  }
0x1a: {  	[tilespmem:s20], [sflag:$0x2] =	stream.indirect.gather [hbm4b:s4+s19], $0x80, s29, s19, $0xb8;
	[tilespmem:$0x1E800] =	vst v63  }
0x1b: {  	_ =	swait.ge [sflag:s21], $0x4000  }
0x1c: {  	[sflag:s21] =	ssyncset.done $0x0  }
0x1d: {  	[sflag:s21] =	ssyncadd.s32 $0xFFFFC000  }
0x1e: {  	[spmem:s1] =	stream.indirect.scatter.add.bf16 [tilespmem:s16], [sflag:$0x3], $0x80, s30, s19, $0xb8;
	[tilespmem:$0x1E800] =	vst v63  }
0x1f: {  	_ =	swait.ge [sflag:s22], $0x4000  }
0x20: {  	[sflag:s22] =	ssyncset.done $0x0  }
0x21: {  	[sflag:s22] =	ssyncadd.s32 $0xFFFFC000  }
0x22: {  	_ =	swait.ge [sflag:s24], $0x4000  }
0x23: {  	[sflag:s24] =	ssyncset.done $0x0  }
0x24: {  	[sflag:s24] =	ssyncadd.s32 $0xFFFFC000  }
0x25: {  	[spmem:s1] =	stream.indirect.scatter.add.bf16 [tilespmem:s20], [sflag:$0x4], $0x80, s31, s19, $0xb8;
	[tilespmem:$0x1E800] =	vst v63  }
.LBB2_10:
0x26: {  	_ =	swait.ge [sflag:s28], $0x4000  }
0x27: {  	s0 =	sadd.s32 $0x1, s0;
	[sflag:s28] =	ssyncset.done $0x0  }
0x28: {  	s6 =	sshll.u32 s2, $0x6;
	p1 =	sne.s32 s0, s11;
	[sflag:s28] =	ssyncadd.s32 $0xFFFFC000  }
.Ltmp1:
0x29: {  	s6 =	sor.u32 $0x1C05, s6;
	[bflag:$0x0] =	sbarrier.arrive $0xFFFF;
	(pc) =	sbr.rel @!p1 .LBB2_11-.Ltmp1, $4  }
0x2a: {  	[hbm:s10], [sflag:s6] =	dma.local [spmem:s25], $0x2800  }
0x2b: {  	_ =	swait.ge [sflag:s17], $0x2800  }
0x2c: {  	[sflag:s17] =	ssyncset.done $0x0  }
0x2d: {  	[sflag:s17] =	ssyncadd.s32 $0xFFFFD800  }
.LBB2_1:
0x2e: {  	s6 =	sand.u32 $0xFE00, s3;
	s7 =	sand.u32 $0xE0, s3  }
0x2f: {  	s6 =	sshrl.u32 s6, $0x2;
	s7 =	sshrl.u32 s7, $0x1  }
0x30: {  	s7 =	sor.u32 s6, s7  }
0x31: {  	s6 =	simm.s32 $0x40;
	[tilespmem:s7+$0x2800] =	vst v0;
	s7 =	simm.s32 $0x0  }
.LBB2_2:
0x32: {  	p1 =	sne.s32 s6, $0xFFC0  }
.Ltmp2:
0x33: {  	s8 =	sand.u32 $0xFE00, s6;
	s7 =	sadd.s32 $0x20, s7;
	(pc) =	sbr.rel @p1 .LBB2_2-.Ltmp2, $4  }
0x34: {  	s6 =	sadd.s32 $0x40, s6;
	s9 =	sand.u32 $0xE0, s7  }
0x35: {  	s8 =	sshrl.u32 s8, $0x2;
	s9 =	sshrl.u32 s9, $0x1  }
0x36: {  	s8 =	sor.u32 s8, s9  }
0x37: {  	[tilespmem:s8+$0x2800] =	vst v0  }
0x38: {  	[spmem:s5] =	stream.linear.scatter [tilespmem:s16], [sflag:$0x5], $0x4000, $0x38;
	[tilespmem:$0x1E800] =	vst v63  }
0x39: {  	_ =	swait.ge [sflag:s17], $0x4000  }
0x3a: {  	[sflag:s17] =	ssyncset.done $0x0  }
0x3b: {  	[sflag:s17] =	ssyncadd.s32 $0xFFFFC000  }
0x3c: {  	[spmem:s12] =	stream.linear.scatter [tilespmem:s16], [sflag:$0x5], $0x4000, $0x38;
	[tilespmem:$0x1E800] =	vst v63  }
0x3d: {  	_ =	swait.ge [sflag:s17], $0x4000  }
0x3e: {  	[sflag:s17] =	ssyncset.done $0x0  }
0x3f: {  	[sflag:s17] =	ssyncadd.s32 $0xFFFFC000  }
0x40: {  	[spmem:s13] =	stream.linear.scatter [tilespmem:s16], [sflag:$0x5], $0x4000, $0x38;
	[tilespmem:$0x1E800] =	vst v63  }
0x41: {  	_ =	swait.ge [sflag:s17], $0x4000  }
0x42: {  	[sflag:s17] =	ssyncset.done $0x0  }
0x43: {  	[sflag:s17] =	ssyncadd.s32 $0xFFFFC000  }
0x44: {  	[spmem:s14] =	stream.linear.scatter [tilespmem:s16], [sflag:$0x5], $0x4000, $0x38;
	[tilespmem:$0x1E800] =	vst v63  }
0x45: {  	_ =	swait.ge [sflag:s17], $0x4000  }
0x46: {  	[sflag:s17] =	ssyncset.done $0x0  }
0x47: {  	[sflag:s17] =	ssyncadd.s32 $0xFFFFC000  }
0x48: {  	[spmem:s15] =	stream.linear.scatter [tilespmem:s16], [sflag:$0x5], $0x4000, $0x38;
	[tilespmem:$0x1E800] =	vst v63  }
.Ltmp3:
0x49: {  	_ =	swait.ge [sflag:s17], $0x4000;
	(pc) =	sbr.rel @!p0 .LBB2_4-.Ltmp3, $3  }
0x4a: {  	[sflag:s17] =	ssyncset.done $0x0  }
0x4b: {  	[sflag:s17] =	ssyncadd.s32 $0xFFFFC000  }
0x4c: {  	[bflag:$0x0] =	sbarrier.arrive $0xFFFF;
	_ =	sdelay $0x1  }
0x4d: {  	s6 =	rddreg [dreg:$0x5]  }
0x4e: {  	[tilespmem:s3], [sflag:$0x5] =	stream.linear.gather [hbm4b:s6+s3], $0x1400, $0x38;
	[tilespmem:$0x1E800] =	vst v63  }
0x4f: {  	_ =	swait.ge [sflag:s17], $0x1400  }
0x50: {  	[sflag:s17] =	ssyncset.done $0x0  }
0x51: {  	s9 =	rddreg [dreg:$0x6];
	[sflag:s17] =	ssyncadd.s32 $0xFFFFEC00  }
0x52: {  	[tilespmem:s18], [sflag:$0x5] =	stream.linear.gather [hbm4b:s9+s3], $0x1400, $0x38;
	[tilespmem:$0x1E800] =	vst v63  }
0x53: {  	_ =	swait.ge [sflag:s17], $0x1400  }
0x54: {  	[sflag:s17] =	ssyncset.done $0x0  }
0x55: {  	[sflag:s17] =	ssyncadd.s32 $0xFFFFEC00  }
0x56: {  	[tilespmem:s16], [sflag:$0x1] =	stream.indirect.gather [hbm4b:s4+s19], $0x80, s3, s19, $0xb8;
	[tilespmem:$0x1E800] =	vst v63  }
0x57: {  	_ = 	snop  }
0x58: {  	[tilespmem:s20], [sflag:$0x2] =	stream.indirect.gather [hbm4b:s4+s19], $0x80, s19, s19, $0xb8;
	[tilespmem:$0x1E800] =	vst v63  }
0x59: {  	_ =	swait.ge [sflag:s21], $0x4000  }
0x5a: {  	[sflag:s21] =	ssyncset.done $0x0  }
0x5b: {  	[sflag:s21] =	ssyncadd.s32 $0xFFFFC000  }
0x5c: {  	[spmem:s1] =	stream.indirect.scatter.add.bf16 [tilespmem:s16], [sflag:$0x3], $0x80, s18, s19, $0xb8;
	[tilespmem:$0x1E800] =	vst v63  }
0x5d: {  	_ =	swait.ge [sflag:s22], $0x4000  }
0x5e: {  	[sflag:s22] =	ssyncset.done $0x0  }
0x5f: {  	[sflag:s22] =	ssyncadd.s32 $0xFFFFC000  }
0x60: {  	[tilespmem:s16], [sflag:$0x1] =	stream.indirect.gather [hbm4b:s4+s19], $0x80, s23, s19, $0xb8;
	[tilespmem:$0x1E800] =	vst v63  }
0x61: {  	_ =	swait.ge [sflag:s24], $0x4000  }
0x62: {  	[sflag:s24] =	ssyncset.done $0x0  }
0x63: {  	[sflag:s24] =	ssyncadd.s32 $0xFFFFC000  }
0x64: {  	[spmem:s1] =	stream.indirect.scatter.add.bf16 [tilespmem:s20], [sflag:$0x4], $0x80, s26, s19, $0xb8;
	[tilespmem:$0x1E800] =	vst v63  }
0x65: {  	_ =	swait.ge [sflag:s28], $0x4000  }
0x66: {  	[sflag:s28] =	ssyncset.done $0x0  }
0x67: {  	s7 =	simm.s32 $0x180;
	[sflag:s28] =	ssyncadd.s32 $0xFFFFC000  }
0x68: {  	[tilespmem:s20], [sflag:$0x2] =	stream.indirect.gather [hbm4b:s4+s19], $0x80, s7, s19, $0xb8;
	[tilespmem:$0x1E800] =	vst v63  }
0x69: {  	_ =	swait.ge [sflag:s21], $0x4000  }
0x6a: {  	[sflag:s21] =	ssyncset.done $0x0  }
0x6b: {  	s8 =	simm.s32 $0x1500;
	[sflag:s21] =	ssyncadd.s32 $0xFFFFC000  }
0x6c: {  	[spmem:s1] =	stream.indirect.scatter.add.bf16 [tilespmem:s16], [sflag:$0x3], $0x80, s8, s19, $0xb8;
	[tilespmem:$0x1E800] =	vst v63  }
0x6d: {  	_ =	swait.ge [sflag:s22], $0x4000  }
0x6e: {  	[sflag:s22] =	ssyncset.done $0x0  }
0x6f: {  	s9 =	simm.s32 $0x200;
	[sflag:s22] =	ssyncadd.s32 $0xFFFFC000  }
0x70: {  	[tilespmem:s16], [sflag:$0x1] =	stream.indirect.gather [hbm4b:s4+s19], $0x80, s9, s19, $0xb8;
	[tilespmem:$0x1E800] =	vst v63  }
0x71: {  	_ =	swait.ge [sflag:s24], $0x4000  }
0x72: {  	[sflag:s24] =	ssyncset.done $0x0  }
0x73: {  	s6 =	simm.s32 $0xFFFFBC00;
	s7 =	simm.s32 $0x1580;
	[sflag:s24] =	ssyncadd.s32 $0xFFFFC000  }
.LBB2_8:
0x74: {  	[spmem:s1] =	stream.indirect.scatter.add.bf16 [tilespmem:s20], [sflag:$0x4], $0x80, s7, s19, $0xb8;
	[tilespmem:$0x1E800] =	vst v63  }
0x75: {  	s7 =	smov.u32 s6  }
0x76: {  	p1 =	sne.s32 s6, $0xFFFFFC00;
	s6 =	sadd.s32 $0x400, s6;
	_ =	swait.ge [sflag:s28], $0x4000  }
0x77: {  	s7 =	sshra.s32 s7, $0x2;
	[sflag:s28] =	ssyncset.done $0x0  }
0x78: {  	s8 =	sadd.s32 $0x1380, s7;
	[sflag:s28] =	ssyncadd.s32 $0xFFFFC000  }
0x79: {  	[tilespmem:s20], [sflag:$0x2] =	stream.indirect.gather [hbm4b:s4+s19], $0x80, s8, s19, $0xb8;
	[tilespmem:$0x1E800] =	vst v63  }
0x7a: {  	_ =	swait.ge [sflag:s21], $0x4000  }
0x7b: {  	[sflag:s21] =	ssyncset.done $0x0  }
0x7c: {  	s8 =	sadd.s32 $0x2700, s7;
	[sflag:s21] =	ssyncadd.s32 $0xFFFFC000  }
0x7d: {  	[spmem:s1] =	stream.indirect.scatter.add.bf16 [tilespmem:s16], [sflag:$0x3], $0x80, s8, s19, $0xb8;
	[tilespmem:$0x1E800] =	vst v63  }
0x7e: {  	_ =	swait.ge [sflag:s22], $0x4000  }
0x7f: {  	[sflag:s22] =	ssyncset.done $0x0  }
.Ltmp4:
0x80: {  	s8 =	sadd.s32 $0x1400, s7;
	[sflag:s22] =	ssyncadd.s32 $0xFFFFC000;
	(pc) =	sbr.rel @p1 .LBB2_8-.Ltmp4, $4  }
0x81: {  	[tilespmem:s16], [sflag:$0x1] =	stream.indirect.gather [hbm4b:s4+s19], $0x80, s8, s19, $0xb8;
	[tilespmem:$0x1E800] =	vst v63  }
0x82: {  	_ =	swait.ge [sflag:s24], $0x4000  }
0x83: {  	[sflag:s24] =	ssyncset.done $0x0  }
0x84: {  	s7 =	sadd.s32 $0x2780, s7;
	[sflag:s24] =	ssyncadd.s32 $0xFFFFC000  }
0x85: {  	[spmem:s1] =	stream.indirect.scatter.add.bf16 [tilespmem:s20], [sflag:$0x4], $0x80, s7, s19, $0xb8;
	[tilespmem:$0x1E800] =	vst v63  }
0x86: {  	_ =	swait.ge [sflag:s28], $0x4000  }
0x87: {  	[sflag:s28] =	ssyncset.done $0x0  }
0x88: {  	[sflag:s28] =	ssyncadd.s32 $0xFFFFC000  }
0x89: {  	[tilespmem:s20], [sflag:$0x2] =	stream.indirect.gather [hbm4b:s4+s19], $0x80, s29, s19, $0xb8;
	[tilespmem:$0x1E800] =	vst v63  }
0x8a: {  	_ =	swait.ge [sflag:s21], $0x4000  }
0x8b: {  	[sflag:s21] =	ssyncset.done $0x0  }
0x8c: {  	[sflag:s21] =	ssyncadd.s32 $0xFFFFC000  }
0x8d: {  	[spmem:s1] =	stream.indirect.scatter.add.bf16 [tilespmem:s16], [sflag:$0x3], $0x80, s30, s19, $0xb8;
	[tilespmem:$0x1E800] =	vst v63  }
0x8e: {  	_ =	swait.ge [sflag:s22], $0x4000  }
0x8f: {  	[sflag:s22] =	ssyncset.done $0x0  }
.Ltmp5:
0x90: {  	[sflag:s22] =	ssyncadd.s32 $0xFFFFC000;
	(pc) =	sbr.rel .LBB2_10-.Ltmp5, $4  }
0x91: {  	_ =	swait.ge [sflag:s24], $0x4000  }
0x92: {  	[sflag:s24] =	ssyncset.done $0x0  }
0x93: {  	[sflag:s24] =	ssyncadd.s32 $0xFFFFC000  }
0x94: {  	[spmem:s1] =	stream.indirect.scatter.add.bf16 [tilespmem:s20], [sflag:$0x4], $0x80, s31, s19, $0xb8;
	[tilespmem:$0x1E800] =	vst v63  }
.LBB2_4:
0x95: {  	s6 =	rddreg [dreg:$0x3]  }
0x96: {  	[tilespmem:s3], [sflag:$0x5] =	stream.linear.gather [hbm4b:s6+s3], $0x1400, $0x38;
	[tilespmem:$0x1E800] =	vst v63  }
0x97: {  	_ =	swait.ge [sflag:s17], $0x1400  }
0x98: {  	[sflag:s17] =	ssyncset.done $0x0  }
0x99: {  	s9 =	rddreg [dreg:$0x4];
	[sflag:s17] =	ssyncadd.s32 $0xFFFFEC00  }
0x9a: {  	[tilespmem:s18], [sflag:$0x5] =	stream.linear.gather [hbm4b:s9+s3], $0x1400, $0x38;
	[tilespmem:$0x1E800] =	vst v63  }
0x9b: {  	_ =	swait.ge [sflag:s17], $0x1400  }
0x9c: {  	[sflag:s17] =	ssyncset.done $0x0  }
0x9d: {  	[sflag:s17] =	ssyncadd.s32 $0xFFFFEC00  }
0x9e: {  	[tilespmem:s16], [sflag:$0x1] =	stream.indirect.gather [hbm4b:s4+s19], $0x80, s3, s19, $0xb8;
	[tilespmem:$0x1E800] =	vst v63  }
0x9f: {  	_ = 	snop  }
0xa0: {  	[tilespmem:s20], [sflag:$0x2] =	stream.indirect.gather [hbm4b:s4+s19], $0x80, s19, s19, $0xb8;
	[tilespmem:$0x1E800] =	vst v63  }
0xa1: {  	_ =	swait.ge [sflag:s21], $0x4000  }
0xa2: {  	[sflag:s21] =	ssyncset.done $0x0  }
0xa3: {  	[sflag:s21] =	ssyncadd.s32 $0xFFFFC000  }
0xa4: {  	[spmem:s1] =	stream.indirect.scatter.add.bf16 [tilespmem:s16], [sflag:$0x3], $0x80, s18, s19, $0xb8;
	[tilespmem:$0x1E800] =	vst v63  }
0xa5: {  	_ =	swait.ge [sflag:s22], $0x4000  }
0xa6: {  	[sflag:s22] =	ssyncset.done $0x0  }
0xa7: {  	[sflag:s22] =	ssyncadd.s32 $0xFFFFC000  }
0xa8: {  	[tilespmem:s16], [sflag:$0x1] =	stream.indirect.gather [hbm4b:s4+s19], $0x80, s23, s19, $0xb8;
	[tilespmem:$0x1E800] =	vst v63  }
0xa9: {  	_ =	swait.ge [sflag:s24], $0x4000  }
0xaa: {  	[sflag:s24] =	ssyncset.done $0x0  }
0xab: {  	[sflag:s24] =	ssyncadd.s32 $0xFFFFC000  }
0xac: {  	[spmem:s1] =	stream.indirect.scatter.add.bf16 [tilespmem:s20], [sflag:$0x4], $0x80, s26, s19, $0xb8;
	[tilespmem:$0x1E800] =	vst v63  }
0xad: {  	_ =	swait.ge [sflag:s28], $0x4000  }
0xae: {  	[sflag:s28] =	ssyncset.done $0x0  }
0xaf: {  	s7 =	simm.s32 $0x180;
	[sflag:s28] =	ssyncadd.s32 $0xFFFFC000  }
0xb0: {  	[tilespmem:s20], [sflag:$0x2] =	stream.indirect.gather [hbm4b:s4+s19], $0x80, s7, s19, $0xb8;
	[tilespmem:$0x1E800] =	vst v63  }
0xb1: {  	_ =	swait.ge [sflag:s21], $0x4000  }
0xb2: {  	[sflag:s21] =	ssyncset.done $0x0  }
0xb3: {  	s8 =	simm.s32 $0x1500;
	[sflag:s21] =	ssyncadd.s32 $0xFFFFC000  }
0xb4: {  	[spmem:s1] =	stream.indirect.scatter.add.bf16 [tilespmem:s16], [sflag:$0x3], $0x80, s8, s19, $0xb8;
	[tilespmem:$0x1E800] =	vst v63  }
0xb5: {  	_ =	swait.ge [sflag:s22], $0x4000  }
0xb6: {  	[sflag:s22] =	ssyncset.done $0x0  }
0xb7: {  	s9 =	simm.s32 $0x200;
	[sflag:s22] =	ssyncadd.s32 $0xFFFFC000  }
0xb8: {  	[tilespmem:s16], [sflag:$0x1] =	stream.indirect.gather [hbm4b:s4+s19], $0x80, s9, s19, $0xb8;
	[tilespmem:$0x1E800] =	vst v63  }
0xb9: {  	_ =	swait.ge [sflag:s24], $0x4000  }
0xba: {  	[sflag:s24] =	ssyncset.done $0x0  }
0xbb: {  	s6 =	simm.s32 $0xFFFFBC00;
	s7 =	simm.s32 $0x1580;
	[sflag:s24] =	ssyncadd.s32 $0xFFFFC000  }
.LBB2_5:
0xbc: {  	[spmem:s1] =	stream.indirect.scatter.add.bf16 [tilespmem:s20], [sflag:$0x4], $0x80, s7, s19, $0xb8;
	[tilespmem:$0x1E800] =	vst v63  }
0xbd: {  	s7 =	smov.u32 s6  }
0xbe: {  	p1 =	seq.s32 s6, $0xFFFFFC00;
	s6 =	sadd.s32 $0x400, s6;
	_ =	swait.ge [sflag:s28], $0x4000  }
0xbf: {  	s7 =	sshra.s32 s7, $0x2;
	[sflag:s28] =	ssyncset.done $0x0  }
0xc0: {  	s8 =	sadd.s32 $0x1380, s7;
	[sflag:s28] =	ssyncadd.s32 $0xFFFFC000  }
0xc1: {  	[tilespmem:s20], [sflag:$0x2] =	stream.indirect.gather [hbm4b:s4+s19], $0x80, s8, s19, $0xb8;
	[tilespmem:$0x1E800] =	vst v63  }
0xc2: {  	_ =	swait.ge [sflag:s21], $0x4000  }
0xc3: {  	[sflag:s21] =	ssyncset.done $0x0  }
0xc4: {  	s8 =	sadd.s32 $0x2700, s7;
	[sflag:s21] =	ssyncadd.s32 $0xFFFFC000  }
0xc5: {  	[spmem:s1] =	stream.indirect.scatter.add.bf16 [tilespmem:s16], [sflag:$0x3], $0x80, s8, s19, $0xb8;
	[tilespmem:$0x1E800] =	vst v63  }
0xc6: {  	_ =	swait.ge [sflag:s22], $0x4000  }
0xc7: {  	[sflag:s22] =	ssyncset.done $0x0  }
.Ltmp6:
0xc8: {  	s8 =	sadd.s32 $0x1400, s7;
	[sflag:s22] =	ssyncadd.s32 $0xFFFFC000;
	(pc) =	sbr.rel @!p1 .LBB2_5-.Ltmp6, $4  }
0xc9: {  	[tilespmem:s16], [sflag:$0x1] =	stream.indirect.gather [hbm4b:s4+s19], $0x80, s8, s19, $0xb8;
	[tilespmem:$0x1E800] =	vst v63  }
0xca: {  	_ =	swait.ge [sflag:s24], $0x4000  }
0xcb: {  	[sflag:s24] =	ssyncset.done $0x0  }
0xcc: {  	s7 =	sadd.s32 $0x2780, s7;
	[sflag:s24] =	ssyncadd.s32 $0xFFFFC000  }
.Ltmp7:
0xcd: {  	_ = 	snop;
	(pc) =	sbr.rel .LBB2_6-.Ltmp7, $1  }
0xce: {  	_ =	sdelay $0x3  }
.LBB2_11:
0xcf: {  	_ =	sfence.sel $0x180000  }
0xd0: {  	[bflag:$0x0] =	sbarrier.arrive $0xFFFF  }
0xd1: {  	_ =	strace $0x9000004A  }
0xd2: {  	[bflag:$0x2] =	sbarrier.arrive $0xFFFF  }
0xd3: {  	p0 =	sne.s32 s2, $0x0;
	s0 =	rddreg [dreg:$0x2]  }
0xd4: {  	s0 =	sadd.s32 @!p0 $0x100000, s0  }
0xd5: {  	[sflag:s0] =	ssyncadd.tile.s32 @!p0 $0x1;
	_ =	shalt  }
.Lfunc_end2:
_tile_overlayer_lowered:
.L_overlay_start_2:
0xd6: {  	(tag) =	ssettag $0x2  }
0xd7: {  	s0 =	rddreg [dreg:$0x0];
	s2 =	stileid.u32  }
0xd8: {  	s1 =	rddreg [dreg:$0x1];
	p0 =	sne.s32 s2, $0x0  }
0xd9: {  	s3 =	rddreg [dreg:$0x2];
	[bflag:$0x3] =	sbarrier.arrive $0xFFFF;
	s2 =	simm.s32 @!p0 $0x1C05  }
0xda: {  	[timem:s3], [sflag:s2] =	dma.local @!p0 [hbm:s0], s1  }
0xdb: {  	s0 =	simm.s32 @!p0 $0x5  }
0xdc: {  	_ =	swait.ge @!p0 [sflag:s0], s1  }
0xdd: {  	s1 =	ssub.s32 @!p0 $0x0, s1;
	[sflag:s0] =	ssyncset.done @!p0 $0x0  }
0xde: {  	[sflag:s0] =	ssyncadd.s32 @!p0 s1  }
0xdf: {  	[bflag:$0x3] =	sbarrier.arrive $0xFFFF  }
0xe0: {  	_ =	shalt  }

// kernel: kernel.16.cloned.1.call-start
scs
__scs_entry_jumppad:
0x0: {  	(pc) =	sbr.rel $0x88, $3  }
0x1: {  	(tag) =	ssettag $0x0;
	lr =	simm.s32 $0x1  }
0x2: {  	[smem:$0x3F93] =	sst lr;
	_ =	strace $0xD0000000  }
0x3: {  	_ = 	snop  }
0x4: {  	_ = 	snop  }
0x5: {  	_ = 	snop  }
0x6: {  	_ = 	snop  }
0x7: {  	_ = 	snop  }
__scs_overlays_trampoline_lowered:
0x8: {  	[smem:$0x3FA2] =	sst s0  }
0x9: {  	[smem:$0x3FA3] =	sst s1  }
0xa: {  	[smem:$0x3FA4] =	sst s2  }
0xb: {  	[smem:$0x3FA5] =	sst s3  }
0xc: {  	[smem:$0x3FA6] =	sst s4  }
0xd: {  	[smem:$0x3FA7] =	sst s5  }
0xe: {  	[smem:$0x3FA8] =	sst s6  }
0xf: {  	[smem:$0x3FA9] =	sst s7  }
0x10: {  	[smem:$0x3FAA] =	sst s8  }
0x11: {  	[smem:$0x3FAB] =	sst s9;
	s0 =	simm.s32 @!p0 $0x0  }
0x12: {  	s1 =	sld [smem:$0x3F91];
	s0 =	simm.s32 @p0 $0x1  }
0x13: {  	[smem:$0x3FAC] =	sst s0;
	s0 =	simm.s32 @!p1 $0x0  }
0x14: {  	s2 =	sld [smem:$0x3F90];
	s0 =	simm.s32 @p1 $0x1  }
0x15: {  	[smem:$0x3FAD] =	sst s0;
	s0 =	simm.s32 @!p2 $0x0  }
0x16: {  	s3 =	sld [smem:$0x3FDB];
	s0 =	simm.s32 @p2 $0x1  }
0x17: {  	s4 =	simm.s32 $0x1BF5;
	[smem:$0x3FAF] =	sst s0  }
0x18: {  	s0 =	sld [smem:$0x3F92];
	_ =	swait.ge [sflag:s4], $0x0  }
0x19: {  	s7 =	sld [smem:$0x3F93]  }
0x1a: {  	s8 =	sadd.s32 $0xFFFFE003, lr  }
0x1b: {  	s9 =	sadd.s32 $0xFFFFFEF7, lr;
	s5 =	simm.s32 $0xFFFFFFFF;
	p2 =	slt.u32 s8, $0xFFFFF086  }
0x1c: {  	p1 =	slt.u32 s9, $0xF7A;
	s5 =	simm.s32 @!p2 $0x0  }
0x1d: {  	s5 =	simm.s32 @p1 $0x1;
	p0 =	seq.s32 s7, s2  }
0x1e: {  	s7 =	smul.u32 @!p0 $0xF7A, s2;
	p2 =	seq.s32 @!p0 s5, $0x0  }
0x1f: {  	s9 =	smul.u32 $0xF7A, s1;
	s8 =	simm.s32 @!p0 $0x1BF5;
	p2 =	por !p2, p0  }
0x20: {  	[sflag:s8] =	ssyncset.s32 @!p0 $0xFFFFF086;
	s6 =	sadd.s32 @!p0 s3, s7;
	s7 =	simm.s32 @!p0 $0x108  }
0x21: {  	s3 =	sadd.s32 s3, s9;
	s6 =	sadd.s32 @!p0 $0x88, s6;
	s7 =	simm.s32 @p2 $0x1082  }
0x22: {  	[simem:s7], [sflag:s8] =	dma.local @!p0 [hbm:s6], $0xF7A  }
0x23: {  	s9 =	sor.u32 $0xD0000000, s2;
	s6 =	simm.s32 $0x108;
	_ =	swait.ge @!p0 [sflag:s8], $0x0  }
0x24: {  	s3 =	sadd.s32 $0x88, s3;
	s6 =	simm.s32 @!p1 $0x1082;
	[sflag:s4] =	ssyncset.s32 $0xFFFFF086  }
0x25: {  	[simem:s6], [sflag:s4] =	dma.local [hbm:s3], $0xF7A  }
0x26: {  	[smem:$0x3F93] =	sst s1;
	(tag) =	ssettag s2;
	_ =	strace s9  }
0x27: {  	s1 =	sld [smem:$0x3FA3]  }
0x28: {  	s2 =	sld [smem:$0x3FA4]  }
0x29: {  	s4 =	sld [smem:$0x3FA6]  }
0x2a: {  	p0 =	seq.s32 s5, $0x0;
	s5 =	sld [smem:$0x3FA7]  }
0x2b: {  	s6 =	sld [smem:$0x3FA8]  }
0x2c: {  	s7 =	sld [smem:$0x3FA9]  }
0x2d: {  	s3 =	simm.s32 $0x108;
	s8 =	sld [smem:$0x3FAA]  }
0x2e: {  	s3 =	simm.s32 @!p0 $0x1082;
	s9 =	sld [smem:$0x3FAB]  }
0x2f: {  	lr =	sadd.s32 s0, s3;
	s0 =	sld [smem:$0x3FA2]  }
0x30: {  	s3 =	sld [smem:$0x3FA5]  }
0x31: {  	[smem:$0x3FAE] =	sst s10  }
0x32: {  	s10 =	sld [smem:$0x3FAC];
	_ =	sdelay $0x3  }
0x33: {  	p0 =	seq.s32 s10, $0x1;
	s10 =	sld [smem:$0x3FAE];
	_ =	sdelay $0x3  }
0x34: {  	[smem:$0x3FAE] =	sst s10  }
0x35: {  	s10 =	sld [smem:$0x3FAD];
	_ =	sdelay $0x3  }
0x36: {  	p1 =	seq.s32 s10, $0x1;
	s10 =	sld [smem:$0x3FAE];
	_ =	sdelay $0x3  }
0x37: {  	[smem:$0x3FAE] =	sst s10  }
0x38: {  	s10 =	sld [smem:$0x3FAF]  }
0x39: {  	_ = 	snop;
	(pc) =	sbr.ind lr, $3  }
0x3a: {  	_ = 	snop  }
0x3b: {  	_ = 	snop  }
0x3c: {  	p2 =	seq.s32 s10, $0x1;
	s10 =	sld [smem:$0x3FAE]  }
0x3d: {  	_ =	shalt  }
0x3e: {  	_ =	shalt  }
0x3f: {  	_ =	shalt  }
0x40: {  	_ =	shalt  }
0x41: {  	_ =	shalt  }
0x42: {  	_ =	shalt  }
0x43: {  	_ =	shalt  }
0x44: {  	_ =	shalt  }
0x45: {  	_ =	shalt  }
0x46: {  	_ =	shalt  }
0x47: {  	_ =	shalt  }
0x48: {  	_ =	shalt  }
0x49: {  	_ =	shalt  }
0x4a: {  	_ =	shalt  }
0x4b: {  	_ =	shalt  }
0x4c: {  	_ =	shalt  }
0x4d: {  	_ =	shalt  }
0x4e: {  	_ =	shalt  }
0x4f: {  	_ =	shalt  }
0x50: {  	_ =	shalt  }
0x51: {  	_ =	shalt  }
0x52: {  	_ =	shalt  }
0x53: {  	_ =	shalt  }
0x54: {  	_ =	shalt  }
0x55: {  	_ =	shalt  }
0x56: {  	_ =	shalt  }
0x57: {  	_ =	shalt  }
0x58: {  	_ =	shalt  }
0x59: {  	_ =	shalt  }
0x5a: {  	_ =	shalt  }
0x5b: {  	_ =	shalt  }
0x5c: {  	_ =	shalt  }
0x5d: {  	_ =	shalt  }
0x5e: {  	_ =	shalt  }
0x5f: {  	_ =	shalt  }
0x60: {  	_ =	shalt  }
0x61: {  	_ =	shalt  }
0x62: {  	_ =	shalt  }
0x63: {  	_ =	shalt  }
0x64: {  	_ =	shalt  }
0x65: {  	_ =	shalt  }
0x66: {  	_ =	shalt  }
0x67: {  	_ =	shalt  }
0x68: {  	_ =	shalt  }
0x69: {  	_ =	shalt  }
0x6a: {  	_ =	shalt  }
0x6b: {  	_ =	shalt  }
0x6c: {  	_ =	shalt  }
0x6d: {  	_ =	shalt  }
0x6e: {  	_ =	shalt  }
0x6f: {  	_ =	shalt  }
0x70: {  	_ =	shalt  }
0x71: {  	_ =	shalt  }
0x72: {  	_ =	shalt  }
0x73: {  	_ =	shalt  }
0x74: {  	_ =	shalt  }
0x75: {  	_ =	shalt  }
0x76: {  	_ =	shalt  }
0x77: {  	_ =	shalt  }
0x78: {  	_ =	shalt  }
0x79: {  	_ =	shalt  }
0x7a: {  	_ =	shalt  }
0x7b: {  	_ =	shalt  }
0x7c: {  	_ =	shalt  }
0x7d: {  	_ =	shalt  }
0x7e: {  	_ =	shalt  }
0x7f: {  	_ =	shalt  }
0x80: {  	_ =	shalt  }
0x81: {  	_ =	shalt  }
0x82: {  	_ =	shalt  }
0x83: {  	_ =	shalt  }
0x84: {  	_ =	shalt  }
0x85: {  	_ =	shalt  }
0x86: {  	_ =	shalt  }
0x87: {  	_ =	shalt  }
.Lfunc_end0:
.L_simem_size_0:
called_computation.2_lowered:
.L_overlay_start_0:
0x88: {  	s2 =	sld [smem:$0x3FD9]  }
0x89: {  	s3 =	sld [smem:$0x3FFE];
	_ =	sdelay $0x1  }
0x8a: {  	s1 =	srdreg.scid  }
0x8b: {  	s0 =	sand.u32 $0x1, s1  }
0x8c: {  	s16 =	sshll.u32 s0, $0xA;
	s2 =	sadd.s32 s3, s2  }
0x8d: {  	s2 =	sadd.s32 s2, s16  }
0x8e: {  	[smem:$0x3FBA] =	sst s2  }
0x8f: {  	_ = 	snop  }
0x90: {  	(tm) =	ssettm $0x1  }
0x91: {  	s17 =	sld [smem:$0x3FFB];
	_ =	sdelay $0x3  }
0x92: {  	_ =	strace s17  }
0x93: {  	s2 =	sld [smem:$0x3FFC];
	_ =	sdelay $0x3  }
0x94: {  	_ =	strace s2  }
0x95: {  	s2 =	sld [smem:$0x3FFD];
	_ =	sdelay $0x3  }
0x96: {  	_ =	strace s2  }
0x97: {  	_ =	strace $0x8FFFFFFF  }
0x98: {  	s18 =	sld [smem:$0x3FDB];
	_ =	sdelay $0x1  }
0x99: {  	s19 =	simm.s32 $_scs_section_size  }
0x9a: {  	s4 =	simm.s32 $_size__tile_overlayer_lowered;
	s5 =	simm.s32 $_tile_overlayer_lowered  }
0x9b: {  	s22 =	simm.s32 $0x1BFF;
	s21 =	sshll.u32 s5, $0x1;
	s2 =	sadd.s32 s19, s18  }
0x9c: {  	s6 =	simm.s32 $0x0;
	s20 =	sshll.u32 s4, $0x1;
	s4 =	sadd.s32 s21, s2  }
0x9d: {  	[timem:s6], [sflag:s22] =	dma.local [hbm:s4], s20  }
0x9e: {  	_ =	swait.ge [sflag:s22], s20  }
0x9f: {  	s3 =	ssub.s32 $0x0, s20;
	[sflag:s22] =	ssyncset.done $0x0  }
0xa0: {  	[sflag:s22] =	ssyncadd.s32 s3;
	_ =	sdelay $0x1  }
0xa1: {  	s23 =	simm.s32 $0x1B8B  }
0xa2: {  	_ =	swait.ge [sflag:s23], $0x1  }
0xa3: {  	[sflag:s23] =	ssyncset.done $0x0  }
0xa4: {  	s25 =	simm.s32 $0x1B8E;
	s24 =	sld [smem:$0x3FFE];
	[sflag:s23] =	ssyncadd.s32 $0xFFFFFFFF  }
0xa5: {  	s26 =	simm.s32 $execute0_lowered;
	[smem:$0x3FD2] =	sst s25  }
0xa6: {  	s4 =	sshll.u32 s26, $0x1;
	_ =	strace $0x8000004C;
	[dreg:$0x1] =	wrdreg $0xFFFFFFFF  }
0xa7: {  	s28 =	simm.s32 $_size_execute0_lowered;
	s2 =	sadd.s32 s2, s4;
	[dreg:$0x0] =	wrdreg $0x0  }
0xa8: {  	s4 =	sshll.u32 s28, $0x1;
	[dreg:$0x2] =	wrdreg s2  }
0xa9: {  	[dreg:$0x3] =	wrdreg s4  }
0xaa: {  	[dreg:$0x4] =	wrdreg $0xC0  }
0xab: {  	_ =	task [dreg:s6], $0x5FFFF  }
0xac: {  	[dreg:$0x1] =	wrdreg $0xFFFFFFFF  }
0xad: {  	[dreg:$0x0] =	wrdreg $0x60  }
0xae: {  	[dreg:$0x2] =	wrdreg s24  }
0xaf: {  	[dreg:$0x3] =	wrdreg $0xA8000  }
0xb0: {  	[dreg:$0x4] =	wrdreg $0x9  }
0xb1: {  	_ =	task.clear_ibuf [dreg:s6], $0x5FFFF;
	_ =	strace $0x9000004C  }
0xb2: {  	s29 =	simm.s32 $0x9;
	_ =	strace $0x8000004E  }
0xb3: {  	_ =	swait.ge [sflag:s29], $0x1  }
0xb4: {  	[sflag:s29] =	ssyncadd.s32 $0xFFFFFFFF  }
0xb5: {  	_ =	strace $0x9000004E  }
0xb6: {  	_ =	sfence  }
0xb7: {  	s30 =	sld [smem:$0x0];
	_ =	sdelay $0x2  }
0xb8: {  	s31 =	sshll.u32 s1, $0xD;
	s1 =	sshrl.u32 s1, $0x2  }
0xb9: {  	s3 =	sand.u32 $0x4000, s31;
	s1 =	sadd.s32 s1, s30  }
0xba: {  	s0 =	sor.u32 s3, s0;
	s1 =	sshll.u32 s1, $0x11  }
0xbb: {  	s0 =	sor.u32 s1, s0  }
0xbc: {  	s0 =	sadd.s32 $0x8F2B, s0  }
0xbd: {  	[sflag:s0] =	ssyncadd.remote.s32 $0x1  }
0xbe: {  	_ =	sfence.sel $0xFFFF  }
0xbf: {  	[dreg:$0x0] =	wrdreg $0xFFFFFFFF;
	(pc) =	sbr.abs _section_cstart, $3  }
0xc0: {  	[dreg:$0x1] =	wrdreg $0xFFFFFFFF  }
0xc1: {  	_ =	task.clear_ibuf [dreg:s6], $0x2FFFF;
	_ =	strace $0x9FFFFFFF  }
0xc2: {  	(tm) =	ssettm $0x7FFFFFFF  }
0xc3: {  	_ =	shalt  }
tec
execute0_lowered:
.L_overlay_start_1:
0x0: {  	(tag) =	ssettag $0x1  }
0x1: {  	s0 =	rddreg [dreg:$0x0]  }
0x2: {  	s1 =	rddreg [dreg:$0x1];
	s2 =	srdreg.scid  }
0x3: {  	s3 =	simm.s32 $0x0;
	s16 =	simm.s32 $0x2800;
	s17 =	simm.s32 $0x5  }
0x4: {  	s18 =	simm.s32 $0x1400;
	s19 =	simm.s32 $0x80;
	s20 =	simm.s32 $0x6800  }
0x5: {  	s28 =	simm.s32 $0x4;
	s29 =	simm.s32 $0x1380;
	s6 =	sand.u32 $0x1, s2  }
0x6: {  	s30 =	simm.s32 $0x2700;
	s2 =	stileid.u32;
	s5 =	smul.u32 $0x280000, s6  }
0x7: {  	s31 =	simm.s32 $0x2780;
	[smem:$0x7FF] =	sst s3;
	s7 =	smul.u32 $0x28000, s2  }
0x8: {  	s4 =	sadd.s32 $0x5B600, s0;
	s8 =	sadd.s32 $0x8400, s0;
	s10 =	smul.u32 $0x50000, s2  }
0x9: {  	s9 =	sadd.s32 $0x3400, s0;
	_ =	strace $0x8000004D;
	s11 =	smul.u32 $0x1400, s2  }
0xa: {  	s21 =	ssub.s32 $0x2, s6;
	s13 =	smul.u32 $0x280, s2;
	p0 =	seq.s32 s6, $0x1  }
0xb: {  	s12 =	sshrl.u32 s21, $0x1;
	s5 =	sadd.s32 s7, s5;
	s10 =	sshrl.u32 s10, $0x2  }
0xc: {  	s12 =	ssub.s32 s21, s12;
	s22 =	sshrl.u32 s11, $0x3;
	s23 =	sadd.s32 s8, s13  }
0xd: {  	s25 =	sadd.s32 s9, s13;
	s7 =	sshrl.u32 s7, $0x1;
	s21 =	simm.s32 $0x1  }
0xe: {  	s5 =	sshrl.u32 s5, $0x4;
	[dreg:$0x3] =	wrdreg s23;
	s24 =	sadd.s32 $0x2800, s22  }
0xf: {  	[dreg:$0x4] =	wrdreg s25;
	s26 =	sadd.s32 s7, s1;
	s11 =	smax.u32 s12, $0x1  }
0x10: {  	s22 =	simm.s32 $0x3;
	s23 =	simm.s32 $0x100;
	s0 =	sadd.s32 s5, s0  }
.Ltmp0:
0x11: {  	s5 =	sadd.s32 s10, s1;
	s8 =	sadd.s32 s8, s24;
	(pc) =	sbr.rel .LBB2_1-.Ltmp0, $4  }
0x12: {  	s6 =	sadd.s32 s9, s24;
	s24 =	simm.s32 $0x2;
	[dreg:$0x5] =	wrdreg s8  }
0x13: {  	s25 =	sshrl.u32 s26, $0x3;
	s26 =	simm.s32 $0x1480;
	[dreg:$0x6] =	wrdreg s6  }
0x14: {  	s10 =	sadd.s32 $0x82800, s0;
	s12 =	sadd.s32 $0x4000, s5;
	s13 =	sadd.s32 $0x8000, s5  }
0x15: {  	v0 =	vimm.bf16 $0.0e+00;
	s14 =	sadd.s32 $0xC000, s5;
	s15 =	sadd.s32 $0x10000, s5;
	s0 =	simm.s32 $0x0  }
.LBB2_6:
0x16: {  	[spmem:s1] =	stream.indirect.scatter.add.bf16 [tilespmem:s20], [sflag:$0x4], $0x80, s7, s19, $0xb8;
	[tilespmem:$0x1E800] =	vst v63  }
0x17: {  	_ =	swait.ge [sflag:s28], $0x4000  }
0x18: {  	[sflag:s28] =	ssyncset.done $0x0  }
0x19: {  	[sflag:s28] =	ssyncadd.s32 $0xFFFFC000  }
0x1a: {  	[tilespmem:s20], [sflag:$0x2] =	stream.indirect.gather [hbm4b:s4+s19], $0x80, s29, s19, $0xb8;
	[tilespmem:$0x1E800] =	vst v63  }
0x1b: {  	_ =	swait.ge [sflag:s21], $0x4000  }
0x1c: {  	[sflag:s21] =	ssyncset.done $0x0  }
0x1d: {  	[sflag:s21] =	ssyncadd.s32 $0xFFFFC000  }
0x1e: {  	[spmem:s1] =	stream.indirect.scatter.add.bf16 [tilespmem:s16], [sflag:$0x3], $0x80, s30, s19, $0xb8;
	[tilespmem:$0x1E800] =	vst v63  }
0x1f: {  	_ =	swait.ge [sflag:s22], $0x4000  }
0x20: {  	[sflag:s22] =	ssyncset.done $0x0  }
0x21: {  	[sflag:s22] =	ssyncadd.s32 $0xFFFFC000  }
0x22: {  	_ =	swait.ge [sflag:s24], $0x4000  }
0x23: {  	[sflag:s24] =	ssyncset.done $0x0  }
0x24: {  	[sflag:s24] =	ssyncadd.s32 $0xFFFFC000  }
0x25: {  	[spmem:s1] =	stream.indirect.scatter.add.bf16 [tilespmem:s20], [sflag:$0x4], $0x80, s31, s19, $0xb8;
	[tilespmem:$0x1E800] =	vst v63  }
.LBB2_10:
0x26: {  	_ =	swait.ge [sflag:s28], $0x4000  }
0x27: {  	s0 =	sadd.s32 $0x1, s0;
	[sflag:s28] =	ssyncset.done $0x0  }
0x28: {  	s6 =	sshll.u32 s2, $0x6;
	p1 =	sne.s32 s0, s11;
	[sflag:s28] =	ssyncadd.s32 $0xFFFFC000  }
.Ltmp1:
0x29: {  	s6 =	sor.u32 $0x1C05, s6;
	[bflag:$0x0] =	sbarrier.arrive $0xFFFF;
	(pc) =	sbr.rel @!p1 .LBB2_11-.Ltmp1, $4  }
0x2a: {  	[hbm:s10], [sflag:s6] =	dma.local [spmem:s25], $0x2800  }
0x2b: {  	_ =	swait.ge [sflag:s17], $0x2800  }
0x2c: {  	[sflag:s17] =	ssyncset.done $0x0  }
0x2d: {  	[sflag:s17] =	ssyncadd.s32 $0xFFFFD800  }
.LBB2_1:
0x2e: {  	s6 =	sand.u32 $0xFE00, s3;
	s7 =	sand.u32 $0xE0, s3  }
0x2f: {  	s6 =	sshrl.u32 s6, $0x2;
	s7 =	sshrl.u32 s7, $0x1  }
0x30: {  	s7 =	sor.u32 s6, s7  }
0x31: {  	s6 =	simm.s32 $0x40;
	[tilespmem:s7+$0x2800] =	vst v0;
	s7 =	simm.s32 $0x0  }
.LBB2_2:
0x32: {  	p1 =	sne.s32 s6, $0xFFC0  }
.Ltmp2:
0x33: {  	s8 =	sand.u32 $0xFE00, s6;
	s7 =	sadd.s32 $0x20, s7;
	(pc) =	sbr.rel @p1 .LBB2_2-.Ltmp2, $4  }
0x34: {  	s6 =	sadd.s32 $0x40, s6;
	s9 =	sand.u32 $0xE0, s7  }
0x35: {  	s8 =	sshrl.u32 s8, $0x2;
	s9 =	sshrl.u32 s9, $0x1  }
0x36: {  	s8 =	sor.u32 s8, s9  }
0x37: {  	[tilespmem:s8+$0x2800] =	vst v0  }
0x38: {  	[spmem:s5] =	stream.linear.scatter [tilespmem:s16], [sflag:$0x5], $0x4000, $0x38;
	[tilespmem:$0x1E800] =	vst v63  }
0x39: {  	_ =	swait.ge [sflag:s17], $0x4000  }
0x3a: {  	[sflag:s17] =	ssyncset.done $0x0  }
0x3b: {  	[sflag:s17] =	ssyncadd.s32 $0xFFFFC000  }
0x3c: {  	[spmem:s12] =	stream.linear.scatter [tilespmem:s16], [sflag:$0x5], $0x4000, $0x38;
	[tilespmem:$0x1E800] =	vst v63  }
0x3d: {  	_ =	swait.ge [sflag:s17], $0x4000  }
0x3e: {  	[sflag:s17] =	ssyncset.done $0x0  }
0x3f: {  	[sflag:s17] =	ssyncadd.s32 $0xFFFFC000  }
0x40: {  	[spmem:s13] =	stream.linear.scatter [tilespmem:s16], [sflag:$0x5], $0x4000, $0x38;
	[tilespmem:$0x1E800] =	vst v63  }
0x41: {  	_ =	swait.ge [sflag:s17], $0x4000  }
0x42: {  	[sflag:s17] =	ssyncset.done $0x0  }
0x43: {  	[sflag:s17] =	ssyncadd.s32 $0xFFFFC000  }
0x44: {  	[spmem:s14] =	stream.linear.scatter [tilespmem:s16], [sflag:$0x5], $0x4000, $0x38;
	[tilespmem:$0x1E800] =	vst v63  }
0x45: {  	_ =	swait.ge [sflag:s17], $0x4000  }
0x46: {  	[sflag:s17] =	ssyncset.done $0x0  }
0x47: {  	[sflag:s17] =	ssyncadd.s32 $0xFFFFC000  }
0x48: {  	[spmem:s15] =	stream.linear.scatter [tilespmem:s16], [sflag:$0x5], $0x4000, $0x38;
	[tilespmem:$0x1E800] =	vst v63  }
.Ltmp3:
0x49: {  	_ =	swait.ge [sflag:s17], $0x4000;
	(pc) =	sbr.rel @!p0 .LBB2_4-.Ltmp3, $3  }
0x4a: {  	[sflag:s17] =	ssyncset.done $0x0  }
0x4b: {  	[sflag:s17] =	ssyncadd.s32 $0xFFFFC000  }
0x4c: {  	[bflag:$0x0] =	sbarrier.arrive $0xFFFF;
	_ =	sdelay $0x1  }
0x4d: {  	s6 =	rddreg [dreg:$0x5]  }
0x4e: {  	[tilespmem:s3], [sflag:$0x5] =	stream.linear.gather [hbm4b:s6+s3], $0x1400, $0x38;
	[tilespmem:$0x1E800] =	vst v63  }
0x4f: {  	_ =	swait.ge [sflag:s17], $0x1400  }
0x50: {  	[sflag:s17] =	ssyncset.done $0x0  }
0x51: {  	s9 =	rddreg [dreg:$0x6];
	[sflag:s17] =	ssyncadd.s32 $0xFFFFEC00  }
0x52: {  	[tilespmem:s18], [sflag:$0x5] =	stream.linear.gather [hbm4b:s9+s3], $0x1400, $0x38;
	[tilespmem:$0x1E800] =	vst v63  }
0x53: {  	_ =	swait.ge [sflag:s17], $0x1400  }
0x54: {  	[sflag:s17] =	ssyncset.done $0x0  }
0x55: {  	[sflag:s17] =	ssyncadd.s32 $0xFFFFEC00  }
0x56: {  	[tilespmem:s16], [sflag:$0x1] =	stream.indirect.gather [hbm4b:s4+s19], $0x80, s3, s19, $0xb8;
	[tilespmem:$0x1E800] =	vst v63  }
0x57: {  	_ = 	snop  }
0x58: {  	[tilespmem:s20], [sflag:$0x2] =	stream.indirect.gather [hbm4b:s4+s19], $0x80, s19, s19, $0xb8;
	[tilespmem:$0x1E800] =	vst v63  }
0x59: {  	_ =	swait.ge [sflag:s21], $0x4000  }
0x5a: {  	[sflag:s21] =	ssyncset.done $0x0  }
0x5b: {  	[sflag:s21] =	ssyncadd.s32 $0xFFFFC000  }
0x5c: {  	[spmem:s1] =	stream.indirect.scatter.add.bf16 [tilespmem:s16], [sflag:$0x3], $0x80, s18, s19, $0xb8;
	[tilespmem:$0x1E800] =	vst v63  }
0x5d: {  	_ =	swait.ge [sflag:s22], $0x4000  }
0x5e: {  	[sflag:s22] =	ssyncset.done $0x0  }
0x5f: {  	[sflag:s22] =	ssyncadd.s32 $0xFFFFC000  }
0x60: {  	[tilespmem:s16], [sflag:$0x1] =	stream.indirect.gather [hbm4b:s4+s19], $0x80, s23, s19, $0xb8;
	[tilespmem:$0x1E800] =	vst v63  }
0x61: {  	_ =	swait.ge [sflag:s24], $0x4000  }
0x62: {  	[sflag:s24] =	ssyncset.done $0x0  }
0x63: {  	[sflag:s24] =	ssyncadd.s32 $0xFFFFC000  }
0x64: {  	[spmem:s1] =	stream.indirect.scatter.add.bf16 [tilespmem:s20], [sflag:$0x4], $0x80, s26, s19, $0xb8;
	[tilespmem:$0x1E800] =	vst v63  }
0x65: {  	_ =	swait.ge [sflag:s28], $0x4000  }
0x66: {  	[sflag:s28] =	ssyncset.done $0x0  }
0x67: {  	s7 =	simm.s32 $0x180;
	[sflag:s28] =	ssyncadd.s32 $0xFFFFC000  }
0x68: {  	[tilespmem:s20], [sflag:$0x2] =	stream.indirect.gather [hbm4b:s4+s19], $0x80, s7, s19, $0xb8;
	[tilespmem:$0x1E800] =	vst v63  }
0x69: {  	_ =	swait.ge [sflag:s21], $0x4000  }
0x6a: {  	[sflag:s21] =	ssyncset.done $0x0  }
0x6b: {  	s8 =	simm.s32 $0x1500;
	[sflag:s21] =	ssyncadd.s32 $0xFFFFC000  }
0x6c: {  	[spmem:s1] =	stream.indirect.scatter.add.bf16 [tilespmem:s16], [sflag:$0x3], $0x80, s8, s19, $0xb8;
	[tilespmem:$0x1E800] =	vst v63  }
0x6d: {  	_ =	swait.ge [sflag:s22], $0x4000  }
0x6e: {  	[sflag:s22] =	ssyncset.done $0x0  }
0x6f: {  	s9 =	simm.s32 $0x200;
	[sflag:s22] =	ssyncadd.s32 $0xFFFFC000  }
0x70: {  	[tilespmem:s16], [sflag:$0x1] =	stream.indirect.gather [hbm4b:s4+s19], $0x80, s9, s19, $0xb8;
	[tilespmem:$0x1E800] =	vst v63  }
0x71: {  	_ =	swait.ge [sflag:s24], $0x4000  }
0x72: {  	[sflag:s24] =	ssyncset.done $0x0  }
0x73: {  	s6 =	simm.s32 $0xFFFFBC00;
	s7 =	simm.s32 $0x1580;
	[sflag:s24] =	ssyncadd.s32 $0xFFFFC000  }
.LBB2_8:
0x74: {  	[spmem:s1] =	stream.indirect.scatter.add.bf16 [tilespmem:s20], [sflag:$0x4], $0x80, s7, s19, $0xb8;
	[tilespmem:$0x1E800] =	vst v63  }
0x75: {  	s7 =	smov.u32 s6  }
0x76: {  	p1 =	sne.s32 s6, $0xFFFFFC00;
	s6 =	sadd.s32 $0x400, s6;
	_ =	swait.ge [sflag:s28], $0x4000  }
0x77: {  	s7 =	sshra.s32 s7, $0x2;
	[sflag:s28] =	ssyncset.done $0x0  }
0x78: {  	s8 =	sadd.s32 $0x1380, s7;
	[sflag:s28] =	ssyncadd.s32 $0xFFFFC000  }
0x79: {  	[tilespmem:s20], [sflag:$0x2] =	stream.indirect.gather [hbm4b:s4+s19], $0x80, s8, s19, $0xb8;
	[tilespmem:$0x1E800] =	vst v63  }
0x7a: {  	_ =	swait.ge [sflag:s21], $0x4000  }
0x7b: {  	[sflag:s21] =	ssyncset.done $0x0  }
0x7c: {  	s8 =	sadd.s32 $0x2700, s7;
	[sflag:s21] =	ssyncadd.s32 $0xFFFFC000  }
0x7d: {  	[spmem:s1] =	stream.indirect.scatter.add.bf16 [tilespmem:s16], [sflag:$0x3], $0x80, s8, s19, $0xb8;
	[tilespmem:$0x1E800] =	vst v63  }
0x7e: {  	_ =	swait.ge [sflag:s22], $0x4000  }
0x7f: {  	[sflag:s22] =	ssyncset.done $0x0  }
.Ltmp4:
0x80: {  	s8 =	sadd.s32 $0x1400, s7;
	[sflag:s22] =	ssyncadd.s32 $0xFFFFC000;
	(pc) =	sbr.rel @p1 .LBB2_8-.Ltmp4, $4  }
0x81: {  	[tilespmem:s16], [sflag:$0x1] =	stream.indirect.gather [hbm4b:s4+s19], $0x80, s8, s19, $0xb8;
	[tilespmem:$0x1E800] =	vst v63  }
0x82: {  	_ =	swait.ge [sflag:s24], $0x4000  }
0x83: {  	[sflag:s24] =	ssyncset.done $0x0  }
0x84: {  	s7 =	sadd.s32 $0x2780, s7;
	[sflag:s24] =	ssyncadd.s32 $0xFFFFC000  }
0x85: {  	[spmem:s1] =	stream.indirect.scatter.add.bf16 [tilespmem:s20], [sflag:$0x4], $0x80, s7, s19, $0xb8;
	[tilespmem:$0x1E800] =	vst v63  }
0x86: {  	_ =	swait.ge [sflag:s28], $0x4000  }
0x87: {  	[sflag:s28] =	ssyncset.done $0x0  }
0x88: {  	[sflag:s28] =	ssyncadd.s32 $0xFFFFC000  }
0x89: {  	[tilespmem:s20], [sflag:$0x2] =	stream.indirect.gather [hbm4b:s4+s19], $0x80, s29, s19, $0xb8;
	[tilespmem:$0x1E800] =	vst v63  }
0x8a: {  	_ =	swait.ge [sflag:s21], $0x4000  }
0x8b: {  	[sflag:s21] =	ssyncset.done $0x0  }
0x8c: {  	[sflag:s21] =	ssyncadd.s32 $0xFFFFC000  }
0x8d: {  	[spmem:s1] =	stream.indirect.scatter.add.bf16 [tilespmem:s16], [sflag:$0x3], $0x80, s30, s19, $0xb8;
	[tilespmem:$0x1E800] =	vst v63  }
0x8e: {  	_ =	swait.ge [sflag:s22], $0x4000  }
0x8f: {  	[sflag:s22] =	ssyncset.done $0x0  }
.Ltmp5:
0x90: {  	[sflag:s22] =	ssyncadd.s32 $0xFFFFC000;
	(pc) =	sbr.rel .LBB2_10-.Ltmp5, $4  }
0x91: {  	_ =	swait.ge [sflag:s24], $0x4000  }
0x92: {  	[sflag:s24] =	ssyncset.done $0x0  }
0x93: {  	[sflag:s24] =	ssyncadd.s32 $0xFFFFC000  }
0x94: {  	[spmem:s1] =	stream.indirect.scatter.add.bf16 [tilespmem:s20], [sflag:$0x4], $0x80, s31, s19, $0xb8;
	[tilespmem:$0x1E800] =	vst v63  }
.LBB2_4:
0x95: {  	s6 =	rddreg [dreg:$0x3]  }
0x96: {  	[tilespmem:s3], [sflag:$0x5] =	stream.linear.gather [hbm4b:s6+s3], $0x1400, $0x38;
	[tilespmem:$0x1E800] =	vst v63  }
0x97: {  	_ =	swait.ge [sflag:s17], $0x1400  }
0x98: {  	[sflag:s17] =	ssyncset.done $0x0  }
0x99: {  	s9 =	rddreg [dreg:$0x4];
	[sflag:s17] =	ssyncadd.s32 $0xFFFFEC00  }
0x9a: {  	[tilespmem:s18], [sflag:$0x5] =	stream.linear.gather [hbm4b:s9+s3], $0x1400, $0x38;
	[tilespmem:$0x1E800] =	vst v63  }
0x9b: {  	_ =	swait.ge [sflag:s17], $0x1400  }
0x9c: {  	[sflag:s17] =	ssyncset.done $0x0  }
0x9d: {  	[sflag:s17] =	ssyncadd.s32 $0xFFFFEC00  }
0x9e: {  	[tilespmem:s16], [sflag:$0x1] =	stream.indirect.gather [hbm4b:s4+s19], $0x80, s3, s19, $0xb8;
	[tilespmem:$0x1E800] =	vst v63  }
0x9f: {  	_ = 	snop  }
0xa0: {  	[tilespmem:s20], [sflag:$0x2] =	stream.indirect.gather [hbm4b:s4+s19], $0x80, s19, s19, $0xb8;
	[tilespmem:$0x1E800] =	vst v63  }
0xa1: {  	_ =	swait.ge [sflag:s21], $0x4000  }
0xa2: {  	[sflag:s21] =	ssyncset.done $0x0  }
0xa3: {  	[sflag:s21] =	ssyncadd.s32 $0xFFFFC000  }
0xa4: {  	[spmem:s1] =	stream.indirect.scatter.add.bf16 [tilespmem:s16], [sflag:$0x3], $0x80, s18, s19, $0xb8;
	[tilespmem:$0x1E800] =	vst v63  }
0xa5: {  	_ =	swait.ge [sflag:s22], $0x4000  }
0xa6: {  	[sflag:s22] =	ssyncset.done $0x0  }
0xa7: {  	[sflag:s22] =	ssyncadd.s32 $0xFFFFC000  }
0xa8: {  	[tilespmem:s16], [sflag:$0x1] =	stream.indirect.gather [hbm4b:s4+s19], $0x80, s23, s19, $0xb8;
	[tilespmem:$0x1E800] =	vst v63  }
0xa9: {  	_ =	swait.ge [sflag:s24], $0x4000  }
0xaa: {  	[sflag:s24] =	ssyncset.done $0x0  }
0xab: {  	[sflag:s24] =	ssyncadd.s32 $0xFFFFC000  }
0xac: {  	[spmem:s1] =	stream.indirect.scatter.add.bf16 [tilespmem:s20], [sflag:$0x4], $0x80, s26, s19, $0xb8;
	[tilespmem:$0x1E800] =	vst v63  }
0xad: {  	_ =	swait.ge [sflag:s28], $0x4000  }
0xae: {  	[sflag:s28] =	ssyncset.done $0x0  }
0xaf: {  	s7 =	simm.s32 $0x180;
	[sflag:s28] =	ssyncadd.s32 $0xFFFFC000  }
0xb0: {  	[tilespmem:s20], [sflag:$0x2] =	stream.indirect.gather [hbm4b:s4+s19], $0x80, s7, s19, $0xb8;
	[tilespmem:$0x1E800] =	vst v63  }
0xb1: {  	_ =	swait.ge [sflag:s21], $0x4000  }
0xb2: {  	[sflag:s21] =	ssyncset.done $0x0  }
0xb3: {  	s8 =	simm.s32 $0x1500;
	[sflag:s21] =	ssyncadd.s32 $0xFFFFC000  }
0xb4: {  	[spmem:s1] =	stream.indirect.scatter.add.bf16 [tilespmem:s16], [sflag:$0x3], $0x80, s8, s19, $0xb8;
	[tilespmem:$0x1E800] =	vst v63  }
0xb5: {  	_ =	swait.ge [sflag:s22], $0x4000  }
0xb6: {  	[sflag:s22] =	ssyncset.done $0x0  }
0xb7: {  	s9 =	simm.s32 $0x200;
	[sflag:s22] =	ssyncadd.s32 $0xFFFFC000  }
0xb8: {  	[tilespmem:s16], [sflag:$0x1] =	stream.indirect.gather [hbm4b:s4+s19], $0x80, s9, s19, $0xb8;
	[tilespmem:$0x1E800] =	vst v63  }
0xb9: {  	_ =	swait.ge [sflag:s24], $0x4000  }
0xba: {  	[sflag:s24] =	ssyncset.done $0x0  }
0xbb: {  	s6 =	simm.s32 $0xFFFFBC00;
	s7 =	simm.s32 $0x1580;
	[sflag:s24] =	ssyncadd.s32 $0xFFFFC000  }
.LBB2_5:
0xbc: {  	[spmem:s1] =	stream.indirect.scatter.add.bf16 [tilespmem:s20], [sflag:$0x4], $0x80, s7, s19, $0xb8;
	[tilespmem:$0x1E800] =	vst v63  }
0xbd: {  	s7 =	smov.u32 s6  }
0xbe: {  	p1 =	seq.s32 s6, $0xFFFFFC00;
	s6 =	sadd.s32 $0x400, s6;
	_ =	swait.ge [sflag:s28], $0x4000  }
0xbf: {  	s7 =	sshra.s32 s7, $0x2;
	[sflag:s28] =	ssyncset.done $0x0  }
0xc0: {  	s8 =	sadd.s32 $0x1380, s7;
	[sflag:s28] =	ssyncadd.s32 $0xFFFFC000  }
0xc1: {  	[tilespmem:s20], [sflag:$0x2] =	stream.indirect.gather [hbm4b:s4+s19], $0x80, s8, s19, $0xb8;
	[tilespmem:$0x1E800] =	vst v63  }
0xc2: {  	_ =	swait.ge [sflag:s21], $0x4000  }
0xc3: {  	[sflag:s21] =	ssyncset.done $0x0  }
0xc4: {  	s8 =	sadd.s32 $0x2700, s7;
	[sflag:s21] =	ssyncadd.s32 $0xFFFFC000  }
0xc5: {  	[spmem:s1] =	stream.indirect.scatter.add.bf16 [tilespmem:s16], [sflag:$0x3], $0x80, s8, s19, $0xb8;
	[tilespmem:$0x1E800] =	vst v63  }
0xc6: {  	_ =	swait.ge [sflag:s22], $0x4000  }
0xc7: {  	[sflag:s22] =	ssyncset.done $0x0  }
.Ltmp6:
0xc8: {  	s8 =	sadd.s32 $0x1400, s7;
	[sflag:s22] =	ssyncadd.s32 $0xFFFFC000;
	(pc) =	sbr.rel @!p1 .LBB2_5-.Ltmp6, $4  }
0xc9: {  	[tilespmem:s16], [sflag:$0x1] =	stream.indirect.gather [hbm4b:s4+s19], $0x80, s8, s19, $0xb8;
	[tilespmem:$0x1E800] =	vst v63  }
0xca: {  	_ =	swait.ge [sflag:s24], $0x4000  }
0xcb: {  	[sflag:s24] =	ssyncset.done $0x0  }
0xcc: {  	s7 =	sadd.s32 $0x2780, s7;
	[sflag:s24] =	ssyncadd.s32 $0xFFFFC000  }
.Ltmp7:
0xcd: {  	_ = 	snop;
	(pc) =	sbr.rel .LBB2_6-.Ltmp7, $1  }
0xce: {  	_ =	sdelay $0x3  }
.LBB2_11:
0xcf: {  	_ =	sfence.sel $0x180000  }
0xd0: {  	[bflag:$0x0] =	sbarrier.arrive $0xFFFF  }
0xd1: {  	_ =	strace $0x9000004D  }
0xd2: {  	[bflag:$0x2] =	sbarrier.arrive $0xFFFF  }
0xd3: {  	p0 =	sne.s32 s2, $0x0;
	s0 =	rddreg [dreg:$0x2]  }
0xd4: {  	s0 =	sadd.s32 @!p0 $0x100000, s0  }
0xd5: {  	[sflag:s0] =	ssyncadd.tile.s32 @!p0 $0x1;
	_ =	shalt  }
.Lfunc_end2:
_tile_overlayer_lowered:
.L_overlay_start_2:
0xd6: {  	(tag) =	ssettag $0x2  }
0xd7: {  	s0 =	rddreg [dreg:$0x0];
	s2 =	stileid.u32  }
0xd8: {  	s1 =	rddreg [dreg:$0x1];
	p0 =	sne.s32 s2, $0x0  }
0xd9: {  	s3 =	rddreg [dreg:$0x2];
	[bflag:$0x3] =	sbarrier.arrive $0xFFFF;
	s2 =	simm.s32 @!p0 $0x1C05  }
0xda: {  	[timem:s3], [sflag:s2] =	dma.local @!p0 [hbm:s0], s1  }
0xdb: {  	s0 =	simm.s32 @!p0 $0x5  }
0xdc: {  	_ =	swait.ge @!p0 [sflag:s0], s1  }
0xdd: {  	s1 =	ssub.s32 @!p0 $0x0, s1;
	[sflag:s0] =	ssyncset.done @!p0 $0x0  }
0xde: {  	[sflag:s0] =	ssyncadd.s32 @!p0 s1  }
0xdf: {  	[bflag:$0x3] =	sbarrier.arrive $0xFFFF  }
0xe0: {  	_ =	shalt  }

// kernel: kernel.19.cloned.1.call-start
scs
__scs_entry_jumppad:
0x0: {  	(pc) =	sbr.rel $0x88, $3  }
0x1: {  	(tag) =	ssettag $0x0;
	lr =	simm.s32 $0x1  }
0x2: {  	[smem:$0x3F93] =	sst lr;
	_ =	strace $0xD0000000  }
0x3: {  	_ = 	snop  }
0x4: {  	_ = 	snop  }
0x5: {  	_ = 	snop  }
0x6: {  	_ = 	snop  }
0x7: {  	_ = 	snop  }
__scs_overlays_trampoline_lowered:
0x8: {  	[smem:$0x3FA2] =	sst s0  }
0x9: {  	[smem:$0x3FA3] =	sst s1  }
0xa: {  	[smem:$0x3FA4] =	sst s2  }
0xb: {  	[smem:$0x3FA5] =	sst s3  }
0xc: {  	[smem:$0x3FA6] =	sst s4  }
0xd: {  	[smem:$0x3FA7] =	sst s5  }
0xe: {  	[smem:$0x3FA8] =	sst s6  }
0xf: {  	[smem:$0x3FA9] =	sst s7  }
0x10: {  	[smem:$0x3FAA] =	sst s8  }
0x11: {  	[smem:$0x3FAB] =	sst s9;
	s0 =	simm.s32 @!p0 $0x0  }
0x12: {  	s1 =	sld [smem:$0x3F91];
	s0 =	simm.s32 @p0 $0x1  }
0x13: {  	[smem:$0x3FAC] =	sst s0;
	s0 =	simm.s32 @!p1 $0x0  }
0x14: {  	s2 =	sld [smem:$0x3F90];
	s0 =	simm.s32 @p1 $0x1  }
0x15: {  	[smem:$0x3FAD] =	sst s0;
	s0 =	simm.s32 @!p2 $0x0  }
0x16: {  	s3 =	sld [smem:$0x3FDB];
	s0 =	simm.s32 @p2 $0x1  }
0x17: {  	s4 =	simm.s32 $0x1BF5;
	[smem:$0x3FAF] =	sst s0  }
0x18: {  	s0 =	sld [smem:$0x3F92];
	_ =	swait.ge [sflag:s4], $0x0  }
0x19: {  	s7 =	sld [smem:$0x3F93]  }
0x1a: {  	s8 =	sadd.s32 $0xFFFFE003, lr  }
0x1b: {  	s9 =	sadd.s32 $0xFFFFFEF7, lr;
	s5 =	simm.s32 $0xFFFFFFFF;
	p2 =	slt.u32 s8, $0xFFFFF086  }
0x1c: {  	p1 =	slt.u32 s9, $0xF7A;
	s5 =	simm.s32 @!p2 $0x0  }
0x1d: {  	s5 =	simm.s32 @p1 $0x1;
	p0 =	seq.s32 s7, s2  }
0x1e: {  	s7 =	smul.u32 @!p0 $0xF7A, s2;
	p2 =	seq.s32 @!p0 s5, $0x0  }
0x1f: {  	s9 =	smul.u32 $0xF7A, s1;
	s8 =	simm.s32 @!p0 $0x1BF5;
	p2 =	por !p2, p0  }
0x20: {  	[sflag:s8] =	ssyncset.s32 @!p0 $0xFFFFF086;
	s6 =	sadd.s32 @!p0 s3, s7;
	s7 =	simm.s32 @!p0 $0x108  }
0x21: {  	s3 =	sadd.s32 s3, s9;
	s6 =	sadd.s32 @!p0 $0x88, s6;
	s7 =	simm.s32 @p2 $0x1082  }
0x22: {  	[simem:s7], [sflag:s8] =	dma.local @!p0 [hbm:s6], $0xF7A  }
0x23: {  	s9 =	sor.u32 $0xD0000000, s2;
	s6 =	simm.s32 $0x108;
	_ =	swait.ge @!p0 [sflag:s8], $0x0  }
0x24: {  	s3 =	sadd.s32 $0x88, s3;
	s6 =	simm.s32 @!p1 $0x1082;
	[sflag:s4] =	ssyncset.s32 $0xFFFFF086  }
0x25: {  	[simem:s6], [sflag:s4] =	dma.local [hbm:s3], $0xF7A  }
0x26: {  	[smem:$0x3F93] =	sst s1;
	(tag) =	ssettag s2;
	_ =	strace s9  }
0x27: {  	s1 =	sld [smem:$0x3FA3]  }
0x28: {  	s2 =	sld [smem:$0x3FA4]  }
0x29: {  	s4 =	sld [smem:$0x3FA6]  }
0x2a: {  	p0 =	seq.s32 s5, $0x0;
	s5 =	sld [smem:$0x3FA7]  }
0x2b: {  	s6 =	sld [smem:$0x3FA8]  }
0x2c: {  	s7 =	sld [smem:$0x3FA9]  }
0x2d: {  	s3 =	simm.s32 $0x108;
	s8 =	sld [smem:$0x3FAA]  }
0x2e: {  	s3 =	simm.s32 @!p0 $0x1082;
	s9 =	sld [smem:$0x3FAB]  }
0x2f: {  	lr =	sadd.s32 s0, s3;
	s0 =	sld [smem:$0x3FA2]  }
0x30: {  	s3 =	sld [smem:$0x3FA5]  }
0x31: {  	[smem:$0x3FAE] =	sst s10  }
0x32: {  	s10 =	sld [smem:$0x3FAC];
	_ =	sdelay $0x3  }
0x33: {  	p0 =	seq.s32 s10, $0x1;
	s10 =	sld [smem:$0x3FAE];
	_ =	sdelay $0x3  }
0x34: {  	[smem:$0x3FAE] =	sst s10  }
0x35: {  	s10 =	sld [smem:$0x3FAD];
	_ =	sdelay $0x3  }
0x36: {  	p1 =	seq.s32 s10, $0x1;
	s10 =	sld [smem:$0x3FAE];
	_ =	sdelay $0x3  }
0x37: {  	[smem:$0x3FAE] =	sst s10  }
0x38: {  	s10 =	sld [smem:$0x3FAF]  }
0x39: {  	_ = 	snop;
	(pc) =	sbr.ind lr, $3  }
0x3a: {  	_ = 	snop  }
0x3b: {  	_ = 	snop  }
0x3c: {  	p2 =	seq.s32 s10, $0x1;
	s10 =	sld [smem:$0x3FAE]  }
0x3d: {  	_ =	shalt  }
0x3e: {  	_ =	shalt  }
0x3f: {  	_ =	shalt  }
0x40: {  	_ =	shalt  }
0x41: {  	_ =	shalt  }
0x42: {  	_ =	shalt  }
0x43: {  	_ =	shalt  }
0x44: {  	_ =	shalt  }
0x45: {  	_ =	shalt  }
0x46: {  	_ =	shalt  }
0x47: {  	_ =	shalt  }
0x48: {  	_ =	shalt  }
0x49: {  	_ =	shalt  }
0x4a: {  	_ =	shalt  }
0x4b: {  	_ =	shalt  }
0x4c: {  	_ =	shalt  }
0x4d: {  	_ =	shalt  }
0x4e: {  	_ =	shalt  }
0x4f: {  	_ =	shalt  }
0x50: {  	_ =	shalt  }
0x51: {  	_ =	shalt  }
0x52: {  	_ =	shalt  }
0x53: {  	_ =	shalt  }
0x54: {  	_ =	shalt  }
0x55: {  	_ =	shalt  }
0x56: {  	_ =	shalt  }
0x57: {  	_ =	shalt  }
0x58: {  	_ =	shalt  }
0x59: {  	_ =	shalt  }
0x5a: {  	_ =	shalt  }
0x5b: {  	_ =	shalt  }
0x5c: {  	_ =	shalt  }
0x5d: {  	_ =	shalt  }
0x5e: {  	_ =	shalt  }
0x5f: {  	_ =	shalt  }
0x60: {  	_ =	shalt  }
0x61: {  	_ =	shalt  }
0x62: {  	_ =	shalt  }
0x63: {  	_ =	shalt  }
0x64: {  	_ =	shalt  }
0x65: {  	_ =	shalt  }
0x66: {  	_ =	shalt  }
0x67: {  	_ =	shalt  }
0x68: {  	_ =	shalt  }
0x69: {  	_ =	shalt  }
0x6a: {  	_ =	shalt  }
0x6b: {  	_ =	shalt  }
0x6c: {  	_ =	shalt  }
0x6d: {  	_ =	shalt  }
0x6e: {  	_ =	shalt  }
0x6f: {  	_ =	shalt  }
0x70: {  	_ =	shalt  }
0x71: {  	_ =	shalt  }
0x72: {  	_ =	shalt  }
0x73: {  	_ =	shalt  }
0x74: {  	_ =	shalt  }
0x75: {  	_ =	shalt  }
0x76: {  	_ =	shalt  }
0x77: {  	_ =	shalt  }
0x78: {  	_ =	shalt  }
0x79: {  	_ =	shalt  }
0x7a: {  	_ =	shalt  }
0x7b: {  	_ =	shalt  }
0x7c: {  	_ =	shalt  }
0x7d: {  	_ =	shalt  }
0x7e: {  	_ =	shalt  }
0x7f: {  	_ =	shalt  }
0x80: {  	_ =	shalt  }
0x81: {  	_ =	shalt  }
0x82: {  	_ =	shalt  }
0x83: {  	_ =	shalt  }
0x84: {  	_ =	shalt  }
0x85: {  	_ =	shalt  }
0x86: {  	_ =	shalt  }
0x87: {  	_ =	shalt  }
.Lfunc_end0:
.L_simem_size_0:
called_computation.3_lowered:
.L_overlay_start_0:
0x88: {  	s2 =	sld [smem:$0x3FD9]  }
0x89: {  	s3 =	sld [smem:$0x3FFE];
	_ =	sdelay $0x1  }
0x8a: {  	s1 =	srdreg.scid  }
0x8b: {  	s0 =	sand.u32 $0x1, s1  }
0x8c: {  	s16 =	sshll.u32 s0, $0xA;
	s2 =	sadd.s32 s3, s2  }
0x8d: {  	s2 =	sadd.s32 s2, s16  }
0x8e: {  	[smem:$0x3FBA] =	sst s2  }
0x8f: {  	_ = 	snop  }
0x90: {  	(tm) =	ssettm $0x1  }
0x91: {  	s17 =	sld [smem:$0x3FFB];
	_ =	sdelay $0x3  }
0x92: {  	_ =	strace s17  }
0x93: {  	s2 =	sld [smem:$0x3FFC];
	_ =	sdelay $0x3  }
0x94: {  	_ =	strace s2  }
0x95: {  	s2 =	sld [smem:$0x3FFD];
	_ =	sdelay $0x3  }
0x96: {  	_ =	strace s2  }
0x97: {  	_ =	strace $0x8FFFFFFF  }
0x98: {  	s18 =	sld [smem:$0x3FDB];
	_ =	sdelay $0x1  }
0x99: {  	s19 =	simm.s32 $_scs_section_size  }
0x9a: {  	s4 =	simm.s32 $_size__tile_overlayer_lowered;
	s5 =	simm.s32 $_tile_overlayer_lowered  }
0x9b: {  	s22 =	simm.s32 $0x1BFF;
	s21 =	sshll.u32 s5, $0x1;
	s2 =	sadd.s32 s19, s18  }
0x9c: {  	s6 =	simm.s32 $0x0;
	s20 =	sshll.u32 s4, $0x1;
	s4 =	sadd.s32 s21, s2  }
0x9d: {  	[timem:s6], [sflag:s22] =	dma.local [hbm:s4], s20  }
0x9e: {  	_ =	swait.ge [sflag:s22], s20  }
0x9f: {  	s3 =	ssub.s32 $0x0, s20;
	[sflag:s22] =	ssyncset.done $0x0  }
0xa0: {  	[sflag:s22] =	ssyncadd.s32 s3;
	_ =	sdelay $0x1  }
0xa1: {  	s23 =	simm.s32 $0x1B8B  }
0xa2: {  	_ =	swait.ge [sflag:s23], $0x1  }
0xa3: {  	[sflag:s23] =	ssyncset.done $0x0  }
0xa4: {  	s25 =	simm.s32 $0x1B8E;
	s24 =	sld [smem:$0x3FFE];
	[sflag:s23] =	ssyncadd.s32 $0xFFFFFFFF  }
0xa5: {  	s26 =	simm.s32 $execute0_lowered;
	[smem:$0x3FD2] =	sst s25  }
0xa6: {  	s4 =	sshll.u32 s26, $0x1;
	_ =	strace $0x8000004F;
	[dreg:$0x1] =	wrdreg $0xFFFFFFFF  }
0xa7: {  	s28 =	simm.s32 $_size_execute0_lowered;
	s2 =	sadd.s32 s2, s4;
	[dreg:$0x0] =	wrdreg $0x0  }
0xa8: {  	s4 =	sshll.u32 s28, $0x1;
	[dreg:$0x2] =	wrdreg s2  }
0xa9: {  	[dreg:$0x3] =	wrdreg s4  }
0xaa: {  	[dreg:$0x4] =	wrdreg $0xC0  }
0xab: {  	_ =	task [dreg:s6], $0x5FFFF  }
0xac: {  	[dreg:$0x1] =	wrdreg $0xFFFFFFFF  }
0xad: {  	[dreg:$0x0] =	wrdreg $0x60  }
0xae: {  	[dreg:$0x2] =	wrdreg s24  }
0xaf: {  	[dreg:$0x3] =	wrdreg $0xA8000  }
0xb0: {  	[dreg:$0x4] =	wrdreg $0x9  }
0xb1: {  	_ =	task.clear_ibuf [dreg:s6], $0x5FFFF;
	_ =	strace $0x9000004F  }
0xb2: {  	s29 =	simm.s32 $0x9;
	_ =	strace $0x80000051  }
0xb3: {  	_ =	swait.ge [sflag:s29], $0x1  }
0xb4: {  	[sflag:s29] =	ssyncadd.s32 $0xFFFFFFFF  }
0xb5: {  	_ =	strace $0x90000051  }
0xb6: {  	_ =	sfence  }
0xb7: {  	s30 =	sld [smem:$0x0];
	_ =	sdelay $0x2  }
0xb8: {  	s31 =	sshll.u32 s1, $0xD;
	s1 =	sshrl.u32 s1, $0x2  }
0xb9: {  	s3 =	sand.u32 $0x4000, s31;
	s1 =	sadd.s32 s1, s30  }
0xba: {  	s0 =	sor.u32 s3, s0;
	s1 =	sshll.u32 s1, $0x11  }
0xbb: {  	s0 =	sor.u32 s1, s0  }
0xbc: {  	s0 =	sadd.s32 $0x8F2B, s0  }
0xbd: {  	[sflag:s0] =	ssyncadd.remote.s32 $0x1  }
0xbe: {  	_ =	sfence.sel $0xFFFF  }
0xbf: {  	[dreg:$0x0] =	wrdreg $0xFFFFFFFF;
	(pc) =	sbr.abs _section_cstart, $3  }
0xc0: {  	[dreg:$0x1] =	wrdreg $0xFFFFFFFF  }
0xc1: {  	_ =	task.clear_ibuf [dreg:s6], $0x2FFFF;
	_ =	strace $0x9FFFFFFF  }
0xc2: {  	(tm) =	ssettm $0x7FFFFFFF  }
0xc3: {  	_ =	shalt  }
tec
execute0_lowered:
.L_overlay_start_1:
0x0: {  	(tag) =	ssettag $0x1  }
0x1: {  	s0 =	rddreg [dreg:$0x0]  }
0x2: {  	s1 =	rddreg [dreg:$0x1];
	s2 =	srdreg.scid  }
0x3: {  	s3 =	simm.s32 $0x0;
	s16 =	simm.s32 $0x2800;
	s17 =	simm.s32 $0x5  }
0x4: {  	s18 =	simm.s32 $0x1400;
	s19 =	simm.s32 $0x80;
	s20 =	simm.s32 $0x6800  }
0x5: {  	s28 =	simm.s32 $0x4;
	s29 =	simm.s32 $0x1380;
	s6 =	sand.u32 $0x1, s2  }
0x6: {  	s30 =	simm.s32 $0x2700;
	s2 =	stileid.u32;
	s5 =	smul.u32 $0x280000, s6  }
0x7: {  	s31 =	simm.s32 $0x2780;
	[smem:$0x7FF] =	sst s3;
	s7 =	smul.u32 $0x28000, s2  }
0x8: {  	s4 =	sadd.s32 $0x5B600, s0;
	s8 =	sadd.s32 $0x8400, s0;
	s10 =	smul.u32 $0x50000, s2  }
0x9: {  	s9 =	sadd.s32 $0x3400, s0;
	_ =	strace $0x80000050;
	s11 =	smul.u32 $0x1400, s2  }
0xa: {  	s21 =	ssub.s32 $0x2, s6;
	s13 =	smul.u32 $0x280, s2;
	p0 =	seq.s32 s6, $0x1  }
0xb: {  	s12 =	sshrl.u32 s21, $0x1;
	s5 =	sadd.s32 s7, s5;
	s10 =	sshrl.u32 s10, $0x2  }
0xc: {  	s12 =	ssub.s32 s21, s12;
	s22 =	sshrl.u32 s11, $0x3;
	s23 =	sadd.s32 s8, s13  }
0xd: {  	s25 =	sadd.s32 s9, s13;
	s7 =	sshrl.u32 s7, $0x1;
	s21 =	simm.s32 $0x1  }
0xe: {  	s5 =	sshrl.u32 s5, $0x4;
	[dreg:$0x3] =	wrdreg s23;
	s24 =	sadd.s32 $0x2800, s22  }
0xf: {  	[dreg:$0x4] =	wrdreg s25;
	s26 =	sadd.s32 s7, s1;
	s11 =	smax.u32 s12, $0x1  }
0x10: {  	s22 =	simm.s32 $0x3;
	s23 =	simm.s32 $0x100;
	s0 =	sadd.s32 s5, s0  }
.Ltmp0:
0x11: {  	s5 =	sadd.s32 s10, s1;
	s8 =	sadd.s32 s8, s24;
	(pc) =	sbr.rel .LBB2_1-.Ltmp0, $4  }
0x12: {  	s6 =	sadd.s32 s9, s24;
	s24 =	simm.s32 $0x2;
	[dreg:$0x5] =	wrdreg s8  }
0x13: {  	s25 =	sshrl.u32 s26, $0x3;
	s26 =	simm.s32 $0x1480;
	[dreg:$0x6] =	wrdreg s6  }
0x14: {  	s10 =	sadd.s32 $0x82800, s0;
	s12 =	sadd.s32 $0x4000, s5;
	s13 =	sadd.s32 $0x8000, s5  }
0x15: {  	v0 =	vimm.bf16 $0.0e+00;
	s14 =	sadd.s32 $0xC000, s5;
	s15 =	sadd.s32 $0x10000, s5;
	s0 =	simm.s32 $0x0  }
.LBB2_6:
0x16: {  	[spmem:s1] =	stream.indirect.scatter.add.bf16 [tilespmem:s20], [sflag:$0x4], $0x80, s7, s19, $0xb8;
	[tilespmem:$0x1E800] =	vst v63  }
0x17: {  	_ =	swait.ge [sflag:s28], $0x4000  }
0x18: {  	[sflag:s28] =	ssyncset.done $0x0  }
0x19: {  	[sflag:s28] =	ssyncadd.s32 $0xFFFFC000  }
0x1a: {  	[tilespmem:s20], [sflag:$0x2] =	stream.indirect.gather [hbm4b:s4+s19], $0x80, s29, s19, $0xb8;
	[tilespmem:$0x1E800] =	vst v63  }
0x1b: {  	_ =	swait.ge [sflag:s21], $0x4000  }
0x1c: {  	[sflag:s21] =	ssyncset.done $0x0  }
0x1d: {  	[sflag:s21] =	ssyncadd.s32 $0xFFFFC000  }
0x1e: {  	[spmem:s1] =	stream.indirect.scatter.add.bf16 [tilespmem:s16], [sflag:$0x3], $0x80, s30, s19, $0xb8;
	[tilespmem:$0x1E800] =	vst v63  }
0x1f: {  	_ =	swait.ge [sflag:s22], $0x4000  }
0x20: {  	[sflag:s22] =	ssyncset.done $0x0  }
0x21: {  	[sflag:s22] =	ssyncadd.s32 $0xFFFFC000  }
0x22: {  	_ =	swait.ge [sflag:s24], $0x4000  }
0x23: {  	[sflag:s24] =	ssyncset.done $0x0  }
0x24: {  	[sflag:s24] =	ssyncadd.s32 $0xFFFFC000  }
0x25: {  	[spmem:s1] =	stream.indirect.scatter.add.bf16 [tilespmem:s20], [sflag:$0x4], $0x80, s31, s19, $0xb8;
	[tilespmem:$0x1E800] =	vst v63  }
.LBB2_10:
0x26: {  	_ =	swait.ge [sflag:s28], $0x4000  }
0x27: {  	s0 =	sadd.s32 $0x1, s0;
	[sflag:s28] =	ssyncset.done $0x0  }
0x28: {  	s6 =	sshll.u32 s2, $0x6;
	p1 =	sne.s32 s0, s11;
	[sflag:s28] =	ssyncadd.s32 $0xFFFFC000  }
.Ltmp1:
0x29: {  	s6 =	sor.u32 $0x1C05, s6;
	[bflag:$0x0] =	sbarrier.arrive $0xFFFF;
	(pc) =	sbr.rel @!p1 .LBB2_11-.Ltmp1, $4  }
0x2a: {  	[hbm:s10], [sflag:s6] =	dma.local [spmem:s25], $0x2800  }
0x2b: {  	_ =	swait.ge [sflag:s17], $0x2800  }
0x2c: {  	[sflag:s17] =	ssyncset.done $0x0  }
0x2d: {  	[sflag:s17] =	ssyncadd.s32 $0xFFFFD800  }
.LBB2_1:
0x2e: {  	s6 =	sand.u32 $0xFE00, s3;
	s7 =	sand.u32 $0xE0, s3  }
0x2f: {  	s6 =	sshrl.u32 s6, $0x2;
	s7 =	sshrl.u32 s7, $0x1  }
0x30: {  	s7 =	sor.u32 s6, s7  }
0x31: {  	s6 =	simm.s32 $0x40;
	[tilespmem:s7+$0x2800] =	vst v0;
	s7 =	simm.s32 $0x0  }
.LBB2_2:
0x32: {  	p1 =	sne.s32 s6, $0xFFC0  }
.Ltmp2:
0x33: {  	s8 =	sand.u32 $0xFE00, s6;
	s7 =	sadd.s32 $0x20, s7;
	(pc) =	sbr.rel @p1 .LBB2_2-.Ltmp2, $4  }
0x34: {  	s6 =	sadd.s32 $0x40, s6;
	s9 =	sand.u32 $0xE0, s7  }
0x35: {  	s8 =	sshrl.u32 s8, $0x2;
	s9 =	sshrl.u32 s9, $0x1  }
0x36: {  	s8 =	sor.u32 s8, s9  }
0x37: {  	[tilespmem:s8+$0x2800] =	vst v0  }
0x38: {  	[spmem:s5] =	stream.linear.scatter [tilespmem:s16], [sflag:$0x5], $0x4000, $0x38;
	[tilespmem:$0x1E800] =	vst v63  }
0x39: {  	_ =	swait.ge [sflag:s17], $0x4000  }
0x3a: {  	[sflag:s17] =	ssyncset.done $0x0  }
0x3b: {  	[sflag:s17] =	ssyncadd.s32 $0xFFFFC000  }
0x3c: {  	[spmem:s12] =	stream.linear.scatter [tilespmem:s16], [sflag:$0x5], $0x4000, $0x38;
	[tilespmem:$0x1E800] =	vst v63  }
0x3d: {  	_ =	swait.ge [sflag:s17], $0x4000  }
0x3e: {  	[sflag:s17] =	ssyncset.done $0x0  }
0x3f: {  	[sflag:s17] =	ssyncadd.s32 $0xFFFFC000  }
0x40: {  	[spmem:s13] =	stream.linear.scatter [tilespmem:s16], [sflag:$0x5], $0x4000, $0x38;
	[tilespmem:$0x1E800] =	vst v63  }
0x41: {  	_ =	swait.ge [sflag:s17], $0x4000  }
0x42: {  	[sflag:s17] =	ssyncset.done $0x0  }
0x43: {  	[sflag:s17] =	ssyncadd.s32 $0xFFFFC000  }
0x44: {  	[spmem:s14] =	stream.linear.scatter [tilespmem:s16], [sflag:$0x5], $0x4000, $0x38;
	[tilespmem:$0x1E800] =	vst v63  }
0x45: {  	_ =	swait.ge [sflag:s17], $0x4000  }
0x46: {  	[sflag:s17] =	ssyncset.done $0x0  }
0x47: {  	[sflag:s17] =	ssyncadd.s32 $0xFFFFC000  }
0x48: {  	[spmem:s15] =	stream.linear.scatter [tilespmem:s16], [sflag:$0x5], $0x4000, $0x38;
	[tilespmem:$0x1E800] =	vst v63  }
.Ltmp3:
0x49: {  	_ =	swait.ge [sflag:s17], $0x4000;
	(pc) =	sbr.rel @!p0 .LBB2_4-.Ltmp3, $3  }
0x4a: {  	[sflag:s17] =	ssyncset.done $0x0  }
0x4b: {  	[sflag:s17] =	ssyncadd.s32 $0xFFFFC000  }
0x4c: {  	[bflag:$0x0] =	sbarrier.arrive $0xFFFF;
	_ =	sdelay $0x1  }
0x4d: {  	s6 =	rddreg [dreg:$0x5]  }
0x4e: {  	[tilespmem:s3], [sflag:$0x5] =	stream.linear.gather [hbm4b:s6+s3], $0x1400, $0x38;
	[tilespmem:$0x1E800] =	vst v63  }
0x4f: {  	_ =	swait.ge [sflag:s17], $0x1400  }
0x50: {  	[sflag:s17] =	ssyncset.done $0x0  }
0x51: {  	s9 =	rddreg [dreg:$0x6];
	[sflag:s17] =	ssyncadd.s32 $0xFFFFEC00  }
0x52: {  	[tilespmem:s18], [sflag:$0x5] =	stream.linear.gather [hbm4b:s9+s3], $0x1400, $0x38;
	[tilespmem:$0x1E800] =	vst v63  }
0x53: {  	_ =	swait.ge [sflag:s17], $0x1400  }
0x54: {  	[sflag:s17] =	ssyncset.done $0x0  }
0x55: {  	[sflag:s17] =	ssyncadd.s32 $0xFFFFEC00  }
0x56: {  	[tilespmem:s16], [sflag:$0x1] =	stream.indirect.gather [hbm4b:s4+s19], $0x80, s3, s19, $0xb8;
	[tilespmem:$0x1E800] =	vst v63  }
0x57: {  	_ = 	snop  }
0x58: {  	[tilespmem:s20], [sflag:$0x2] =	stream.indirect.gather [hbm4b:s4+s19], $0x80, s19, s19, $0xb8;
	[tilespmem:$0x1E800] =	vst v63  }
0x59: {  	_ =	swait.ge [sflag:s21], $0x4000  }
0x5a: {  	[sflag:s21] =	ssyncset.done $0x0  }
0x5b: {  	[sflag:s21] =	ssyncadd.s32 $0xFFFFC000  }
0x5c: {  	[spmem:s1] =	stream.indirect.scatter.add.bf16 [tilespmem:s16], [sflag:$0x3], $0x80, s18, s19, $0xb8;
	[tilespmem:$0x1E800] =	vst v63  }
0x5d: {  	_ =	swait.ge [sflag:s22], $0x4000  }
0x5e: {  	[sflag:s22] =	ssyncset.done $0x0  }
0x5f: {  	[sflag:s22] =	ssyncadd.s32 $0xFFFFC000  }
0x60: {  	[tilespmem:s16], [sflag:$0x1] =	stream.indirect.gather [hbm4b:s4+s19], $0x80, s23, s19, $0xb8;
	[tilespmem:$0x1E800] =	vst v63  }
0x61: {  	_ =	swait.ge [sflag:s24], $0x4000  }
0x62: {  	[sflag:s24] =	ssyncset.done $0x0  }
0x63: {  	[sflag:s24] =	ssyncadd.s32 $0xFFFFC000  }
0x64: {  	[spmem:s1] =	stream.indirect.scatter.add.bf16 [tilespmem:s20], [sflag:$0x4], $0x80, s26, s19, $0xb8;
	[tilespmem:$0x1E800] =	vst v63  }
0x65: {  	_ =	swait.ge [sflag:s28], $0x4000  }
0x66: {  	[sflag:s28] =	ssyncset.done $0x0  }
0x67: {  	s7 =	simm.s32 $0x180;
	[sflag:s28] =	ssyncadd.s32 $0xFFFFC000  }
0x68: {  	[tilespmem:s20], [sflag:$0x2] =	stream.indirect.gather [hbm4b:s4+s19], $0x80, s7, s19, $0xb8;
	[tilespmem:$0x1E800] =	vst v63  }
0x69: {  	_ =	swait.ge [sflag:s21], $0x4000  }
0x6a: {  	[sflag:s21] =	ssyncset.done $0x0  }
0x6b: {  	s8 =	simm.s32 $0x1500;
	[sflag:s21] =	ssyncadd.s32 $0xFFFFC000  }
0x6c: {  	[spmem:s1] =	stream.indirect.scatter.add.bf16 [tilespmem:s16], [sflag:$0x3], $0x80, s8, s19, $0xb8;
	[tilespmem:$0x1E800] =	vst v63  }
0x6d: {  	_ =	swait.ge [sflag:s22], $0x4000  }
0x6e: {  	[sflag:s22] =	ssyncset.done $0x0  }
0x6f: {  	s9 =	simm.s32 $0x200;
	[sflag:s22] =	ssyncadd.s32 $0xFFFFC000  }
0x70: {  	[tilespmem:s16], [sflag:$0x1] =	stream.indirect.gather [hbm4b:s4+s19], $0x80, s9, s19, $0xb8;
	[tilespmem:$0x1E800] =	vst v63  }
0x71: {  	_ =	swait.ge [sflag:s24], $0x4000  }
0x72: {  	[sflag:s24] =	ssyncset.done $0x0  }
0x73: {  	s6 =	simm.s32 $0xFFFFBC00;
	s7 =	simm.s32 $0x1580;
	[sflag:s24] =	ssyncadd.s32 $0xFFFFC000  }
.LBB2_8:
0x74: {  	[spmem:s1] =	stream.indirect.scatter.add.bf16 [tilespmem:s20], [sflag:$0x4], $0x80, s7, s19, $0xb8;
	[tilespmem:$0x1E800] =	vst v63  }
0x75: {  	s7 =	smov.u32 s6  }
0x76: {  	p1 =	sne.s32 s6, $0xFFFFFC00;
	s6 =	sadd.s32 $0x400, s6;
	_ =	swait.ge [sflag:s28], $0x4000  }
0x77: {  	s7 =	sshra.s32 s7, $0x2;
	[sflag:s28] =	ssyncset.done $0x0  }
0x78: {  	s8 =	sadd.s32 $0x1380, s7;
	[sflag:s28] =	ssyncadd.s32 $0xFFFFC000  }
0x79: {  	[tilespmem:s20], [sflag:$0x2] =	stream.indirect.gather [hbm4b:s4+s19], $0x80, s8, s19, $0xb8;
	[tilespmem:$0x1E800] =	vst v63  }
0x7a: {  	_ =	swait.ge [sflag:s21], $0x4000  }
0x7b: {  	[sflag:s21] =	ssyncset.done $0x0  }
0x7c: {  	s8 =	sadd.s32 $0x2700, s7;
	[sflag:s21] =	ssyncadd.s32 $0xFFFFC000  }
0x7d: {  	[spmem:s1] =	stream.indirect.scatter.add.bf16 [tilespmem:s16], [sflag:$0x3], $0x80, s8, s19, $0xb8;
	[tilespmem:$0x1E800] =	vst v63  }
0x7e: {  	_ =	swait.ge [sflag:s22], $0x4000  }
0x7f: {  	[sflag:s22] =	ssyncset.done $0x0  }
.Ltmp4:
0x80: {  	s8 =	sadd.s32 $0x1400, s7;
	[sflag:s22] =	ssyncadd.s32 $0xFFFFC000;
	(pc) =	sbr.rel @p1 .LBB2_8-.Ltmp4, $4  }
0x81: {  	[tilespmem:s16], [sflag:$0x1] =	stream.indirect.gather [hbm4b:s4+s19], $0x80, s8, s19, $0xb8;
	[tilespmem:$0x1E800] =	vst v63  }
0x82: {  	_ =	swait.ge [sflag:s24], $0x4000  }
0x83: {  	[sflag:s24] =	ssyncset.done $0x0  }
0x84: {  	s7 =	sadd.s32 $0x2780, s7;
	[sflag:s24] =	ssyncadd.s32 $0xFFFFC000  }
0x85: {  	[spmem:s1] =	stream.indirect.scatter.add.bf16 [tilespmem:s20], [sflag:$0x4], $0x80, s7, s19, $0xb8;
	[tilespmem:$0x1E800] =	vst v63  }
0x86: {  	_ =	swait.ge [sflag:s28], $0x4000  }
0x87: {  	[sflag:s28] =	ssyncset.done $0x0  }
0x88: {  	[sflag:s28] =	ssyncadd.s32 $0xFFFFC000  }
0x89: {  	[tilespmem:s20], [sflag:$0x2] =	stream.indirect.gather [hbm4b:s4+s19], $0x80, s29, s19, $0xb8;
	[tilespmem:$0x1E800] =	vst v63  }
0x8a: {  	_ =	swait.ge [sflag:s21], $0x4000  }
0x8b: {  	[sflag:s21] =	ssyncset.done $0x0  }
0x8c: {  	[sflag:s21] =	ssyncadd.s32 $0xFFFFC000  }
0x8d: {  	[spmem:s1] =	stream.indirect.scatter.add.bf16 [tilespmem:s16], [sflag:$0x3], $0x80, s30, s19, $0xb8;
	[tilespmem:$0x1E800] =	vst v63  }
0x8e: {  	_ =	swait.ge [sflag:s22], $0x4000  }
0x8f: {  	[sflag:s22] =	ssyncset.done $0x0  }
.Ltmp5:
0x90: {  	[sflag:s22] =	ssyncadd.s32 $0xFFFFC000;
	(pc) =	sbr.rel .LBB2_10-.Ltmp5, $4  }
0x91: {  	_ =	swait.ge [sflag:s24], $0x4000  }
0x92: {  	[sflag:s24] =	ssyncset.done $0x0  }
0x93: {  	[sflag:s24] =	ssyncadd.s32 $0xFFFFC000  }
0x94: {  	[spmem:s1] =	stream.indirect.scatter.add.bf16 [tilespmem:s20], [sflag:$0x4], $0x80, s31, s19, $0xb8;
	[tilespmem:$0x1E800] =	vst v63  }
.LBB2_4:
0x95: {  	s6 =	rddreg [dreg:$0x3]  }
0x96: {  	[tilespmem:s3], [sflag:$0x5] =	stream.linear.gather [hbm4b:s6+s3], $0x1400, $0x38;
	[tilespmem:$0x1E800] =	vst v63  }
0x97: {  	_ =	swait.ge [sflag:s17], $0x1400  }
0x98: {  	[sflag:s17] =	ssyncset.done $0x0  }
0x99: {  	s9 =	rddreg [dreg:$0x4];
	[sflag:s17] =	ssyncadd.s32 $0xFFFFEC00  }
0x9a: {  	[tilespmem:s18], [sflag:$0x5] =	stream.linear.gather [hbm4b:s9+s3], $0x1400, $0x38;
	[tilespmem:$0x1E800] =	vst v63  }
0x9b: {  	_ =	swait.ge [sflag:s17], $0x1400  }
0x9c: {  	[sflag:s17] =	ssyncset.done $0x0  }
0x9d: {  	[sflag:s17] =	ssyncadd.s32 $0xFFFFEC00  }
0x9e: {  	[tilespmem:s16], [sflag:$0x1] =	stream.indirect.gather [hbm4b:s4+s19], $0x80, s3, s19, $0xb8;
	[tilespmem:$0x1E800] =	vst v63  }
0x9f: {  	_ = 	snop  }
0xa0: {  	[tilespmem:s20], [sflag:$0x2] =	stream.indirect.gather [hbm4b:s4+s19], $0x80, s19, s19, $0xb8;
	[tilespmem:$0x1E800] =	vst v63  }
0xa1: {  	_ =	swait.ge [sflag:s21], $0x4000  }
0xa2: {  	[sflag:s21] =	ssyncset.done $0x0  }
0xa3: {  	[sflag:s21] =	ssyncadd.s32 $0xFFFFC000  }
0xa4: {  	[spmem:s1] =	stream.indirect.scatter.add.bf16 [tilespmem:s16], [sflag:$0x3], $0x80, s18, s19, $0xb8;
	[tilespmem:$0x1E800] =	vst v63  }
0xa5: {  	_ =	swait.ge [sflag:s22], $0x4000  }
0xa6: {  	[sflag:s22] =	ssyncset.done $0x0  }
0xa7: {  	[sflag:s22] =	ssyncadd.s32 $0xFFFFC000  }
0xa8: {  	[tilespmem:s16], [sflag:$0x1] =	stream.indirect.gather [hbm4b:s4+s19], $0x80, s23, s19, $0xb8;
	[tilespmem:$0x1E800] =	vst v63  }
0xa9: {  	_ =	swait.ge [sflag:s24], $0x4000  }
0xaa: {  	[sflag:s24] =	ssyncset.done $0x0  }
0xab: {  	[sflag:s24] =	ssyncadd.s32 $0xFFFFC000  }
0xac: {  	[spmem:s1] =	stream.indirect.scatter.add.bf16 [tilespmem:s20], [sflag:$0x4], $0x80, s26, s19, $0xb8;
	[tilespmem:$0x1E800] =	vst v63  }
0xad: {  	_ =	swait.ge [sflag:s28], $0x4000  }
0xae: {  	[sflag:s28] =	ssyncset.done $0x0  }
0xaf: {  	s7 =	simm.s32 $0x180;
	[sflag:s28] =	ssyncadd.s32 $0xFFFFC000  }
0xb0: {  	[tilespmem:s20], [sflag:$0x2] =	stream.indirect.gather [hbm4b:s4+s19], $0x80, s7, s19, $0xb8;
	[tilespmem:$0x1E800] =	vst v63  }
0xb1: {  	_ =	swait.ge [sflag:s21], $0x4000  }
0xb2: {  	[sflag:s21] =	ssyncset.done $0x0  }
0xb3: {  	s8 =	simm.s32 $0x1500;
	[sflag:s21] =	ssyncadd.s32 $0xFFFFC000  }
0xb4: {  	[spmem:s1] =	stream.indirect.scatter.add.bf16 [tilespmem:s16], [sflag:$0x3], $0x80, s8, s19, $0xb8;
	[tilespmem:$0x1E800] =	vst v63  }
0xb5: {  	_ =	swait.ge [sflag:s22], $0x4000  }
0xb6: {  	[sflag:s22] =	ssyncset.done $0x0  }
0xb7: {  	s9 =	simm.s32 $0x200;
	[sflag:s22] =	ssyncadd.s32 $0xFFFFC000  }
0xb8: {  	[tilespmem:s16], [sflag:$0x1] =	stream.indirect.gather [hbm4b:s4+s19], $0x80, s9, s19, $0xb8;
	[tilespmem:$0x1E800] =	vst v63  }
0xb9: {  	_ =	swait.ge [sflag:s24], $0x4000  }
0xba: {  	[sflag:s24] =	ssyncset.done $0x0  }
0xbb: {  	s6 =	simm.s32 $0xFFFFBC00;
	s7 =	simm.s32 $0x1580;
	[sflag:s24] =	ssyncadd.s32 $0xFFFFC000  }
.LBB2_5:
0xbc: {  	[spmem:s1] =	stream.indirect.scatter.add.bf16 [tilespmem:s20], [sflag:$0x4], $0x80, s7, s19, $0xb8;
	[tilespmem:$0x1E800] =	vst v63  }
0xbd: {  	s7 =	smov.u32 s6  }
0xbe: {  	p1 =	seq.s32 s6, $0xFFFFFC00;
	s6 =	sadd.s32 $0x400, s6;
	_ =	swait.ge [sflag:s28], $0x4000  }
0xbf: {  	s7 =	sshra.s32 s7, $0x2;
	[sflag:s28] =	ssyncset.done $0x0  }
0xc0: {  	s8 =	sadd.s32 $0x1380, s7;
	[sflag:s28] =	ssyncadd.s32 $0xFFFFC000  }
0xc1: {  	[tilespmem:s20], [sflag:$0x2] =	stream.indirect.gather [hbm4b:s4+s19], $0x80, s8, s19, $0xb8;
	[tilespmem:$0x1E800] =	vst v63  }
0xc2: {  	_ =	swait.ge [sflag:s21], $0x4000  }
0xc3: {  	[sflag:s21] =	ssyncset.done $0x0  }
0xc4: {  	s8 =	sadd.s32 $0x2700, s7;
	[sflag:s21] =	ssyncadd.s32 $0xFFFFC000  }
0xc5: {  	[spmem:s1] =	stream.indirect.scatter.add.bf16 [tilespmem:s16], [sflag:$0x3], $0x80, s8, s19, $0xb8;
	[tilespmem:$0x1E800] =	vst v63  }
0xc6: {  	_ =	swait.ge [sflag:s22], $0x4000  }
0xc7: {  	[sflag:s22] =	ssyncset.done $0x0  }
.Ltmp6:
0xc8: {  	s8 =	sadd.s32 $0x1400, s7;
	[sflag:s22] =	ssyncadd.s32 $0xFFFFC000;
	(pc) =	sbr.rel @!p1 .LBB2_5-.Ltmp6, $4  }
0xc9: {  	[tilespmem:s16], [sflag:$0x1] =	stream.indirect.gather [hbm4b:s4+s19], $0x80, s8, s19, $0xb8;
	[tilespmem:$0x1E800] =	vst v63  }
0xca: {  	_ =	swait.ge [sflag:s24], $0x4000  }
0xcb: {  	[sflag:s24] =	ssyncset.done $0x0  }
0xcc: {  	s7 =	sadd.s32 $0x2780, s7;
	[sflag:s24] =	ssyncadd.s32 $0xFFFFC000  }
.Ltmp7:
0xcd: {  	_ = 	snop;
	(pc) =	sbr.rel .LBB2_6-.Ltmp7, $1  }
0xce: {  	_ =	sdelay $0x3  }
.LBB2_11:
0xcf: {  	_ =	sfence.sel $0x180000  }
0xd0: {  	[bflag:$0x0] =	sbarrier.arrive $0xFFFF  }
0xd1: {  	_ =	strace $0x90000050  }
0xd2: {  	[bflag:$0x2] =	sbarrier.arrive $0xFFFF  }
0xd3: {  	p0 =	sne.s32 s2, $0x0;
	s0 =	rddreg [dreg:$0x2]  }
0xd4: {  	s0 =	sadd.s32 @!p0 $0x100000, s0  }
0xd5: {  	[sflag:s0] =	ssyncadd.tile.s32 @!p0 $0x1;
	_ =	shalt  }
.Lfunc_end2:
_tile_overlayer_lowered:
.L_overlay_start_2:
0xd6: {  	(tag) =	ssettag $0x2  }
0xd7: {  	s0 =	rddreg [dreg:$0x0];
	s2 =	stileid.u32  }
0xd8: {  	s1 =	rddreg [dreg:$0x1];
	p0 =	sne.s32 s2, $0x0  }
0xd9: {  	s3 =	rddreg [dreg:$0x2];
	[bflag:$0x3] =	sbarrier.arrive $0xFFFF;
	s2 =	simm.s32 @!p0 $0x1C05  }
0xda: {  	[timem:s3], [sflag:s2] =	dma.local @!p0 [hbm:s0], s1  }
0xdb: {  	s0 =	simm.s32 @!p0 $0x5  }
0xdc: {  	_ =	swait.ge @!p0 [sflag:s0], s1  }
0xdd: {  	s1 =	ssub.s32 @!p0 $0x0, s1;
	[sflag:s0] =	ssyncset.done @!p0 $0x0  }
0xde: {  	[sflag:s0] =	ssyncadd.s32 @!p0 s1  }
0xdf: {  	[bflag:$0x3] =	sbarrier.arrive $0xFFFF  }
0xe0: {  	_ =	shalt  }

</sc_bundles>
